<compile_context>
chip_gen: v7x
topology: tpu7x:2x2x1
jax: 0.10.2.dev20260603
libtpu: 0.0.44.dev20260713+nightly
codegen_flags: <defaults>
</compile_context>

<pallas_src>
import functools

import jax
import jax.numpy as jnp
from jax import lax
from jax.experimental import pallas as pl
from jax.experimental.pallas import tpu as pltpu, tpu_sc as plsc

N_NODES = 10000
N_EDGES = 160000
N_GRAPHS = 16
D_IN = 4
D_EDGE = 5
HID = 32

NC = 2
NS = 16
NW = NC * NS
CHUNK = 128
CHUNKS_PER_W = 40
EP = NW * CHUNKS_PER_W * CHUNK
E_PER_W = CHUNKS_PER_W * CHUNK
MSGW = 128
NP_ROWS = 10240
ROWS_PER_TILE = NP_ROWS // NS


def _leaky(v):
    return jnp.where(v >= 0, v, 0.1 * v)



_MESH = plsc.VectorSubcoreMesh(core_axis_name="c", subcore_axis_name="s")


LANES = 128


NBUF = 5
GROUPS = CHUNKS_PER_W // NBUF


@functools.partial(
    pl.kernel,
    out_type=jax.ShapeDtypeStruct((EP, LANES), jnp.float32),
    mesh=_MESH,
    scratch_types=[
        pltpu.VMEM((E_PER_W,), jnp.int32),
        pltpu.VMEM((NBUF, CHUNK, LANES), jnp.float32),
    ] + [pltpu.SemaphoreType.DMA] * (2 * NBUF),
)
def _sc_gather(h_hbm, src_hbm, u_hbm, idx_v, rows_v, *sems):
    gsems, ssems = sems[:NBUF], sems[NBUF:]
    wid = lax.axis_index("s") * NC + lax.axis_index("c")
    base = wid * E_PER_W
    pltpu.sync_copy(src_hbm.at[pl.ds(base, E_PER_W)], idx_v)

    def group(g, _):
        gh = [pltpu.async_copy(
                  h_hbm.at[idx_v.at[pl.ds((g * NBUF + b) * CHUNK, CHUNK)]],
                  rows_v.at[b], gsems[b])
              for b in range(NBUF)]
        sh = []
        for b in range(NBUF):
            gh[b].wait()
            off = base + (g * NBUF + b) * CHUNK
            sh.append(pltpu.async_copy(rows_v.at[b],
                                       u_hbm.at[pl.ds(off, CHUNK)], ssems[b]))
        for b in range(NBUF):
            sh[b].wait()
        return _

    lax.fori_loop(0, GROUPS, group, None)


@functools.partial(
    pl.kernel,
    out_type=jax.ShapeDtypeStruct((NC, NP_ROWS, MSGW), jnp.float32),
    mesh=_MESH,
    scratch_types=[
        pltpu.VMEM((CHUNKS_PER_W, CHUNK), jnp.int32),
        pltpu.VMEM((2, CHUNK, MSGW), jnp.float32),
        pltpu.VMEM_SHARED((NP_ROWS, MSGW), jnp.float32),
    ] + [pltpu.SemaphoreType.DMA] * 4,
)
def _sc_scatter(msg_hbm, dst3_hbm, zero_hbm, acc_hbm, idx_v, msg_v, shared, *sems):
    nb = 2
    lsems, scsems = sems[:nb], sems[nb:]
    cid = lax.axis_index("c")
    sid = lax.axis_index("s")
    wid = sid * NC + cid
    base = wid * E_PER_W
    row0 = sid * ROWS_PER_TILE

    pltpu.sync_copy(zero_hbm, shared.at[pl.ds(row0, ROWS_PER_TILE)])
    pltpu.sync_copy(dst3_hbm.at[wid], idx_v)
    plsc.subcore_barrier()

    def group(g, _):
        lh = [pltpu.async_copy(
                  msg_hbm.at[pl.ds(base + (g * nb + b) * CHUNK, CHUNK)],
                  msg_v.at[b], lsems[b])
              for b in range(nb)]
        sh = []
        for b in range(nb):
            lh[b].wait()
            sh.append(pltpu.async_copy(msg_v.at[b],
                                       shared.at[idx_v.at[g * nb + b]],
                                       scsems[b], add=True))
        for b in range(nb):
            sh[b].wait()
        return _

    lax.fori_loop(0, CHUNKS_PER_W // nb, group, None)
    plsc.subcore_barrier()
    pltpu.sync_copy(shared.at[pl.ds(row0, ROWS_PER_TILE)],
                    acc_hbm.at[cid, pl.ds(row0, ROWS_PER_TILE)])



def _tc_prep(x, Wp, bp):
    def body(x_ref, w_ref, b_ref, o_ref):
        h = _leaky(
            jnp.dot(x_ref[...], w_ref[...], preferred_element_type=jnp.float32)
            + b_ref[...])
        o_ref[...] = jnp.concatenate(
            [h, jnp.zeros((N_NODES, LANES - HID), jnp.float32)], axis=1)
    return pl.pallas_call(
        body, out_shape=jax.ShapeDtypeStruct((N_NODES, LANES), jnp.float32),
    )(x, Wp, bp)


def _tc_message(ea_p, u, W1, b1, W2, b2, W3r, B3, Te, Tu):
    BLK = 1024
    grid = EP // BLK

    def body(ea_ref, u_ref, w1_ref, b1_ref, w2_ref, b2_ref,
             w3_ref, b3_ref, te_ref, tu_ref, o_ref):
        e1 = _leaky(jnp.dot(ea_ref[...], w1_ref[...],
                            preferred_element_type=jnp.float32) + b1_ref[...])
        e2 = _leaky(jnp.dot(e1, w2_ref[...],
                            preferred_element_type=jnp.float32) + b2_ref[...])
        ub = u_ref[:, :HID]
        ze = jnp.dot(e2, te_ref[...], preferred_element_type=jnp.float32)
        zu = jnp.dot(ub, tu_ref[...], preferred_element_type=jnp.float32)
        z = ze * zu
        msg = (jnp.dot(z, w3_ref[...], preferred_element_type=jnp.float32)
               + jnp.dot(ub, b3_ref[...], preferred_element_type=jnp.float32))
        rows = (pl.program_id(0) * BLK
                + lax.broadcasted_iota(jnp.int32, (BLK, 1), 0))
        maskf = (rows < N_EDGES).astype(jnp.float32)
        o_ref[...] = jnp.concatenate(
            [msg * maskf, maskf, jnp.zeros((BLK, MSGW - HID - 1), jnp.float32)],
            axis=1)

    return pl.pallas_call(
        body,
        grid=(grid,),
        in_specs=[
            pl.BlockSpec((BLK, D_EDGE), lambda i: (i, 0)),
            pl.BlockSpec((BLK, LANES), lambda i: (i, 0)),
            pl.BlockSpec((D_EDGE, HID), lambda i: (0, 0)),
            pl.BlockSpec((1, HID), lambda i: (0, 0)),
            pl.BlockSpec((HID, HID), lambda i: (0, 0)),
            pl.BlockSpec((1, HID), lambda i: (0, 0)),
            pl.BlockSpec((HID * HID, HID), lambda i: (0, 0)),
            pl.BlockSpec((HID, HID), lambda i: (0, 0)),
            pl.BlockSpec((HID, HID * HID), lambda i: (0, 0)),
            pl.BlockSpec((HID, HID * HID), lambda i: (0, 0)),
        ],
        out_specs=pl.BlockSpec((BLK, MSGW), lambda i: (i, 0)),
        out_shape=jax.ShapeDtypeStruct((EP, MSGW), jnp.float32),
    )(ea_p, u, W1, b1, W2, b2, W3r, B3, Te, Tu)


def _tc_update(acc2, h128, root, root_b, ln_g, ln_b):
    def body(a_ref, h_ref, r_ref, rb_ref, g_ref, b_ref, o_ref):
        s = a_ref[0] + a_ref[1]
        deg = jnp.maximum(s[:, HID:HID + 1], 1.0)
        hb = h_ref[:, :HID]
        out = (s[:, :HID] / deg
               + jnp.dot(hb, r_ref[...], preferred_element_type=jnp.float32)
               + rb_ref[...])
        mu = jnp.mean(out, axis=-1, keepdims=True)
        var = jnp.mean((out - mu) ** 2, axis=-1, keepdims=True)
        out = (out - mu) / jnp.sqrt(var + 1e-5) * g_ref[...] + b_ref[...]
        o_ref[...] = jnp.concatenate(
            [_leaky(out) + hb, jnp.zeros((N_NODES, LANES - HID), jnp.float32)],
            axis=1)

    return pl.pallas_call(
        body, out_shape=jax.ShapeDtypeStruct((N_NODES, LANES), jnp.float32),
    )(acc2, h128, root, root_b, ln_g, ln_b)


def _tc_update_pool_head(acc2, h128, root, root_b, ln_g, ln_b,
                         batch2, W1, b1, W2, b2, W3, b3):
    def body(a_ref, h_ref, r_ref, rb_ref, g_ref, b_ref, bt_ref,
             w1_ref, b1_ref, w2_ref, b2_ref, w3_ref, b3_ref, o_ref):
        s = a_ref[0] + a_ref[1]
        deg = jnp.maximum(s[:, HID:HID + 1], 1.0)
        hb = h_ref[:, :HID]
        out = (s[:, :HID] / deg
               + jnp.dot(hb, r_ref[...], preferred_element_type=jnp.float32)
               + rb_ref[...])
        mu = jnp.mean(out, axis=-1, keepdims=True)
        var = jnp.mean((out - mu) ** 2, axis=-1, keepdims=True)
        out = (out - mu) / jnp.sqrt(var + 1e-5) * g_ref[...] + b_ref[...]
        hn = _leaky(out) + hb
        gids = lax.broadcasted_iota(jnp.int32, (N_GRAPHS, N_NODES), 0)
        mask = (bt_ref[...] == gids).astype(jnp.float32)
        cnt = jnp.maximum(jnp.sum(mask, axis=1, keepdims=True), 1.0)
        pooled = jnp.dot(mask, hn, preferred_element_type=jnp.float32) / cnt
        z = _leaky(jnp.dot(pooled, w1_ref[...],
                           preferred_element_type=jnp.float32) + b1_ref[...])
        z = _leaky(jnp.dot(z, w2_ref[...],
                           preferred_element_type=jnp.float32) + b2_ref[...])
        o_ref[...] = jnp.dot(z, w3_ref[...],
                             preferred_element_type=jnp.float32) + b3_ref[...]

    return pl.pallas_call(
        body, out_shape=jax.ShapeDtypeStruct((N_GRAPHS, 1), jnp.float32),
    )(acc2, h128, root, root_b, ln_g, ln_b, batch2, W1, b1, W2, b2, W3, b3)



def kernel(x, edge_index, edge_attr, batch, params):
    src = edge_index[0]
    dst = edge_index[1]
    src_p = jnp.pad(src, (0, EP - N_EDGES))
    dst3 = jnp.pad(dst, (0, EP - N_EDGES)).reshape(NW, CHUNKS_PER_W, CHUNK)
    ea_p = jnp.pad(edge_attr, ((0, EP - N_EDGES), (0, 0)))
    batch2 = batch.reshape(1, N_NODES)
    zero_rows = jnp.zeros((ROWS_PER_TILE, MSGW), jnp.float32)
    eye = jnp.eye(HID, dtype=jnp.float32)
    Te = jnp.repeat(eye, HID, axis=1)
    Tu = jnp.tile(eye, (1, HID))

    def r2(v):
        return v.reshape(1, -1)

    def msg_args(blk):
        return (blk["W1"], r2(blk["b1"]), blk["W2"], r2(blk["b2"]),
                blk["W3"].reshape(HID * HID, HID),
                blk["b3"].reshape(HID, HID), Te, Tu)

    hd = params["head"]
    blk0, blk1 = params["blocks"]
    h = _tc_prep(x, params["Wp"], r2(params["bp"]))
    u = _sc_gather(h, src_p)
    msgp = _tc_message(ea_p, u, *msg_args(blk0))
    acc2 = _sc_scatter(msgp, dst3, zero_rows)
    h = _tc_update(acc2[:, :N_NODES, :], h, blk0["root"], r2(blk0["root_b"]),
                   r2(blk0["ln_g"]), r2(blk0["ln_b"]))
    u = _sc_gather(h, src_p)
    msgp = _tc_message(ea_p, u, *msg_args(blk1))
    acc2 = _sc_scatter(msgp, dst3, zero_rows)
    pred = _tc_update_pool_head(
        acc2[:, :N_NODES, :], h, blk1["root"], r2(blk1["root_b"]),
        r2(blk1["ln_g"]), r2(blk1["ln_b"]), batch2,
        hd["W1"], r2(hd["b1"]), hd["W2"], r2(hd["b2"]), hd["W3"], r2(hd["b3"]))
    return pred.reshape(N_GRAPHS)

# --- scband reference (transcript-rebuilt; emitter-appended) ---
"""Pipeline reference for scband-cosmic-net-gnn-4123168604820 (READ-ONLY COPY).

The authoritative reference and input builder live on the scoring server;
editing this copy changes nothing except your own understanding.
"""

import jax, jax.numpy as jnp
import numpy as np

N_NODES = 10000
N_EDGES = 160000
N_GRAPHS = 16
D_IN = 4
D_EDGE = 5
HID = 32
OUT = 32
NUM_LAYERS = 2


def _leaky(x):
    return jnp.where(x >= 0, x, 0.1 * x)


def _layer_norm(h, g, b):
    mu = jnp.mean(h, axis=-1, keepdims=True)
    var = jnp.var(h, axis=-1, keepdims=True)
    return (h - mu) / jnp.sqrt(var + 1e-5) * g + b


def _init_linear(key, fan_in, fan_out):
    k1, k2 = jax.random.split(key)
    lim = 1.0 / np.sqrt(fan_in)
    W = jax.random.uniform(k1, (fan_in, fan_out), jnp.float32, -lim, lim)
    b = jax.random.uniform(k2, (fan_out,), jnp.float32, -lim, lim)
    return W, b


def setup_inputs(seed: int = 0):
    key = jax.random.key(seed)
    ks = jax.random.split(key, 64)
    x = jax.random.normal(ks[0], (N_NODES, D_IN), jnp.float32)
    edge_index = jax.random.randint(ks[1], (2, N_EDGES), 0, N_NODES, jnp.int32)
    edge_attr = jax.random.normal(ks[2], (N_EDGES, D_EDGE), jnp.float32)
    batch = jnp.sort(jax.random.randint(ks[3], (N_NODES,), 0, N_GRAPHS, jnp.int32))
    kidx = 4
    Wp, bp = _init_linear(ks[kidx], D_IN, HID); kidx += 1
    blocks = []
    for i in range(NUM_LAYERS):
        in_c = HID
        out_c = HID if i < NUM_LAYERS - 1 else OUT
        W1, b1 = _init_linear(ks[kidx], D_EDGE, HID); kidx += 1
        W2, b2 = _init_linear(ks[kidx], HID, HID); kidx += 1
        W3, b3 = _init_linear(ks[kidx], HID, in_c * out_c); kidx += 1
        root, root_b = _init_linear(ks[kidx], in_c, out_c); kidx += 1
        blocks.append({"W1": W1, "b1": b1, "W2": W2, "b2": b2,
                       "W3": W3, "b3": b3, "root": root, "root_b": root_b,
                       "ln_g": jnp.ones((out_c,), jnp.float32),
                       "ln_b": jnp.zeros((out_c,), jnp.float32)})
    Wh1, bh1 = _init_linear(ks[kidx], OUT, HID); kidx += 1
    Wh2, bh2 = _init_linear(ks[kidx], HID, HID // 2); kidx += 1
    Wh3, bh3 = _init_linear(ks[kidx], HID // 2, 1); kidx += 1
    params = {"Wp": Wp, "bp": bp, "blocks": blocks,
              "head": {"W1": Wh1, "b1": bh1, "W2": Wh2, "b2": bh2, "W3": Wh3, "b3": bh3}}
    return {"x": x, "edge_index": edge_index, "edge_attr": edge_attr,
            "batch": batch, "params": params}


def reference(x, edge_index, edge_attr, batch, params):
    # Faithful eval-mode forward of CosmicNetGNN (dropout = identity).
    src = edge_index[0]
    dst = edge_index[1]
    ones_e = jnp.ones((edge_index.shape[1],), jnp.float32)
    deg = jnp.maximum(jax.ops.segment_sum(ones_e, dst, num_segments=N_NODES), 1.0)
    # input projection
    h = _leaky(x @ params["Wp"] + params["bp"])
    for blk in params["blocks"]:
        in_c = blk["root"].shape[0]
        out_c = blk["root"].shape[1]
        # EdgeMLP -> per-edge weight matrix [E, in_c*out_c]
        e = _leaky(edge_attr @ blk["W1"] + blk["b1"])
        e = _leaky(e @ blk["W2"] + blk["b2"])
        w = e @ blk["W3"] + blk["b3"]
        W_e = w.reshape(-1, in_c, out_c)
        # NNConv message: m_ij = x_j @ W_e(e_ij), mean aggregation to dst
        msg = jnp.einsum('ei,eio->eo', h[src], W_e)
        aggr = jax.ops.segment_sum(msg, dst, num_segments=N_NODES) / deg[:, None]
        out = aggr + h @ blk["root"] + blk["root_b"]
        out = _layer_norm(out, blk["ln_g"], blk["ln_b"])
        out = _leaky(out)
        out = out + h  # residual (in_c == out_c)
        h = out
    # global mean pool per graph
    pooled = jax.ops.segment_sum(h, batch, num_segments=N_GRAPHS)
    cnt = jnp.maximum(jax.ops.segment_sum(jnp.ones((N_NODES,), jnp.float32), batch, num_segments=N_GRAPHS), 1.0)
    pooled = pooled / cnt[:, None]
    hd = params["head"]
    z = _leaky(pooled @ hd["W1"] + hd["b1"])
    z = _leaky(z @ hd["W2"] + hd["b2"])
    pred = z @ hd["W3"] + hd["b3"]
    return pred.squeeze(-1)

if __name__ == "__main__":
    import jax
    _d = setup_inputs()
    print(jax.jit(kernel)(*tuple(_d.values())))

</pallas_src>

<mosaic_0001>
#map = affine_map<(d0, d1) -> (0, 0)>
#map1 = affine_map<(d0, d1) -> (0, 0, 0)>
module attributes {stable_mosaic.version = 14 : i64} {
  func.func @_sc_scatter(%arg0: i32, %arg1: i32, %arg2: memref<163840x128xf32, #tpu.memory_space<hbm>>, %arg3: memref<32x40x128xi32, #tpu.memory_space<hbm>>, %arg4: memref<640x128xf32, #tpu.memory_space<hbm>>, %arg5: memref<2x10240x128xf32, #tpu.memory_space<hbm>>, %arg6: memref<40x128xi32, #tpu.memory_space<vmem>>, %arg7: memref<2x128x128xf32, #tpu.memory_space<vmem>>, %arg8: memref<10240x128xf32, #tpu.memory_space<vmem_shared>>, %arg9: memref<!tpu.dma_semaphore, #tpu.memory_space<semaphore_mem>>, %arg10: memref<!tpu.dma_semaphore, #tpu.memory_space<semaphore_mem>>, %arg11: memref<!tpu.dma_semaphore, #tpu.memory_space<semaphore_mem>>, %arg12: memref<!tpu.dma_semaphore, #tpu.memory_space<semaphore_mem>>) attributes {dimension_semantics = [#tpu.dimension_semantics<core_parallel>, #tpu.dimension_semantics<subcore_parallel>], iteration_bounds = array<i64: 2, 16>, scalar_prefetch = 0 : i64, scratch_operands = 7 : i64, tpu.core_type = #tpu.core_type<sc_vector_subcore>, window_params = [{transform_indices = #map}, {transform_indices = #map1}, {transform_indices = #map}, {transform_indices = #map1}]} {
    %mul3A = arith.constant 2 : i32
    %mul3A_0 = arith.muli %arg1, %mul3A : i32
    %add3A = arith.addi %mul3A_0, %arg0 : i32
    %mul3A_1 = arith.constant 5120 : i32
    %mul3A_2 = arith.muli %add3A, %mul3A_1 : i32
    %mul3A_3 = arith.constant 640 : i32
    %mul3A_4 = arith.muli %arg1, %mul3A_3 : i32
    "tpu.region"() ({
      %run_scoped3A = tpu.sem_alloc : memref<!tpu.dma_semaphore, #tpu.memory_space<semaphore_mem>>
      %dma_start3A = arith.constant 0 : i32
      %dma_start3A_10 = tpu.memref_slice %arg8[%mul3A_4, %dma_start3A] : memref<10240x128xf32, #tpu.memory_space<vmem_shared>> -> memref<640x128xf32, #tpu.memory_space<vmem_shared>>
      tpu.enqueue_dma source(%arg4 : memref<640x128xf32, #tpu.memory_space<hbm>>) target(%dma_start3A_10 : memref<640x128xf32, #tpu.memory_space<vmem_shared>>) target_semaphore(%run_scoped3A : memref<!tpu.dma_semaphore, #tpu.memory_space<semaphore_mem>>)
      %dma_wait3A = arith.constant 0 : i32
      %dma_wait3A_11 = tpu.memref_slice %arg8[%mul3A_4, %dma_wait3A] : memref<10240x128xf32, #tpu.memory_space<vmem_shared>> -> memref<640x128xf32, #tpu.memory_space<vmem_shared>>
      tpu.wait_dma2 semaphore(%run_scoped3A : memref<!tpu.dma_semaphore, #tpu.memory_space<semaphore_mem>>) src(%arg4 : memref<640x128xf32, #tpu.memory_space<hbm>>) dst(%dma_wait3A_11 : memref<640x128xf32, #tpu.memory_space<vmem_shared>>)
      tpu.yield
    }) : () -> ()
    "tpu.region"() ({
      %run_scoped3A = tpu.sem_alloc : memref<!tpu.dma_semaphore, #tpu.memory_space<semaphore_mem>>
      %dma_start3A = arith.constant 0 : i32
      %dma_start3A_10 = arith.constant 0 : i32
      %dma_start3A_11 = tpu.memref_slice %arg3[%add3A, %dma_start3A, %dma_start3A_10] : memref<32x40x128xi32, #tpu.memory_space<hbm>> -> memref<1x40x128xi32, #tpu.memory_space<hbm>>
      %dma_start3A_12 = tpu.memref_squeeze %dma_start3A_11 : memref<1x40x128xi32, #tpu.memory_space<hbm>> -> memref<40x128xi32, #tpu.memory_space<hbm>>
      %dma_start3A_13 = arith.constant 0 : i32
      %dma_start3A_14 = arith.constant 0 : i32
      %dma_start3A_15 = tpu.memref_slice %arg3[%add3A, %dma_start3A_13, %dma_start3A_14] : memref<32x40x128xi32, #tpu.memory_space<hbm>> -> memref<1x40x128xi32, #tpu.memory_space<hbm>>
      %dma_start3A_16 = tpu.memref_squeeze %dma_start3A_15 : memref<1x40x128xi32, #tpu.memory_space<hbm>> -> memref<40x128xi32, #tpu.memory_space<hbm>>
      tpu.enqueue_dma source(%dma_start3A_16 : memref<40x128xi32, #tpu.memory_space<hbm>>) target(%arg6 : memref<40x128xi32, #tpu.memory_space<vmem>>) target_semaphore(%run_scoped3A : memref<!tpu.dma_semaphore, #tpu.memory_space<semaphore_mem>>)
      %dma_wait3A = arith.constant 0 : i32
      %dma_wait3A_17 = arith.constant 0 : i32
      %dma_wait3A_18 = tpu.memref_slice %arg3[%add3A, %dma_wait3A, %dma_wait3A_17] : memref<32x40x128xi32, #tpu.memory_space<hbm>> -> memref<1x40x128xi32, #tpu.memory_space<hbm>>
      %dma_wait3A_19 = tpu.memref_squeeze %dma_wait3A_18 : memref<1x40x128xi32, #tpu.memory_space<hbm>> -> memref<40x128xi32, #tpu.memory_space<hbm>>
      %dma_wait3A_20 = arith.constant 0 : i32
      %dma_wait3A_21 = arith.constant 0 : i32
      %dma_wait3A_22 = tpu.memref_slice %arg3[%add3A, %dma_wait3A_20, %dma_wait3A_21] : memref<32x40x128xi32, #tpu.memory_space<hbm>> -> memref<1x40x128xi32, #tpu.memory_space<hbm>>
      %dma_wait3A_23 = tpu.memref_squeeze %dma_wait3A_22 : memref<1x40x128xi32, #tpu.memory_space<hbm>> -> memref<40x128xi32, #tpu.memory_space<hbm>>
      tpu.wait_dma2 semaphore(%run_scoped3A : memref<!tpu.dma_semaphore, #tpu.memory_space<semaphore_mem>>) src(%dma_wait3A_23 : memref<40x128xi32, #tpu.memory_space<hbm>>) dst(%arg6 : memref<40x128xi32, #tpu.memory_space<vmem>>)
      tpu.yield
    }) : () -> ()
    %barrier3A = arith.constant 0 : index
    tpu.barrier barrier_id(%barrier3A)
    %scan3A = arith.constant 0 : i32
    %scan3A_5 = arith.constant 20 : i32
    %scan3A_6 = arith.addi %scan3A, %scan3A_5 : i32
    %scan3A_7 = arith.constant 1 : i32
    scf.for %scan3A_10 = %scan3A to %scan3A_6 step %scan3A_7  : i32 {
      %mul3A_11 = arith.constant 2 : i32
      %mul3A_12 = arith.muli %scan3A_10, %mul3A_11 : i32
      %add3A_13 = arith.constant 0 : i32
      %add3A_14 = arith.addi %mul3A_12, %add3A_13 : i32
      %mul3A_15 = arith.constant 128 : i32
      %mul3A_16 = arith.muli %add3A_14, %mul3A_15 : i32
      %add3A_17 = arith.addi %mul3A_2, %mul3A_16 : i32
      %dma_start3A = arith.constant 0 : i32
      %dma_start3A_18 = arith.constant 0 : i32
      %dma_start3A_19 = arith.constant 0 : i32
      %dma_start3A_20 = tpu.memref_slice %arg7[%dma_start3A, %dma_start3A_18, %dma_start3A_19] : memref<2x128x128xf32, #tpu.memory_space<vmem>> -> memref<1x128x128xf32, #tpu.memory_space<vmem>>
      %dma_start3A_21 = tpu.memref_squeeze %dma_start3A_20 : memref<1x128x128xf32, #tpu.memory_space<vmem>> -> memref<128x128xf32, #tpu.memory_space<vmem>>
      %dma_start3A_22 = arith.constant 0 : i32
      %dma_start3A_23 = tpu.memref_slice %arg2[%add3A_17, %dma_start3A_22] : memref<163840x128xf32, #tpu.memory_space<hbm>> -> memref<128x128xf32, #tpu.memory_space<hbm>>
      %dma_start3A_24 = arith.constant 0 : i32
      %dma_start3A_25 = arith.constant 0 : i32
      %dma_start3A_26 = tpu.memref_slice %arg7[%dma_start3A, %dma_start3A_24, %dma_start3A_25] : memref<2x128x128xf32, #tpu.memory_space<vmem>> -> memref<1x128x128xf32, #tpu.memory_space<vmem>>
      %dma_start3A_27 = tpu.memref_squeeze %dma_start3A_26 : memref<1x128x128xf32, #tpu.memory_space<vmem>> -> memref<128x128xf32, #tpu.memory_space<vmem>>
      %dma_start3A_28 = arith.constant 0 : i32
      %dma_start3A_29 = tpu.memref_slice %arg2[%add3A_17, %dma_start3A_28] : memref<163840x128xf32, #tpu.memory_space<hbm>> -> memref<128x128xf32, #tpu.memory_space<hbm>>
      tpu.enqueue_dma source(%dma_start3A_29 : memref<128x128xf32, #tpu.memory_space<hbm>>) target(%dma_start3A_27 : memref<128x128xf32, #tpu.memory_space<vmem>>) target_semaphore(%arg9 : memref<!tpu.dma_semaphore, #tpu.memory_space<semaphore_mem>>)
      %mul3A_30 = arith.constant 2 : i32
      %mul3A_31 = arith.muli %scan3A_10, %mul3A_30 : i32
      %add3A_32 = arith.constant 1 : i32
      %add3A_33 = arith.addi %mul3A_31, %add3A_32 : i32
      %mul3A_34 = arith.constant 128 : i32
      %mul3A_35 = arith.muli %add3A_33, %mul3A_34 : i32
      %add3A_36 = arith.addi %mul3A_2, %mul3A_35 : i32
      %dma_start3A_37 = arith.constant 1 : i32
      %dma_start3A_38 = arith.constant 0 : i32
      %dma_start3A_39 = arith.constant 0 : i32
      %dma_start3A_40 = tpu.memref_slice %arg7[%dma_start3A_37, %dma_start3A_38, %dma_start3A_39] : memref<2x128x128xf32, #tpu.memory_space<vmem>> -> memref<1x128x128xf32, #tpu.memory_space<vmem>>
      %dma_start3A_41 = tpu.memref_squeeze %dma_start3A_40 : memref<1x128x128xf32, #tpu.memory_space<vmem>> -> memref<128x128xf32, #tpu.memory_space<vmem>>
      %dma_start3A_42 = arith.constant 0 : i32
      %dma_start3A_43 = tpu.memref_slice %arg2[%add3A_36, %dma_start3A_42] : memref<163840x128xf32, #tpu.memory_space<hbm>> -> memref<128x128xf32, #tpu.memory_space<hbm>>
      %dma_start3A_44 = arith.constant 0 : i32
      %dma_start3A_45 = arith.constant 0 : i32
      %dma_start3A_46 = tpu.memref_slice %arg7[%dma_start3A_37, %dma_start3A_44, %dma_start3A_45] : memref<2x128x128xf32, #tpu.memory_space<vmem>> -> memref<1x128x128xf32, #tpu.memory_space<vmem>>
      %dma_start3A_47 = tpu.memref_squeeze %dma_start3A_46 : memref<1x128x128xf32, #tpu.memory_space<vmem>> -> memref<128x128xf32, #tpu.memory_space<vmem>>
      %dma_start3A_48 = arith.constant 0 : i32
      %dma_start3A_49 = tpu.memref_slice %arg2[%add3A_36, %dma_start3A_48] : memref<163840x128xf32, #tpu.memory_space<hbm>> -> memref<128x128xf32, #tpu.memory_space<hbm>>
      tpu.enqueue_dma source(%dma_start3A_49 : memref<128x128xf32, #tpu.memory_space<hbm>>) target(%dma_start3A_47 : memref<128x128xf32, #tpu.memory_space<vmem>>) target_semaphore(%arg10 : memref<!tpu.dma_semaphore, #tpu.memory_space<semaphore_mem>>)
      %dma_wait3A = arith.constant 0 : i32
      %dma_wait3A_50 = arith.constant 0 : i32
      %dma_wait3A_51 = arith.constant 0 : i32
      %dma_wait3A_52 = tpu.memref_slice %arg7[%dma_wait3A, %dma_wait3A_50, %dma_wait3A_51] : memref<2x128x128xf32, #tpu.memory_space<vmem>> -> memref<1x128x128xf32, #tpu.memory_space<vmem>>
      %dma_wait3A_53 = tpu.memref_squeeze %dma_wait3A_52 : memref<1x128x128xf32, #tpu.memory_space<vmem>> -> memref<128x128xf32, #tpu.memory_space<vmem>>
      %dma_wait3A_54 = arith.constant 0 : i32
      %dma_wait3A_55 = tpu.memref_slice %arg2[%add3A_17, %dma_wait3A_54] : memref<163840x128xf32, #tpu.memory_space<hbm>> -> memref<128x128xf32, #tpu.memory_space<hbm>>
      %dma_wait3A_56 = arith.constant 0 : i32
      %dma_wait3A_57 = arith.constant 0 : i32
      %dma_wait3A_58 = tpu.memref_slice %arg7[%dma_wait3A, %dma_wait3A_56, %dma_wait3A_57] : memref<2x128x128xf32, #tpu.memory_space<vmem>> -> memref<1x128x128xf32, #tpu.memory_space<vmem>>
      %dma_wait3A_59 = tpu.memref_squeeze %dma_wait3A_58 : memref<1x128x128xf32, #tpu.memory_space<vmem>> -> memref<128x128xf32, #tpu.memory_space<vmem>>
      %dma_wait3A_60 = arith.constant 0 : i32
      %dma_wait3A_61 = tpu.memref_slice %arg2[%add3A_17, %dma_wait3A_60] : memref<163840x128xf32, #tpu.memory_space<hbm>> -> memref<128x128xf32, #tpu.memory_space<hbm>>
      tpu.wait_dma2 semaphore(%arg9 : memref<!tpu.dma_semaphore, #tpu.memory_space<semaphore_mem>>) src(%dma_wait3A_61 : memref<128x128xf32, #tpu.memory_space<hbm>>) dst(%dma_wait3A_59 : memref<128x128xf32, #tpu.memory_space<vmem>>)
      %mul3A_62 = arith.constant 2 : i32
      %mul3A_63 = arith.muli %scan3A_10, %mul3A_62 : i32
      %add3A_64 = arith.constant 0 : i32
      %add3A_65 = arith.addi %mul3A_63, %add3A_64 : i32
      %dma_start3A_66 = arith.constant 0 : i32
      %dma_start3A_67 = arith.constant 0 : i32
      %dma_start3A_68 = arith.constant 0 : i32
      %dma_start3A_69 = tpu.memref_slice %arg7[%dma_start3A_66, %dma_start3A_67, %dma_start3A_68] : memref<2x128x128xf32, #tpu.memory_space<vmem>> -> memref<1x128x128xf32, #tpu.memory_space<vmem>>
      %dma_start3A_70 = tpu.memref_squeeze %dma_start3A_69 : memref<1x128x128xf32, #tpu.memory_space<vmem>> -> memref<128x128xf32, #tpu.memory_space<vmem>>
      %dma_start3A_71 = arith.constant 0 : i32
      %dma_start3A_72 = tpu.memref_slice %arg6[%add3A_65, %dma_start3A_71] : memref<40x128xi32, #tpu.memory_space<vmem>> -> memref<1x128xi32, #tpu.memory_space<vmem>>
      %dma_start3A_73 = tpu.memref_squeeze %dma_start3A_72 : memref<1x128xi32, #tpu.memory_space<vmem>> -> memref<128xi32, #tpu.memory_space<vmem>>
      %dma_start3A_74 = arith.constant 0 : i32
      %dma_start3A_75 = arith.constant 0 : i32
      %dma_start3A_76 = tpu.memref_slice %arg8[%dma_start3A_74, %dma_start3A_75] : memref<10240x128xf32, #tpu.memory_space<vmem_shared>> -> memref<10240x128xf32, #tpu.memory_space<vmem_shared>>
      tpu.enqueue_indirect_dma source(%dma_start3A_70 : memref<128x128xf32, #tpu.memory_space<vmem>>) target(%dma_start3A_76 : memref<10240x128xf32, #tpu.memory_space<vmem_shared>>) offsets(%dma_start3A_73 : memref<128xi32, #tpu.memory_space<vmem>>) semaphore(%arg11 : memref<!tpu.dma_semaphore, #tpu.memory_space<semaphore_mem>>) {add = true}
      %dma_wait3A_77 = arith.constant 1 : i32
      %dma_wait3A_78 = arith.constant 0 : i32
      %dma_wait3A_79 = arith.constant 0 : i32
      %dma_wait3A_80 = tpu.memref_slice %arg7[%dma_wait3A_77, %dma_wait3A_78, %dma_wait3A_79] : memref<2x128x128xf32, #tpu.memory_space<vmem>> -> memref<1x128x128xf32, #tpu.memory_space<vmem>>
      %dma_wait3A_81 = tpu.memref_squeeze %dma_wait3A_80 : memref<1x128x128xf32, #tpu.memory_space<vmem>> -> memref<128x128xf32, #tpu.memory_space<vmem>>
      %dma_wait3A_82 = arith.constant 0 : i32
      %dma_wait3A_83 = tpu.memref_slice %arg2[%add3A_36, %dma_wait3A_82] : memref<163840x128xf32, #tpu.memory_space<hbm>> -> memref<128x128xf32, #tpu.memory_space<hbm>>
      %dma_wait3A_84 = arith.constant 0 : i32
      %dma_wait3A_85 = arith.constant 0 : i32
      %dma_wait3A_86 = tpu.memref_slice %arg7[%dma_wait3A_77, %dma_wait3A_84, %dma_wait3A_85] : memref<2x128x128xf32, #tpu.memory_space<vmem>> -> memref<1x128x128xf32, #tpu.memory_space<vmem>>
      %dma_wait3A_87 = tpu.memref_squeeze %dma_wait3A_86 : memref<1x128x128xf32, #tpu.memory_space<vmem>> -> memref<128x128xf32, #tpu.memory_space<vmem>>
      %dma_wait3A_88 = arith.constant 0 : i32
      %dma_wait3A_89 = tpu.memref_slice %arg2[%add3A_36, %dma_wait3A_88] : memref<163840x128xf32, #tpu.memory_space<hbm>> -> memref<128x128xf32, #tpu.memory_space<hbm>>
      tpu.wait_dma2 semaphore(%arg10 : memref<!tpu.dma_semaphore, #tpu.memory_space<semaphore_mem>>) src(%dma_wait3A_89 : memref<128x128xf32, #tpu.memory_space<hbm>>) dst(%dma_wait3A_87 : memref<128x128xf32, #tpu.memory_space<vmem>>)
      %mul3A_90 = arith.constant 2 : i32
      %mul3A_91 = arith.muli %scan3A_10, %mul3A_90 : i32
      %add3A_92 = arith.constant 1 : i32
      %add3A_93 = arith.addi %mul3A_91, %add3A_92 : i32
      %dma_start3A_94 = arith.constant 1 : i32
      %dma_start3A_95 = arith.constant 0 : i32
      %dma_start3A_96 = arith.constant 0 : i32
      %dma_start3A_97 = tpu.memref_slice %arg7[%dma_start3A_94, %dma_start3A_95, %dma_start3A_96] : memref<2x128x128xf32, #tpu.memory_space<vmem>> -> memref<1x128x128xf32, #tpu.memory_space<vmem>>
      %dma_start3A_98 = tpu.memref_squeeze %dma_start3A_97 : memref<1x128x128xf32, #tpu.memory_space<vmem>> -> memref<128x128xf32, #tpu.memory_space<vmem>>
      %dma_start3A_99 = arith.constant 0 : i32
      %dma_start3A_100 = tpu.memref_slice %arg6[%add3A_93, %dma_start3A_99] : memref<40x128xi32, #tpu.memory_space<vmem>> -> memref<1x128xi32, #tpu.memory_space<vmem>>
      %dma_start3A_101 = tpu.memref_squeeze %dma_start3A_100 : memref<1x128xi32, #tpu.memory_space<vmem>> -> memref<128xi32, #tpu.memory_space<vmem>>
      %dma_start3A_102 = arith.constant 0 : i32
      %dma_start3A_103 = arith.constant 0 : i32
      %dma_start3A_104 = tpu.memref_slice %arg8[%dma_start3A_102, %dma_start3A_103] : memref<10240x128xf32, #tpu.memory_space<vmem_shared>> -> memref<10240x128xf32, #tpu.memory_space<vmem_shared>>
      tpu.enqueue_indirect_dma source(%dma_start3A_98 : memref<128x128xf32, #tpu.memory_space<vmem>>) target(%dma_start3A_104 : memref<10240x128xf32, #tpu.memory_space<vmem_shared>>) offsets(%dma_start3A_101 : memref<128xi32, #tpu.memory_space<vmem>>) semaphore(%arg12 : memref<!tpu.dma_semaphore, #tpu.memory_space<semaphore_mem>>) {add = true}
      %dma_wait3A_105 = arith.constant 0 : i32
      %dma_wait3A_106 = arith.constant 0 : i32
      %dma_wait3A_107 = arith.constant 0 : i32
      %dma_wait3A_108 = tpu.memref_slice %arg7[%dma_wait3A_105, %dma_wait3A_106, %dma_wait3A_107] : memref<2x128x128xf32, #tpu.memory_space<vmem>> -> memref<1x128x128xf32, #tpu.memory_space<vmem>>
      %dma_wait3A_109 = tpu.memref_squeeze %dma_wait3A_108 : memref<1x128x128xf32, #tpu.memory_space<vmem>> -> memref<128x128xf32, #tpu.memory_space<vmem>>
      %dma_wait3A_110 = arith.constant 0 : i32
      %dma_wait3A_111 = tpu.memref_slice %arg6[%add3A_65, %dma_wait3A_110] : memref<40x128xi32, #tpu.memory_space<vmem>> -> memref<1x128xi32, #tpu.memory_space<vmem>>
      %dma_wait3A_112 = tpu.memref_squeeze %dma_wait3A_111 : memref<1x128xi32, #tpu.memory_space<vmem>> -> memref<128xi32, #tpu.memory_space<vmem>>
      %dma_wait3A_113 = arith.constant 0 : i32
      %dma_wait3A_114 = arith.constant 0 : i32
      %dma_wait3A_115 = tpu.memref_slice %arg8[%dma_wait3A_113, %dma_wait3A_114] : memref<10240x128xf32, #tpu.memory_space<vmem_shared>> -> memref<10240x128xf32, #tpu.memory_space<vmem_shared>>
      tpu.wait_indirect_dma semaphore(%arg11 : memref<!tpu.dma_semaphore, #tpu.memory_space<semaphore_mem>>) src(%dma_wait3A_109 : memref<128x128xf32, #tpu.memory_space<vmem>>) dst(%dma_wait3A_115 : memref<10240x128xf32, #tpu.memory_space<vmem_shared>>)
      %dma_wait3A_116 = arith.constant 1 : i32
      %dma_wait3A_117 = arith.constant 0 : i32
      %dma_wait3A_118 = arith.constant 0 : i32
      %dma_wait3A_119 = tpu.memref_slice %arg7[%dma_wait3A_116, %dma_wait3A_117, %dma_wait3A_118] : memref<2x128x128xf32, #tpu.memory_space<vmem>> -> memref<1x128x128xf32, #tpu.memory_space<vmem>>
      %dma_wait3A_120 = tpu.memref_squeeze %dma_wait3A_119 : memref<1x128x128xf32, #tpu.memory_space<vmem>> -> memref<128x128xf32, #tpu.memory_space<vmem>>
      %dma_wait3A_121 = arith.constant 0 : i32
      %dma_wait3A_122 = tpu.memref_slice %arg6[%add3A_93, %dma_wait3A_121] : memref<40x128xi32, #tpu.memory_space<vmem>> -> memref<1x128xi32, #tpu.memory_space<vmem>>
      %dma_wait3A_123 = tpu.memref_squeeze %dma_wait3A_122 : memref<1x128xi32, #tpu.memory_space<vmem>> -> memref<128xi32, #tpu.memory_space<vmem>>
      %dma_wait3A_124 = arith.constant 0 : i32
      %dma_wait3A_125 = arith.constant 0 : i32
      %dma_wait3A_126 = tpu.memref_slice %arg8[%dma_wait3A_124, %dma_wait3A_125] : memref<10240x128xf32, #tpu.memory_space<vmem_shared>> -> memref<10240x128xf32, #tpu.memory_space<vmem_shared>>
      tpu.wait_indirect_dma semaphore(%arg12 : memref<!tpu.dma_semaphore, #tpu.memory_space<semaphore_mem>>) src(%dma_wait3A_120 : memref<128x128xf32, #tpu.memory_space<vmem>>) dst(%dma_wait3A_126 : memref<10240x128xf32, #tpu.memory_space<vmem_shared>>)
    }
    %scan3A_8 = arith.constant 20 : i32
    %barrier3A_9 = arith.constant 0 : index
    tpu.barrier barrier_id(%barrier3A_9)
    "tpu.region"() ({
      %run_scoped3A = tpu.sem_alloc : memref<!tpu.dma_semaphore, #tpu.memory_space<semaphore_mem>>
      %dma_start3A = arith.constant 0 : i32
      %dma_start3A_10 = tpu.memref_slice %arg5[%arg0, %mul3A_4, %dma_start3A] : memref<2x10240x128xf32, #tpu.memory_space<hbm>> -> memref<1x640x128xf32, #tpu.memory_space<hbm>>
      %dma_start3A_11 = tpu.memref_squeeze %dma_start3A_10 : memref<1x640x128xf32, #tpu.memory_space<hbm>> -> memref<640x128xf32, #tpu.memory_space<hbm>>
      %dma_start3A_12 = arith.constant 0 : i32
      %dma_start3A_13 = tpu.memref_slice %arg8[%mul3A_4, %dma_start3A_12] : memref<10240x128xf32, #tpu.memory_space<vmem_shared>> -> memref<640x128xf32, #tpu.memory_space<vmem_shared>>
      tpu.enqueue_dma source(%dma_start3A_13 : memref<640x128xf32, #tpu.memory_space<vmem_shared>>) target(%dma_start3A_11 : memref<640x128xf32, #tpu.memory_space<hbm>>) target_semaphore(%run_scoped3A : memref<!tpu.dma_semaphore, #tpu.memory_space<semaphore_mem>>)
      %dma_wait3A = arith.constant 0 : i32
      %dma_wait3A_14 = tpu.memref_slice %arg5[%arg0, %mul3A_4, %dma_wait3A] : memref<2x10240x128xf32, #tpu.memory_space<hbm>> -> memref<1x640x128xf32, #tpu.memory_space<hbm>>
      %dma_wait3A_15 = tpu.memref_squeeze %dma_wait3A_14 : memref<1x640x128xf32, #tpu.memory_space<hbm>> -> memref<640x128xf32, #tpu.memory_space<hbm>>
      %dma_wait3A_16 = arith.constant 0 : i32
      %dma_wait3A_17 = tpu.memref_slice %arg8[%mul3A_4, %dma_wait3A_16] : memref<10240x128xf32, #tpu.memory_space<vmem_shared>> -> memref<640x128xf32, #tpu.memory_space<vmem_shared>>
      tpu.wait_dma2 semaphore(%run_scoped3A : memref<!tpu.dma_semaphore, #tpu.memory_space<semaphore_mem>>) src(%dma_wait3A_17 : memref<640x128xf32, #tpu.memory_space<vmem_shared>>) dst(%dma_wait3A_15 : memref<640x128xf32, #tpu.memory_space<hbm>>)
      tpu.yield
    }) : () -> ()
    return
  }
}

#map = affine_map<(d0, d1) -> (0, 0)>
#map1 = affine_map<(d0, d1) -> (0, 0, 0)>
module attributes {stable_mosaic.version = 14 : i64} {
  func.func @_sc_scatter(%arg0: i32, %arg1: i32, %arg2: memref<163840x128xf32, #tpu.memory_space<hbm>>, %arg3: memref<32x40x128xi32, #tpu.memory_space<hbm>>, %arg4: memref<640x128xf32, #tpu.memory_space<hbm>>, %arg5: memref<2x10240x128xf32, #tpu.memory_space<hbm>>, %arg6: memref<40x128xi32, #tpu.memory_space<vmem>>, %arg7: memref<2x128x128xf32, #tpu.memory_space<vmem>>, %arg8: memref<10240x128xf32, #tpu.memory_space<vmem_shared>>, %arg9: memref<!tpu.dma_semaphore, #tpu.memory_space<semaphore_mem>>, %arg10: memref<!tpu.dma_semaphore, #tpu.memory_space<semaphore_mem>>, %arg11: memref<!tpu.dma_semaphore, #tpu.memory_space<semaphore_mem>>, %arg12: memref<!tpu.dma_semaphore, #tpu.memory_space<semaphore_mem>>) attributes {dimension_semantics = [#tpu.dimension_semantics<core_parallel>, #tpu.dimension_semantics<subcore_parallel>], iteration_bounds = array<i64: 2, 16>, scalar_prefetch = 0 : i64, scratch_operands = 7 : i64, tpu.core_type = #tpu.core_type<sc_vector_subcore>, window_params = [{transform_indices = #map}, {transform_indices = #map1}, {transform_indices = #map}, {transform_indices = #map1}]} {
    %mul3A = arith.constant 2 : i32
    %mul3A_0 = arith.muli %arg1, %mul3A : i32
    %add3A = arith.addi %mul3A_0, %arg0 : i32
    %mul3A_1 = arith.constant 5120 : i32
    %mul3A_2 = arith.muli %add3A, %mul3A_1 : i32
    %mul3A_3 = arith.constant 640 : i32
    %mul3A_4 = arith.muli %arg1, %mul3A_3 : i32
    "tpu.region"() ({
      %run_scoped3A = tpu.sem_alloc : memref<!tpu.dma_semaphore, #tpu.memory_space<semaphore_mem>>
      %dma_start3A = arith.constant 0 : i32
      %dma_start3A_10 = tpu.memref_slice %arg8[%mul3A_4, %dma_start3A] : memref<10240x128xf32, #tpu.memory_space<vmem_shared>> -> memref<640x128xf32, #tpu.memory_space<vmem_shared>>
      tpu.enqueue_dma source(%arg4 : memref<640x128xf32, #tpu.memory_space<hbm>>) target(%dma_start3A_10 : memref<640x128xf32, #tpu.memory_space<vmem_shared>>) target_semaphore(%run_scoped3A : memref<!tpu.dma_semaphore, #tpu.memory_space<semaphore_mem>>)
      %dma_wait3A = arith.constant 0 : i32
      %dma_wait3A_11 = tpu.memref_slice %arg8[%mul3A_4, %dma_wait3A] : memref<10240x128xf32, #tpu.memory_space<vmem_shared>> -> memref<640x128xf32, #tpu.memory_space<vmem_shared>>
      tpu.wait_dma2 semaphore(%run_scoped3A : memref<!tpu.dma_semaphore, #tpu.memory_space<semaphore_mem>>) src(%arg4 : memref<640x128xf32, #tpu.memory_space<hbm>>) dst(%dma_wait3A_11 : memref<640x128xf32, #tpu.memory_space<vmem_shared>>)
      tpu.yield
    }) : () -> ()
    "tpu.region"() ({
      %run_scoped3A = tpu.sem_alloc : memref<!tpu.dma_semaphore, #tpu.memory_space<semaphore_mem>>
      %dma_start3A = arith.constant 0 : i32
      %dma_start3A_10 = arith.constant 0 : i32
      %dma_start3A_11 = tpu.memref_slice %arg3[%add3A, %dma_start3A, %dma_start3A_10] : memref<32x40x128xi32, #tpu.memory_space<hbm>> -> memref<1x40x128xi32, #tpu.memory_space<hbm>>
      %dma_start3A_12 = tpu.memref_squeeze %dma_start3A_11 : memref<1x40x128xi32, #tpu.memory_space<hbm>> -> memref<40x128xi32, #tpu.memory_space<hbm>>
      %dma_start3A_13 = arith.constant 0 : i32
      %dma_start3A_14 = arith.constant 0 : i32
      %dma_start3A_15 = tpu.memref_slice %arg3[%add3A, %dma_start3A_13, %dma_start3A_14] : memref<32x40x128xi32, #tpu.memory_space<hbm>> -> memref<1x40x128xi32, #tpu.memory_space<hbm>>
      %dma_start3A_16 = tpu.memref_squeeze %dma_start3A_15 : memref<1x40x128xi32, #tpu.memory_space<hbm>> -> memref<40x128xi32, #tpu.memory_space<hbm>>
      tpu.enqueue_dma source(%dma_start3A_16 : memref<40x128xi32, #tpu.memory_space<hbm>>) target(%arg6 : memref<40x128xi32, #tpu.memory_space<vmem>>) target_semaphore(%run_scoped3A : memref<!tpu.dma_semaphore, #tpu.memory_space<semaphore_mem>>)
      %dma_wait3A = arith.constant 0 : i32
      %dma_wait3A_17 = arith.constant 0 : i32
      %dma_wait3A_18 = tpu.memref_slice %arg3[%add3A, %dma_wait3A, %dma_wait3A_17] : memref<32x40x128xi32, #tpu.memory_space<hbm>> -> memref<1x40x128xi32, #tpu.memory_space<hbm>>
      %dma_wait3A_19 = tpu.memref_squeeze %dma_wait3A_18 : memref<1x40x128xi32, #tpu.memory_space<hbm>> -> memref<40x128xi32, #tpu.memory_space<hbm>>
      %dma_wait3A_20 = arith.constant 0 : i32
      %dma_wait3A_21 = arith.constant 0 : i32
      %dma_wait3A_22 = tpu.memref_slice %arg3[%add3A, %dma_wait3A_20, %dma_wait3A_21] : memref<32x40x128xi32, #tpu.memory_space<hbm>> -> memref<1x40x128xi32, #tpu.memory_space<hbm>>
      %dma_wait3A_23 = tpu.memref_squeeze %dma_wait3A_22 : memref<1x40x128xi32, #tpu.memory_space<hbm>> -> memref<40x128xi32, #tpu.memory_space<hbm>>
      tpu.wait_dma2 semaphore(%run_scoped3A : memref<!tpu.dma_semaphore, #tpu.memory_space<semaphore_mem>>) src(%dma_wait3A_23 : memref<40x128xi32, #tpu.memory_space<hbm>>) dst(%arg6 : memref<40x128xi32, #tpu.memory_space<vmem>>)
      tpu.yield
    }) : () -> ()
    %barrier3A = arith.constant 0 : index
    tpu.barrier barrier_id(%barrier3A)
    %scan3A = arith.constant 0 : i32
    %scan3A_5 = arith.constant 20 : i32
    %scan3A_6 = arith.addi %scan3A, %scan3A_5 : i32
    %scan3A_7 = arith.constant 1 : i32
    scf.for %scan3A_10 = %scan3A to %scan3A_6 step %scan3A_7  : i32 {
      %mul3A_11 = arith.constant 2 : i32
      %mul3A_12 = arith.muli %scan3A_10, %mul3A_11 : i32
      %add3A_13 = arith.constant 0 : i32
      %add3A_14 = arith.addi %mul3A_12, %add3A_13 : i32
      %mul3A_15 = arith.constant 128 : i32
      %mul3A_16 = arith.muli %add3A_14, %mul3A_15 : i32
      %add3A_17 = arith.addi %mul3A_2, %mul3A_16 : i32
      %dma_start3A = arith.constant 0 : i32
      %dma_start3A_18 = arith.constant 0 : i32
      %dma_start3A_19 = arith.constant 0 : i32
      %dma_start3A_20 = tpu.memref_slice %arg7[%dma_start3A, %dma_start3A_18, %dma_start3A_19] : memref<2x128x128xf32, #tpu.memory_space<vmem>> -> memref<1x128x128xf32, #tpu.memory_space<vmem>>
      %dma_start3A_21 = tpu.memref_squeeze %dma_start3A_20 : memref<1x128x128xf32, #tpu.memory_space<vmem>> -> memref<128x128xf32, #tpu.memory_space<vmem>>
      %dma_start3A_22 = arith.constant 0 : i32
      %dma_start3A_23 = tpu.memref_slice %arg2[%add3A_17, %dma_start3A_22] : memref<163840x128xf32, #tpu.memory_space<hbm>> -> memref<128x128xf32, #tpu.memory_space<hbm>>
      %dma_start3A_24 = arith.constant 0 : i32
      %dma_start3A_25 = arith.constant 0 : i32
      %dma_start3A_26 = tpu.memref_slice %arg7[%dma_start3A, %dma_start3A_24, %dma_start3A_25] : memref<2x128x128xf32, #tpu.memory_space<vmem>> -> memref<1x128x128xf32, #tpu.memory_space<vmem>>
      %dma_start3A_27 = tpu.memref_squeeze %dma_start3A_26 : memref<1x128x128xf32, #tpu.memory_space<vmem>> -> memref<128x128xf32, #tpu.memory_space<vmem>>
      %dma_start3A_28 = arith.constant 0 : i32
      %dma_start3A_29 = tpu.memref_slice %arg2[%add3A_17, %dma_start3A_28] : memref<163840x128xf32, #tpu.memory_space<hbm>> -> memref<128x128xf32, #tpu.memory_space<hbm>>
      tpu.enqueue_dma source(%dma_start3A_29 : memref<128x128xf32, #tpu.memory_space<hbm>>) target(%dma_start3A_27 : memref<128x128xf32, #tpu.memory_space<vmem>>) target_semaphore(%arg9 : memref<!tpu.dma_semaphore, #tpu.memory_space<semaphore_mem>>)
      %mul3A_30 = arith.constant 2 : i32
      %mul3A_31 = arith.muli %scan3A_10, %mul3A_30 : i32
      %add3A_32 = arith.constant 1 : i32
      %add3A_33 = arith.addi %mul3A_31, %add3A_32 : i32
      %mul3A_34 = arith.constant 128 : i32
      %mul3A_35 = arith.muli %add3A_33, %mul3A_34 : i32
      %add3A_36 = arith.addi %mul3A_2, %mul3A_35 : i32
      %dma_start3A_37 = arith.constant 1 : i32
      %dma_start3A_38 = arith.constant 0 : i32
      %dma_start3A_39 = arith.constant 0 : i32
      %dma_start3A_40 = tpu.memref_slice %arg7[%dma_start3A_37, %dma_start3A_38, %dma_start3A_39] : memref<2x128x128xf32, #tpu.memory_space<vmem>> -> memref<1x128x128xf32, #tpu.memory_space<vmem>>
      %dma_start3A_41 = tpu.memref_squeeze %dma_start3A_40 : memref<1x128x128xf32, #tpu.memory_space<vmem>> -> memref<128x128xf32, #tpu.memory_space<vmem>>
      %dma_start3A_42 = arith.constant 0 : i32
      %dma_start3A_43 = tpu.memref_slice %arg2[%add3A_36, %dma_start3A_42] : memref<163840x128xf32, #tpu.memory_space<hbm>> -> memref<128x128xf32, #tpu.memory_space<hbm>>
      %dma_start3A_44 = arith.constant 0 : i32
      %dma_start3A_45 = arith.constant 0 : i32
      %dma_start3A_46 = tpu.memref_slice %arg7[%dma_start3A_37, %dma_start3A_44, %dma_start3A_45] : memref<2x128x128xf32, #tpu.memory_space<vmem>> -> memref<1x128x128xf32, #tpu.memory_space<vmem>>
      %dma_start3A_47 = tpu.memref_squeeze %dma_start3A_46 : memref<1x128x128xf32, #tpu.memory_space<vmem>> -> memref<128x128xf32, #tpu.memory_space<vmem>>
      %dma_start3A_48 = arith.constant 0 : i32
      %dma_start3A_49 = tpu.memref_slice %arg2[%add3A_36, %dma_start3A_48] : memref<163840x128xf32, #tpu.memory_space<hbm>> -> memref<128x128xf32, #tpu.memory_space<hbm>>
      tpu.enqueue_dma source(%dma_start3A_49 : memref<128x128xf32, #tpu.memory_space<hbm>>) target(%dma_start3A_47 : memref<128x128xf32, #tpu.memory_space<vmem>>) target_semaphore(%arg10 : memref<!tpu.dma_semaphore, #tpu.memory_space<semaphore_mem>>)
      %dma_wait3A = arith.constant 0 : i32
      %dma_wait3A_50 = arith.constant 0 : i32
      %dma_wait3A_51 = arith.constant 0 : i32
      %dma_wait3A_52 = tpu.memref_slice %arg7[%dma_wait3A, %dma_wait3A_50, %dma_wait3A_51] : memref<2x128x128xf32, #tpu.memory_space<vmem>> -> memref<1x128x128xf32, #tpu.memory_space<vmem>>
      %dma_wait3A_53 = tpu.memref_squeeze %dma_wait3A_52 : memref<1x128x128xf32, #tpu.memory_space<vmem>> -> memref<128x128xf32, #tpu.memory_space<vmem>>
      %dma_wait3A_54 = arith.constant 0 : i32
      %dma_wait3A_55 = tpu.memref_slice %arg2[%add3A_17, %dma_wait3A_54] : memref<163840x128xf32, #tpu.memory_space<hbm>> -> memref<128x128xf32, #tpu.memory_space<hbm>>
      %dma_wait3A_56 = arith.constant 0 : i32
      %dma_wait3A_57 = arith.constant 0 : i32
      %dma_wait3A_58 = tpu.memref_slice %arg7[%dma_wait3A, %dma_wait3A_56, %dma_wait3A_57] : memref<2x128x128xf32, #tpu.memory_space<vmem>> -> memref<1x128x128xf32, #tpu.memory_space<vmem>>
      %dma_wait3A_59 = tpu.memref_squeeze %dma_wait3A_58 : memref<1x128x128xf32, #tpu.memory_space<vmem>> -> memref<128x128xf32, #tpu.memory_space<vmem>>
      %dma_wait3A_60 = arith.constant 0 : i32
      %dma_wait3A_61 = tpu.memref_slice %arg2[%add3A_17, %dma_wait3A_60] : memref<163840x128xf32, #tpu.memory_space<hbm>> -> memref<128x128xf32, #tpu.memory_space<hbm>>
      tpu.wait_dma2 semaphore(%arg9 : memref<!tpu.dma_semaphore, #tpu.memory_space<semaphore_mem>>) src(%dma_wait3A_61 : memref<128x128xf32, #tpu.memory_space<hbm>>) dst(%dma_wait3A_59 : memref<128x128xf32, #tpu.memory_space<vmem>>)
      %mul3A_62 = arith.constant 2 : i32
      %mul3A_63 = arith.muli %scan3A_10, %mul3A_62 : i32
      %add3A_64 = arith.constant 0 : i32
      %add3A_65 = arith.addi %mul3A_63, %add3A_64 : i32
      %dma_start3A_66 = arith.constant 0 : i32
      %dma_start3A_67 = arith.constant 0 : i32
      %dma_start3A_68 = arith.constant 0 : i32
      %dma_start3A_69 = tpu.memref_slice %arg7[%dma_start3A_66, %dma_start3A_67, %dma_start3A_68] : memref<2x128x128xf32, #tpu.memory_space<vmem>> -> memref<1x128x128xf32, #tpu.memory_space<vmem>>
      %dma_start3A_70 = tpu.memref_squeeze %dma_start3A_69 : memref<1x128x128xf32, #tpu.memory_space<vmem>> -> memref<128x128xf32, #tpu.memory_space<vmem>>
      %dma_start3A_71 = arith.constant 0 : i32
      %dma_start3A_72 = tpu.memref_slice %arg6[%add3A_65, %dma_start3A_71] : memref<40x128xi32, #tpu.memory_space<vmem>> -> memref<1x128xi32, #tpu.memory_space<vmem>>
      %dma_start3A_73 = tpu.memref_squeeze %dma_start3A_72 : memref<1x128xi32, #tpu.memory_space<vmem>> -> memref<128xi32, #tpu.memory_space<vmem>>
      %dma_start3A_74 = arith.constant 0 : i32
      %dma_start3A_75 = arith.constant 0 : i32
      %dma_start3A_76 = tpu.memref_slice %arg8[%dma_start3A_74, %dma_start3A_75] : memref<10240x128xf32, #tpu.memory_space<vmem_shared>> -> memref<10240x128xf32, #tpu.memory_space<vmem_shared>>
      tpu.enqueue_indirect_dma source(%dma_start3A_70 : memref<128x128xf32, #tpu.memory_space<vmem>>) target(%dma_start3A_76 : memref<10240x128xf32, #tpu.memory_space<vmem_shared>>) offsets(%dma_start3A_73 : memref<128xi32, #tpu.memory_space<vmem>>) semaphore(%arg11 : memref<!tpu.dma_semaphore, #tpu.memory_space<semaphore_mem>>) {add = true}
      %dma_wait3A_77 = arith.constant 1 : i32
      %dma_wait3A_78 = arith.constant 0 : i32
      %dma_wait3A_79 = arith.constant 0 : i32
      %dma_wait3A_80 = tpu.memref_slice %arg7[%dma_wait3A_77, %dma_wait3A_78, %dma_wait3A_79] : memref<2x128x128xf32, #tpu.memory_space<vmem>> -> memref<1x128x128xf32, #tpu.memory_space<vmem>>
      %dma_wait3A_81 = tpu.memref_squeeze %dma_wait3A_80 : memref<1x128x128xf32, #tpu.memory_space<vmem>> -> memref<128x128xf32, #tpu.memory_space<vmem>>
      %dma_wait3A_82 = arith.constant 0 : i32
      %dma_wait3A_83 = tpu.memref_slice %arg2[%add3A_36, %dma_wait3A_82] : memref<163840x128xf32, #tpu.memory_space<hbm>> -> memref<128x128xf32, #tpu.memory_space<hbm>>
      %dma_wait3A_84 = arith.constant 0 : i32
      %dma_wait3A_85 = arith.constant 0 : i32
      %dma_wait3A_86 = tpu.memref_slice %arg7[%dma_wait3A_77, %dma_wait3A_84, %dma_wait3A_85] : memref<2x128x128xf32, #tpu.memory_space<vmem>> -> memref<1x128x128xf32, #tpu.memory_space<vmem>>
      %dma_wait3A_87 = tpu.memref_squeeze %dma_wait3A_86 : memref<1x128x128xf32, #tpu.memory_space<vmem>> -> memref<128x128xf32, #tpu.memory_space<vmem>>
      %dma_wait3A_88 = arith.constant 0 : i32
      %dma_wait3A_89 = tpu.memref_slice %arg2[%add3A_36, %dma_wait3A_88] : memref<163840x128xf32, #tpu.memory_space<hbm>> -> memref<128x128xf32, #tpu.memory_space<hbm>>
      tpu.wait_dma2 semaphore(%arg10 : memref<!tpu.dma_semaphore, #tpu.memory_space<semaphore_mem>>) src(%dma_wait3A_89 : memref<128x128xf32, #tpu.memory_space<hbm>>) dst(%dma_wait3A_87 : memref<128x128xf32, #tpu.memory_space<vmem>>)
      %mul3A_90 = arith.constant 2 : i32
      %mul3A_91 = arith.muli %scan3A_10, %mul3A_90 : i32
      %add3A_92 = arith.constant 1 : i32
      %add3A_93 = arith.addi %mul3A_91, %add3A_92 : i32
      %dma_start3A_94 = arith.constant 1 : i32
      %dma_start3A_95 = arith.constant 0 : i32
      %dma_start3A_96 = arith.constant 0 : i32
      %dma_start3A_97 = tpu.memref_slice %arg7[%dma_start3A_94, %dma_start3A_95, %dma_start3A_96] : memref<2x128x128xf32, #tpu.memory_space<vmem>> -> memref<1x128x128xf32, #tpu.memory_space<vmem>>
      %dma_start3A_98 = tpu.memref_squeeze %dma_start3A_97 : memref<1x128x128xf32, #tpu.memory_space<vmem>> -> memref<128x128xf32, #tpu.memory_space<vmem>>
      %dma_start3A_99 = arith.constant 0 : i32
      %dma_start3A_100 = tpu.memref_slice %arg6[%add3A_93, %dma_start3A_99] : memref<40x128xi32, #tpu.memory_space<vmem>> -> memref<1x128xi32, #tpu.memory_space<vmem>>
      %dma_start3A_101 = tpu.memref_squeeze %dma_start3A_100 : memref<1x128xi32, #tpu.memory_space<vmem>> -> memref<128xi32, #tpu.memory_space<vmem>>
      %dma_start3A_102 = arith.constant 0 : i32
      %dma_start3A_103 = arith.constant 0 : i32
      %dma_start3A_104 = tpu.memref_slice %arg8[%dma_start3A_102, %dma_start3A_103] : memref<10240x128xf32, #tpu.memory_space<vmem_shared>> -> memref<10240x128xf32, #tpu.memory_space<vmem_shared>>
      tpu.enqueue_indirect_dma source(%dma_start3A_98 : memref<128x128xf32, #tpu.memory_space<vmem>>) target(%dma_start3A_104 : memref<10240x128xf32, #tpu.memory_space<vmem_shared>>) offsets(%dma_start3A_101 : memref<128xi32, #tpu.memory_space<vmem>>) semaphore(%arg12 : memref<!tpu.dma_semaphore, #tpu.memory_space<semaphore_mem>>) {add = true}
      %dma_wait3A_105 = arith.constant 0 : i32
      %dma_wait3A_106 = arith.constant 0 : i32
      %dma_wait3A_107 = arith.constant 0 : i32
      %dma_wait3A_108 = tpu.memref_slice %arg7[%dma_wait3A_105, %dma_wait3A_106, %dma_wait3A_107] : memref<2x128x128xf32, #tpu.memory_space<vmem>> -> memref<1x128x128xf32, #tpu.memory_space<vmem>>
      %dma_wait3A_109 = tpu.memref_squeeze %dma_wait3A_108 : memref<1x128x128xf32, #tpu.memory_space<vmem>> -> memref<128x128xf32, #tpu.memory_space<vmem>>
      %dma_wait3A_110 = arith.constant 0 : i32
      %dma_wait3A_111 = tpu.memref_slice %arg6[%add3A_65, %dma_wait3A_110] : memref<40x128xi32, #tpu.memory_space<vmem>> -> memref<1x128xi32, #tpu.memory_space<vmem>>
      %dma_wait3A_112 = tpu.memref_squeeze %dma_wait3A_111 : memref<1x128xi32, #tpu.memory_space<vmem>> -> memref<128xi32, #tpu.memory_space<vmem>>
      %dma_wait3A_113 = arith.constant 0 : i32
      %dma_wait3A_114 = arith.constant 0 : i32
      %dma_wait3A_115 = tpu.memref_slice %arg8[%dma_wait3A_113, %dma_wait3A_114] : memref<10240x128xf32, #tpu.memory_space<vmem_shared>> -> memref<10240x128xf32, #tpu.memory_space<vmem_shared>>
      tpu.wait_indirect_dma semaphore(%arg11 : memref<!tpu.dma_semaphore, #tpu.memory_space<semaphore_mem>>) src(%dma_wait3A_109 : memref<128x128xf32, #tpu.memory_space<vmem>>) dst(%dma_wait3A_115 : memref<10240x128xf32, #tpu.memory_space<vmem_shared>>)
      %dma_wait3A_116 = arith.constant 1 : i32
      %dma_wait3A_117 = arith.constant 0 : i32
      %dma_wait3A_118 = arith.constant 0 : i32
      %dma_wait3A_119 = tpu.memref_slice %arg7[%dma_wait3A_116, %dma_wait3A_117, %dma_wait3A_118] : memref<2x128x128xf32, #tpu.memory_space<vmem>> -> memref<1x128x128xf32, #tpu.memory_space<vmem>>
      %dma_wait3A_120 = tpu.memref_squeeze %dma_wait3A_119 : memref<1x128x128xf32, #tpu.memory_space<vmem>> -> memref<128x128xf32, #tpu.memory_space<vmem>>
      %dma_wait3A_121 = arith.constant 0 : i32
      %dma_wait3A_122 = tpu.memref_slice %arg6[%add3A_93, %dma_wait3A_121] : memref<40x128xi32, #tpu.memory_space<vmem>> -> memref<1x128xi32, #tpu.memory_space<vmem>>
      %dma_wait3A_123 = tpu.memref_squeeze %dma_wait3A_122 : memref<1x128xi32, #tpu.memory_space<vmem>> -> memref<128xi32, #tpu.memory_space<vmem>>
      %dma_wait3A_124 = arith.constant 0 : i32
      %dma_wait3A_125 = arith.constant 0 : i32
      %dma_wait3A_126 = tpu.memref_slice %arg8[%dma_wait3A_124, %dma_wait3A_125] : memref<10240x128xf32, #tpu.memory_space<vmem_shared>> -> memref<10240x128xf32, #tpu.memory_space<vmem_shared>>
      tpu.wait_indirect_dma semaphore(%arg12 : memref<!tpu.dma_semaphore, #tpu.memory_space<semaphore_mem>>) src(%dma_wait3A_120 : memref<128x128xf32, #tpu.memory_space<vmem>>) dst(%dma_wait3A_126 : memref<10240x128xf32, #tpu.memory_space<vmem_shared>>)
    }
    %scan3A_8 = arith.constant 20 : i32
    %barrier3A_9 = arith.constant 0 : index
    tpu.barrier barrier_id(%barrier3A_9)
    "tpu.region"() ({
      %run_scoped3A = tpu.sem_alloc : memref<!tpu.dma_semaphore, #tpu.memory_space<semaphore_mem>>
      %dma_start3A = arith.constant 0 : i32
      %dma_start3A_10 = tpu.memref_slice %arg5[%arg0, %mul3A_4, %dma_start3A] : memref<2x10240x128xf32, #tpu.memory_space<hbm>> -> memref<1x640x128xf32, #tpu.memory_space<hbm>>
      %dma_start3A_11 = tpu.memref_squeeze %dma_start3A_10 : memref<1x640x128xf32, #tpu.memory_space<hbm>> -> memref<640x128xf32, #tpu.memory_space<hbm>>
      %dma_start3A_12 = arith.constant 0 : i32
      %dma_start3A_13 = tpu.memref_slice %arg8[%mul3A_4, %dma_start3A_12] : memref<10240x128xf32, #tpu.memory_space<vmem_shared>> -> memref<640x128xf32, #tpu.memory_space<vmem_shared>>
      tpu.enqueue_dma source(%dma_start3A_13 : memref<640x128xf32, #tpu.memory_space<vmem_shared>>) target(%dma_start3A_11 : memref<640x128xf32, #tpu.memory_space<hbm>>) target_semaphore(%run_scoped3A : memref<!tpu.dma_semaphore, #tpu.memory_space<semaphore_mem>>)
      %dma_wait3A = arith.constant 0 : i32
      %dma_wait3A_14 = tpu.memref_slice %arg5[%arg0, %mul3A_4, %dma_wait3A] : memref<2x10240x128xf32, #tpu.memory_space<hbm>> -> memref<1x640x128xf32, #tpu.memory_space<hbm>>
      %dma_wait3A_15 = tpu.memref_squeeze %dma_wait3A_14 : memref<1x640x128xf32, #tpu.memory_space<hbm>> -> memref<640x128xf32, #tpu.memory_space<hbm>>
      %dma_wait3A_16 = arith.constant 0 : i32
      %dma_wait3A_17 = tpu.memref_slice %arg8[%mul3A_4, %dma_wait3A_16] : memref<10240x128xf32, #tpu.memory_space<vmem_shared>> -> memref<640x128xf32, #tpu.memory_space<vmem_shared>>
      tpu.wait_dma2 semaphore(%run_scoped3A : memref<!tpu.dma_semaphore, #tpu.memory_space<semaphore_mem>>) src(%dma_wait3A_17 : memref<640x128xf32, #tpu.memory_space<vmem_shared>>) dst(%dma_wait3A_15 : memref<640x128xf32, #tpu.memory_space<hbm>>)
      tpu.yield
    }) : () -> ()
    return
  }
}

#map = affine_map<(d0, d1) -> (0, 0)>
#map1 = affine_map<(d0, d1) -> (0)>
module attributes {stable_mosaic.version = 14 : i64} {
  func.func @_sc_gather(%arg0: i32, %arg1: i32, %arg2: memref<10000x128xf32, #tpu.memory_space<hbm>>, %arg3: memref<163840xi32, #tpu.memory_space<hbm>>, %arg4: memref<163840x128xf32, #tpu.memory_space<hbm>>, %arg5: memref<5120xi32, #tpu.memory_space<vmem>>, %arg6: memref<5x128x128xf32, #tpu.memory_space<vmem>>, %arg7: memref<!tpu.dma_semaphore, #tpu.memory_space<semaphore_mem>>, %arg8: memref<!tpu.dma_semaphore, #tpu.memory_space<semaphore_mem>>, %arg9: memref<!tpu.dma_semaphore, #tpu.memory_space<semaphore_mem>>, %arg10: memref<!tpu.dma_semaphore, #tpu.memory_space<semaphore_mem>>, %arg11: memref<!tpu.dma_semaphore, #tpu.memory_space<semaphore_mem>>, %arg12: memref<!tpu.dma_semaphore, #tpu.memory_space<semaphore_mem>>, %arg13: memref<!tpu.dma_semaphore, #tpu.memory_space<semaphore_mem>>, %arg14: memref<!tpu.dma_semaphore, #tpu.memory_space<semaphore_mem>>, %arg15: memref<!tpu.dma_semaphore, #tpu.memory_space<semaphore_mem>>, %arg16: memref<!tpu.dma_semaphore, #tpu.memory_space<semaphore_mem>>) attributes {dimension_semantics = [#tpu.dimension_semantics<core_parallel>, #tpu.dimension_semantics<subcore_parallel>], iteration_bounds = array<i64: 2, 16>, scalar_prefetch = 0 : i64, scratch_operands = 12 : i64, tpu.core_type = #tpu.core_type<sc_vector_subcore>, window_params = [{transform_indices = #map}, {transform_indices = #map1}, {transform_indices = #map}]} {
    %mul3A = arith.constant 2 : i32
    %mul3A_0 = arith.muli %arg1, %mul3A : i32
    %add3A = arith.addi %mul3A_0, %arg0 : i32
    %mul3A_1 = arith.constant 5120 : i32
    %mul3A_2 = arith.muli %add3A, %mul3A_1 : i32
    "tpu.region"() ({
      %run_scoped3A = tpu.sem_alloc : memref<!tpu.dma_semaphore, #tpu.memory_space<semaphore_mem>>
      %dma_start3A = tpu.memref_slice %arg3[%mul3A_2] : memref<163840xi32, #tpu.memory_space<hbm>> -> memref<5120xi32, #tpu.memory_space<hbm>>
      %dma_start3A_7 = tpu.memref_slice %arg3[%mul3A_2] : memref<163840xi32, #tpu.memory_space<hbm>> -> memref<5120xi32, #tpu.memory_space<hbm>>
      tpu.enqueue_dma source(%dma_start3A_7 : memref<5120xi32, #tpu.memory_space<hbm>>) target(%arg5 : memref<5120xi32, #tpu.memory_space<vmem>>) target_semaphore(%run_scoped3A : memref<!tpu.dma_semaphore, #tpu.memory_space<semaphore_mem>>)
      %dma_wait3A = tpu.memref_slice %arg3[%mul3A_2] : memref<163840xi32, #tpu.memory_space<hbm>> -> memref<5120xi32, #tpu.memory_space<hbm>>
      %dma_wait3A_8 = tpu.memref_slice %arg3[%mul3A_2] : memref<163840xi32, #tpu.memory_space<hbm>> -> memref<5120xi32, #tpu.memory_space<hbm>>
      tpu.wait_dma2 semaphore(%run_scoped3A : memref<!tpu.dma_semaphore, #tpu.memory_space<semaphore_mem>>) src(%dma_wait3A_8 : memref<5120xi32, #tpu.memory_space<hbm>>) dst(%arg5 : memref<5120xi32, #tpu.memory_space<vmem>>)
      tpu.yield
    }) : () -> ()
    %scan3A = arith.constant 0 : i32
    %scan3A_3 = arith.constant 8 : i32
    %scan3A_4 = arith.addi %scan3A, %scan3A_3 : i32
    %scan3A_5 = arith.constant 1 : i32
    scf.for %scan3A_7 = %scan3A to %scan3A_4 step %scan3A_5  : i32 {
      %mul3A_8 = arith.constant 5 : i32
      %mul3A_9 = arith.muli %scan3A_7, %mul3A_8 : i32
      %add3A_10 = arith.constant 0 : i32
      %add3A_11 = arith.addi %mul3A_9, %add3A_10 : i32
      %mul3A_12 = arith.constant 128 : i32
      %mul3A_13 = arith.muli %add3A_11, %mul3A_12 : i32
      %dma_start3A = arith.constant 0 : i32
      %dma_start3A_14 = arith.constant 0 : i32
      %dma_start3A_15 = arith.constant 0 : i32
      %dma_start3A_16 = tpu.memref_slice %arg6[%dma_start3A, %dma_start3A_14, %dma_start3A_15] : memref<5x128x128xf32, #tpu.memory_space<vmem>> -> memref<1x128x128xf32, #tpu.memory_space<vmem>>
      %dma_start3A_17 = tpu.memref_squeeze %dma_start3A_16 : memref<1x128x128xf32, #tpu.memory_space<vmem>> -> memref<128x128xf32, #tpu.memory_space<vmem>>
      %dma_start3A_18 = tpu.memref_slice %arg5[%mul3A_13] : memref<5120xi32, #tpu.memory_space<vmem>> -> memref<128xi32, #tpu.memory_space<vmem>>
      %dma_start3A_19 = arith.constant 0 : i32
      %dma_start3A_20 = arith.constant 0 : i32
      %dma_start3A_21 = tpu.memref_slice %arg2[%dma_start3A_19, %dma_start3A_20] : memref<10000x128xf32, #tpu.memory_space<hbm>> -> memref<10000x128xf32, #tpu.memory_space<hbm>>
      tpu.enqueue_indirect_dma source(%dma_start3A_21 : memref<10000x128xf32, #tpu.memory_space<hbm>>) target(%dma_start3A_17 : memref<128x128xf32, #tpu.memory_space<vmem>>) offsets(%dma_start3A_18 : memref<128xi32, #tpu.memory_space<vmem>>) semaphore(%arg7 : memref<!tpu.dma_semaphore, #tpu.memory_space<semaphore_mem>>)
      %mul3A_22 = arith.constant 5 : i32
      %mul3A_23 = arith.muli %scan3A_7, %mul3A_22 : i32
      %add3A_24 = arith.constant 1 : i32
      %add3A_25 = arith.addi %mul3A_23, %add3A_24 : i32
      %mul3A_26 = arith.constant 128 : i32
      %mul3A_27 = arith.muli %add3A_25, %mul3A_26 : i32
      %dma_start3A_28 = arith.constant 1 : i32
      %dma_start3A_29 = arith.constant 0 : i32
      %dma_start3A_30 = arith.constant 0 : i32
      %dma_start3A_31 = tpu.memref_slice %arg6[%dma_start3A_28, %dma_start3A_29, %dma_start3A_30] : memref<5x128x128xf32, #tpu.memory_space<vmem>> -> memref<1x128x128xf32, #tpu.memory_space<vmem>>
      %dma_start3A_32 = tpu.memref_squeeze %dma_start3A_31 : memref<1x128x128xf32, #tpu.memory_space<vmem>> -> memref<128x128xf32, #tpu.memory_space<vmem>>
      %dma_start3A_33 = tpu.memref_slice %arg5[%mul3A_27] : memref<5120xi32, #tpu.memory_space<vmem>> -> memref<128xi32, #tpu.memory_space<vmem>>
      %dma_start3A_34 = arith.constant 0 : i32
      %dma_start3A_35 = arith.constant 0 : i32
      %dma_start3A_36 = tpu.memref_slice %arg2[%dma_start3A_34, %dma_start3A_35] : memref<10000x128xf32, #tpu.memory_space<hbm>> -> memref<10000x128xf32, #tpu.memory_space<hbm>>
      tpu.enqueue_indirect_dma source(%dma_start3A_36 : memref<10000x128xf32, #tpu.memory_space<hbm>>) target(%dma_start3A_32 : memref<128x128xf32, #tpu.memory_space<vmem>>) offsets(%dma_start3A_33 : memref<128xi32, #tpu.memory_space<vmem>>) semaphore(%arg8 : memref<!tpu.dma_semaphore, #tpu.memory_space<semaphore_mem>>)
      %mul3A_37 = arith.constant 5 : i32
      %mul3A_38 = arith.muli %scan3A_7, %mul3A_37 : i32
      %add3A_39 = arith.constant 2 : i32
      %add3A_40 = arith.addi %mul3A_38, %add3A_39 : i32
      %mul3A_41 = arith.constant 128 : i32
      %mul3A_42 = arith.muli %add3A_40, %mul3A_41 : i32
      %dma_start3A_43 = arith.constant 2 : i32
      %dma_start3A_44 = arith.constant 0 : i32
      %dma_start3A_45 = arith.constant 0 : i32
      %dma_start3A_46 = tpu.memref_slice %arg6[%dma_start3A_43, %dma_start3A_44, %dma_start3A_45] : memref<5x128x128xf32, #tpu.memory_space<vmem>> -> memref<1x128x128xf32, #tpu.memory_space<vmem>>
      %dma_start3A_47 = tpu.memref_squeeze %dma_start3A_46 : memref<1x128x128xf32, #tpu.memory_space<vmem>> -> memref<128x128xf32, #tpu.memory_space<vmem>>
      %dma_start3A_48 = tpu.memref_slice %arg5[%mul3A_42] : memref<5120xi32, #tpu.memory_space<vmem>> -> memref<128xi32, #tpu.memory_space<vmem>>
      %dma_start3A_49 = arith.constant 0 : i32
      %dma_start3A_50 = arith.constant 0 : i32
      %dma_start3A_51 = tpu.memref_slice %arg2[%dma_start3A_49, %dma_start3A_50] : memref<10000x128xf32, #tpu.memory_space<hbm>> -> memref<10000x128xf32, #tpu.memory_space<hbm>>
      tpu.enqueue_indirect_dma source(%dma_start3A_51 : memref<10000x128xf32, #tpu.memory_space<hbm>>) target(%dma_start3A_47 : memref<128x128xf32, #tpu.memory_space<vmem>>) offsets(%dma_start3A_48 : memref<128xi32, #tpu.memory_space<vmem>>) semaphore(%arg9 : memref<!tpu.dma_semaphore, #tpu.memory_space<semaphore_mem>>)
      %mul3A_52 = arith.constant 5 : i32
      %mul3A_53 = arith.muli %scan3A_7, %mul3A_52 : i32
      %add3A_54 = arith.constant 3 : i32
      %add3A_55 = arith.addi %mul3A_53, %add3A_54 : i32
      %mul3A_56 = arith.constant 128 : i32
      %mul3A_57 = arith.muli %add3A_55, %mul3A_56 : i32
      %dma_start3A_58 = arith.constant 3 : i32
      %dma_start3A_59 = arith.constant 0 : i32
      %dma_start3A_60 = arith.constant 0 : i32
      %dma_start3A_61 = tpu.memref_slice %arg6[%dma_start3A_58, %dma_start3A_59, %dma_start3A_60] : memref<5x128x128xf32, #tpu.memory_space<vmem>> -> memref<1x128x128xf32, #tpu.memory_space<vmem>>
      %dma_start3A_62 = tpu.memref_squeeze %dma_start3A_61 : memref<1x128x128xf32, #tpu.memory_space<vmem>> -> memref<128x128xf32, #tpu.memory_space<vmem>>
      %dma_start3A_63 = tpu.memref_slice %arg5[%mul3A_57] : memref<5120xi32, #tpu.memory_space<vmem>> -> memref<128xi32, #tpu.memory_space<vmem>>
      %dma_start3A_64 = arith.constant 0 : i32
      %dma_start3A_65 = arith.constant 0 : i32
      %dma_start3A_66 = tpu.memref_slice %arg2[%dma_start3A_64, %dma_start3A_65] : memref<10000x128xf32, #tpu.memory_space<hbm>> -> memref<10000x128xf32, #tpu.memory_space<hbm>>
      tpu.enqueue_indirect_dma source(%dma_start3A_66 : memref<10000x128xf32, #tpu.memory_space<hbm>>) target(%dma_start3A_62 : memref<128x128xf32, #tpu.memory_space<vmem>>) offsets(%dma_start3A_63 : memref<128xi32, #tpu.memory_space<vmem>>) semaphore(%arg10 : memref<!tpu.dma_semaphore, #tpu.memory_space<semaphore_mem>>)
      %mul3A_67 = arith.constant 5 : i32
      %mul3A_68 = arith.muli %scan3A_7, %mul3A_67 : i32
      %add3A_69 = arith.constant 4 : i32
      %add3A_70 = arith.addi %mul3A_68, %add3A_69 : i32
      %mul3A_71 = arith.constant 128 : i32
      %mul3A_72 = arith.muli %add3A_70, %mul3A_71 : i32
      %dma_start3A_73 = arith.constant 4 : i32
      %dma_start3A_74 = arith.constant 0 : i32
      %dma_start3A_75 = arith.constant 0 : i32
      %dma_start3A_76 = tpu.memref_slice %arg6[%dma_start3A_73, %dma_start3A_74, %dma_start3A_75] : memref<5x128x128xf32, #tpu.memory_space<vmem>> -> memref<1x128x128xf32, #tpu.memory_space<vmem>>
      %dma_start3A_77 = tpu.memref_squeeze %dma_start3A_76 : memref<1x128x128xf32, #tpu.memory_space<vmem>> -> memref<128x128xf32, #tpu.memory_space<vmem>>
      %dma_start3A_78 = tpu.memref_slice %arg5[%mul3A_72] : memref<5120xi32, #tpu.memory_space<vmem>> -> memref<128xi32, #tpu.memory_space<vmem>>
      %dma_start3A_79 = arith.constant 0 : i32
      %dma_start3A_80 = arith.constant 0 : i32
      %dma_start3A_81 = tpu.memref_slice %arg2[%dma_start3A_79, %dma_start3A_80] : memref<10000x128xf32, #tpu.memory_space<hbm>> -> memref<10000x128xf32, #tpu.memory_space<hbm>>
      tpu.enqueue_indirect_dma source(%dma_start3A_81 : memref<10000x128xf32, #tpu.memory_space<hbm>>) target(%dma_start3A_77 : memref<128x128xf32, #tpu.memory_space<vmem>>) offsets(%dma_start3A_78 : memref<128xi32, #tpu.memory_space<vmem>>) semaphore(%arg11 : memref<!tpu.dma_semaphore, #tpu.memory_space<semaphore_mem>>)
      %dma_wait3A = arith.constant 0 : i32
      %dma_wait3A_82 = arith.constant 0 : i32
      %dma_wait3A_83 = arith.constant 0 : i32
      %dma_wait3A_84 = tpu.memref_slice %arg6[%dma_wait3A, %dma_wait3A_82, %dma_wait3A_83] : memref<5x128x128xf32, #tpu.memory_space<vmem>> -> memref<1x128x128xf32, #tpu.memory_space<vmem>>
      %dma_wait3A_85 = tpu.memref_squeeze %dma_wait3A_84 : memref<1x128x128xf32, #tpu.memory_space<vmem>> -> memref<128x128xf32, #tpu.memory_space<vmem>>
      %dma_wait3A_86 = tpu.memref_slice %arg5[%mul3A_13] : memref<5120xi32, #tpu.memory_space<vmem>> -> memref<128xi32, #tpu.memory_space<vmem>>
      %dma_wait3A_87 = arith.constant 0 : i32
      %dma_wait3A_88 = arith.constant 0 : i32
      %dma_wait3A_89 = tpu.memref_slice %arg2[%dma_wait3A_87, %dma_wait3A_88] : memref<10000x128xf32, #tpu.memory_space<hbm>> -> memref<10000x128xf32, #tpu.memory_space<hbm>>
      tpu.wait_indirect_dma semaphore(%arg7 : memref<!tpu.dma_semaphore, #tpu.memory_space<semaphore_mem>>) src(%dma_wait3A_89 : memref<10000x128xf32, #tpu.memory_space<hbm>>) dst(%dma_wait3A_85 : memref<128x128xf32, #tpu.memory_space<vmem>>)
      %mul3A_90 = arith.constant 5 : i32
      %mul3A_91 = arith.muli %scan3A_7, %mul3A_90 : i32
      %add3A_92 = arith.constant 0 : i32
      %add3A_93 = arith.addi %mul3A_91, %add3A_92 : i32
      %mul3A_94 = arith.constant 128 : i32
      %mul3A_95 = arith.muli %add3A_93, %mul3A_94 : i32
      %add3A_96 = arith.addi %mul3A_2, %mul3A_95 : i32
      %dma_start3A_97 = arith.constant 0 : i32
      %dma_start3A_98 = arith.constant 0 : i32
      %dma_start3A_99 = arith.constant 0 : i32
      %dma_start3A_100 = tpu.memref_slice %arg6[%dma_start3A_97, %dma_start3A_98, %dma_start3A_99] : memref<5x128x128xf32, #tpu.memory_space<vmem>> -> memref<1x128x128xf32, #tpu.memory_space<vmem>>
      %dma_start3A_101 = tpu.memref_squeeze %dma_start3A_100 : memref<1x128x128xf32, #tpu.memory_space<vmem>> -> memref<128x128xf32, #tpu.memory_space<vmem>>
      %dma_start3A_102 = arith.constant 0 : i32
      %dma_start3A_103 = tpu.memref_slice %arg4[%add3A_96, %dma_start3A_102] : memref<163840x128xf32, #tpu.memory_space<hbm>> -> memref<128x128xf32, #tpu.memory_space<hbm>>
      %dma_start3A_104 = arith.constant 0 : i32
      %dma_start3A_105 = tpu.memref_slice %arg4[%add3A_96, %dma_start3A_104] : memref<163840x128xf32, #tpu.memory_space<hbm>> -> memref<128x128xf32, #tpu.memory_space<hbm>>
      %dma_start3A_106 = arith.constant 0 : i32
      %dma_start3A_107 = arith.constant 0 : i32
      %dma_start3A_108 = tpu.memref_slice %arg6[%dma_start3A_97, %dma_start3A_106, %dma_start3A_107] : memref<5x128x128xf32, #tpu.memory_space<vmem>> -> memref<1x128x128xf32, #tpu.memory_space<vmem>>
      %dma_start3A_109 = tpu.memref_squeeze %dma_start3A_108 : memref<1x128x128xf32, #tpu.memory_space<vmem>> -> memref<128x128xf32, #tpu.memory_space<vmem>>
      tpu.enqueue_dma source(%dma_start3A_109 : memref<128x128xf32, #tpu.memory_space<vmem>>) target(%dma_start3A_105 : memref<128x128xf32, #tpu.memory_space<hbm>>) target_semaphore(%arg12 : memref<!tpu.dma_semaphore, #tpu.memory_space<semaphore_mem>>)
      %dma_wait3A_110 = arith.constant 1 : i32
      %dma_wait3A_111 = arith.constant 0 : i32
      %dma_wait3A_112 = arith.constant 0 : i32
      %dma_wait3A_113 = tpu.memref_slice %arg6[%dma_wait3A_110, %dma_wait3A_111, %dma_wait3A_112] : memref<5x128x128xf32, #tpu.memory_space<vmem>> -> memref<1x128x128xf32, #tpu.memory_space<vmem>>
      %dma_wait3A_114 = tpu.memref_squeeze %dma_wait3A_113 : memref<1x128x128xf32, #tpu.memory_space<vmem>> -> memref<128x128xf32, #tpu.memory_space<vmem>>
      %dma_wait3A_115 = tpu.memref_slice %arg5[%mul3A_27] : memref<5120xi32, #tpu.memory_space<vmem>> -> memref<128xi32, #tpu.memory_space<vmem>>
      %dma_wait3A_116 = arith.constant 0 : i32
      %dma_wait3A_117 = arith.constant 0 : i32
      %dma_wait3A_118 = tpu.memref_slice %arg2[%dma_wait3A_116, %dma_wait3A_117] : memref<10000x128xf32, #tpu.memory_space<hbm>> -> memref<10000x128xf32, #tpu.memory_space<hbm>>
      tpu.wait_indirect_dma semaphore(%arg8 : memref<!tpu.dma_semaphore, #tpu.memory_space<semaphore_mem>>) src(%dma_wait3A_118 : memref<10000x128xf32, #tpu.memory_space<hbm>>) dst(%dma_wait3A_114 : memref<128x128xf32, #tpu.memory_space<vmem>>)
      %mul3A_119 = arith.constant 5 : i32
      %mul3A_120 = arith.muli %scan3A_7, %mul3A_119 : i32
      %add3A_121 = arith.constant 1 : i32
      %add3A_122 = arith.addi %mul3A_120, %add3A_121 : i32
      %mul3A_123 = arith.constant 128 : i32
      %mul3A_124 = arith.muli %add3A_122, %mul3A_123 : i32
      %add3A_125 = arith.addi %mul3A_2, %mul3A_124 : i32
      %dma_start3A_126 = arith.constant 1 : i32
      %dma_start3A_127 = arith.constant 0 : i32
      %dma_start3A_128 = arith.constant 0 : i32
      %dma_start3A_129 = tpu.memref_slice %arg6[%dma_start3A_126, %dma_start3A_127, %dma_start3A_128] : memref<5x128x128xf32, #tpu.memory_space<vmem>> -> memref<1x128x128xf32, #tpu.memory_space<vmem>>
      %dma_start3A_130 = tpu.memref_squeeze %dma_start3A_129 : memref<1x128x128xf32, #tpu.memory_space<vmem>> -> memref<128x128xf32, #tpu.memory_space<vmem>>
      %dma_start3A_131 = arith.constant 0 : i32
      %dma_start3A_132 = tpu.memref_slice %arg4[%add3A_125, %dma_start3A_131] : memref<163840x128xf32, #tpu.memory_space<hbm>> -> memref<128x128xf32, #tpu.memory_space<hbm>>
      %dma_start3A_133 = arith.constant 0 : i32
      %dma_start3A_134 = tpu.memref_slice %arg4[%add3A_125, %dma_start3A_133] : memref<163840x128xf32, #tpu.memory_space<hbm>> -> memref<128x128xf32, #tpu.memory_space<hbm>>
      %dma_start3A_135 = arith.constant 0 : i32
      %dma_start3A_136 = arith.constant 0 : i32
      %dma_start3A_137 = tpu.memref_slice %arg6[%dma_start3A_126, %dma_start3A_135, %dma_start3A_136] : memref<5x128x128xf32, #tpu.memory_space<vmem>> -> memref<1x128x128xf32, #tpu.memory_space<vmem>>
      %dma_start3A_138 = tpu.memref_squeeze %dma_start3A_137 : memref<1x128x128xf32, #tpu.memory_space<vmem>> -> memref<128x128xf32, #tpu.memory_space<vmem>>
      tpu.enqueue_dma source(%dma_start3A_138 : memref<128x128xf32, #tpu.memory_space<vmem>>) target(%dma_start3A_134 : memref<128x128xf32, #tpu.memory_space<hbm>>) target_semaphore(%arg13 : memref<!tpu.dma_semaphore, #tpu.memory_space<semaphore_mem>>)
      %dma_wait3A_139 = arith.constant 2 : i32
      %dma_wait3A_140 = arith.constant 0 : i32
      %dma_wait3A_141 = arith.constant 0 : i32
      %dma_wait3A_142 = tpu.memref_slice %arg6[%dma_wait3A_139, %dma_wait3A_140, %dma_wait3A_141] : memref<5x128x128xf32, #tpu.memory_space<vmem>> -> memref<1x128x128xf32, #tpu.memory_space<vmem>>
      %dma_wait3A_143 = tpu.memref_squeeze %dma_wait3A_142 : memref<1x128x128xf32, #tpu.memory_space<vmem>> -> memref<128x128xf32, #tpu.memory_space<vmem>>
      %dma_wait3A_144 = tpu.memref_slice %arg5[%mul3A_42] : memref<5120xi32, #tpu.memory_space<vmem>> -> memref<128xi32, #tpu.memory_space<vmem>>
      %dma_wait3A_145 = arith.constant 0 : i32
      %dma_wait3A_146 = arith.constant 0 : i32
      %dma_wait3A_147 = tpu.memref_slice %arg2[%dma_wait3A_145, %dma_wait3A_146] : memref<10000x128xf32, #tpu.memory_space<hbm>> -> memref<10000x128xf32, #tpu.memory_space<hbm>>
      tpu.wait_indirect_dma semaphore(%arg9 : memref<!tpu.dma_semaphore, #tpu.memory_space<semaphore_mem>>) src(%dma_wait3A_147 : memref<10000x128xf32, #tpu.memory_space<hbm>>) dst(%dma_wait3A_143 : memref<128x128xf32, #tpu.memory_space<vmem>>)
      %mul3A_148 = arith.constant 5 : i32
      %mul3A_149 = arith.muli %scan3A_7, %mul3A_148 : i32
      %add3A_150 = arith.constant 2 : i32
      %add3A_151 = arith.addi %mul3A_149, %add3A_150 : i32
      %mul3A_152 = arith.constant 128 : i32
      %mul3A_153 = arith.muli %add3A_151, %mul3A_152 : i32
      %add3A_154 = arith.addi %mul3A_2, %mul3A_153 : i32
      %dma_start3A_155 = arith.constant 2 : i32
      %dma_start3A_156 = arith.constant 0 : i32
      %dma_start3A_157 = arith.constant 0 : i32
      %dma_start3A_158 = tpu.memref_slice %arg6[%dma_start3A_155, %dma_start3A_156, %dma_start3A_157] : memref<5x128x128xf32, #tpu.memory_space<vmem>> -> memref<1x128x128xf32, #tpu.memory_space<vmem>>
      %dma_start3A_159 = tpu.memref_squeeze %dma_start3A_158 : memref<1x128x128xf32, #tpu.memory_space<vmem>> -> memref<128x128xf32, #tpu.memory_space<vmem>>
      %dma_start3A_160 = arith.constant 0 : i32
      %dma_start3A_161 = tpu.memref_slice %arg4[%add3A_154, %dma_start3A_160] : memref<163840x128xf32, #tpu.memory_space<hbm>> -> memref<128x128xf32, #tpu.memory_space<hbm>>
      %dma_start3A_162 = arith.constant 0 : i32
      %dma_start3A_163 = tpu.memref_slice %arg4[%add3A_154, %dma_start3A_162] : memref<163840x128xf32, #tpu.memory_space<hbm>> -> memref<128x128xf32, #tpu.memory_space<hbm>>
      %dma_start3A_164 = arith.constant 0 : i32
      %dma_start3A_165 = arith.constant 0 : i32
      %dma_start3A_166 = tpu.memref_slice %arg6[%dma_start3A_155, %dma_start3A_164, %dma_start3A_165] : memref<5x128x128xf32, #tpu.memory_space<vmem>> -> memref<1x128x128xf32, #tpu.memory_space<vmem>>
      %dma_start3A_167 = tpu.memref_squeeze %dma_start3A_166 : memref<1x128x128xf32, #tpu.memory_space<vmem>> -> memref<128x128xf32, #tpu.memory_space<vmem>>
      tpu.enqueue_dma source(%dma_start3A_167 : memref<128x128xf32, #tpu.memory_space<vmem>>) target(%dma_start3A_163 : memref<128x128xf32, #tpu.memory_space<hbm>>) target_semaphore(%arg14 : memref<!tpu.dma_semaphore, #tpu.memory_space<semaphore_mem>>)
      %dma_wait3A_168 = arith.constant 3 : i32
      %dma_wait3A_169 = arith.constant 0 : i32
      %dma_wait3A_170 = arith.constant 0 : i32
      %dma_wait3A_171 = tpu.memref_slice %arg6[%dma_wait3A_168, %dma_wait3A_169, %dma_wait3A_170] : memref<5x128x128xf32, #tpu.memory_space<vmem>> -> memref<1x128x128xf32, #tpu.memory_space<vmem>>
      %dma_wait3A_172 = tpu.memref_squeeze %dma_wait3A_171 : memref<1x128x128xf32, #tpu.memory_space<vmem>> -> memref<128x128xf32, #tpu.memory_space<vmem>>
      %dma_wait3A_173 = tpu.memref_slice %arg5[%mul3A_57] : memref<5120xi32, #tpu.memory_space<vmem>> -> memref<128xi32, #tpu.memory_space<vmem>>
      %dma_wait3A_174 = arith.constant 0 : i32
      %dma_wait3A_175 = arith.constant 0 : i32
      %dma_wait3A_176 = tpu.memref_slice %arg2[%dma_wait3A_174, %dma_wait3A_175] : memref<10000x128xf32, #tpu.memory_space<hbm>> -> memref<10000x128xf32, #tpu.memory_space<hbm>>
      tpu.wait_indirect_dma semaphore(%arg10 : memref<!tpu.dma_semaphore, #tpu.memory_space<semaphore_mem>>) src(%dma_wait3A_176 : memref<10000x128xf32, #tpu.memory_space<hbm>>) dst(%dma_wait3A_172 : memref<128x128xf32, #tpu.memory_space<vmem>>)
      %mul3A_177 = arith.constant 5 : i32
      %mul3A_178 = arith.muli %scan3A_7, %mul3A_177 : i32
      %add3A_179 = arith.constant 3 : i32
      %add3A_180 = arith.addi %mul3A_178, %add3A_179 : i32
      %mul3A_181 = arith.constant 128 : i32
      %mul3A_182 = arith.muli %add3A_180, %mul3A_181 : i32
      %add3A_183 = arith.addi %mul3A_2, %mul3A_182 : i32
      %dma_start3A_184 = arith.constant 3 : i32
      %dma_start3A_185 = arith.constant 0 : i32
      %dma_start3A_186 = arith.constant 0 : i32
      %dma_start3A_187 = tpu.memref_slice %arg6[%dma_start3A_184, %dma_start3A_185, %dma_start3A_186] : memref<5x128x128xf32, #tpu.memory_space<vmem>> -> memref<1x128x128xf32, #tpu.memory_space<vmem>>
      %dma_start3A_188 = tpu.memref_squeeze %dma_start3A_187 : memref<1x128x128xf32, #tpu.memory_space<vmem>> -> memref<128x128xf32, #tpu.memory_space<vmem>>
      %dma_start3A_189 = arith.constant 0 : i32
      %dma_start3A_190 = tpu.memref_slice %arg4[%add3A_183, %dma_start3A_189] : memref<163840x128xf32, #tpu.memory_space<hbm>> -> memref<128x128xf32, #tpu.memory_space<hbm>>
      %dma_start3A_191 = arith.constant 0 : i32
      %dma_start3A_192 = tpu.memref_slice %arg4[%add3A_183, %dma_start3A_191] : memref<163840x128xf32, #tpu.memory_space<hbm>> -> memref<128x128xf32, #tpu.memory_space<hbm>>
      %dma_start3A_193 = arith.constant 0 : i32
      %dma_start3A_194 = arith.constant 0 : i32
      %dma_start3A_195 = tpu.memref_slice %arg6[%dma_start3A_184, %dma_start3A_193, %dma_start3A_194] : memref<5x128x128xf32, #tpu.memory_space<vmem>> -> memref<1x128x128xf32, #tpu.memory_space<vmem>>
      %dma_start3A_196 = tpu.memref_squeeze %dma_start3A_195 : memref<1x128x128xf32, #tpu.memory_space<vmem>> -> memref<128x128xf32, #tpu.memory_space<vmem>>
      tpu.enqueue_dma source(%dma_start3A_196 : memref<128x128xf32, #tpu.memory_space<vmem>>) target(%dma_start3A_192 : memref<128x128xf32, #tpu.memory_space<hbm>>) target_semaphore(%arg15 : memref<!tpu.dma_semaphore, #tpu.memory_space<semaphore_mem>>)
      %dma_wait3A_197 = arith.constant 4 : i32
      %dma_wait3A_198 = arith.constant 0 : i32
      %dma_wait3A_199 = arith.constant 0 : i32
      %dma_wait3A_200 = tpu.memref_slice %arg6[%dma_wait3A_197, %dma_wait3A_198, %dma_wait3A_199] : memref<5x128x128xf32, #tpu.memory_space<vmem>> -> memref<1x128x128xf32, #tpu.memory_space<vmem>>
      %dma_wait3A_201 = tpu.memref_squeeze %dma_wait3A_200 : memref<1x128x128xf32, #tpu.memory_space<vmem>> -> memref<128x128xf32, #tpu.memory_space<vmem>>
      %dma_wait3A_202 = tpu.memref_slice %arg5[%mul3A_72] : memref<5120xi32, #tpu.memory_space<vmem>> -> memref<128xi32, #tpu.memory_space<vmem>>
      %dma_wait3A_203 = arith.constant 0 : i32
      %dma_wait3A_204 = arith.constant 0 : i32
      %dma_wait3A_205 = tpu.memref_slice %arg2[%dma_wait3A_203, %dma_wait3A_204] : memref<10000x128xf32, #tpu.memory_space<hbm>> -> memref<10000x128xf32, #tpu.memory_space<hbm>>
      tpu.wait_indirect_dma semaphore(%arg11 : memref<!tpu.dma_semaphore, #tpu.memory_space<semaphore_mem>>) src(%dma_wait3A_205 : memref<10000x128xf32, #tpu.memory_space<hbm>>) dst(%dma_wait3A_201 : memref<128x128xf32, #tpu.memory_space<vmem>>)
      %mul3A_206 = arith.constant 5 : i32
      %mul3A_207 = arith.muli %scan3A_7, %mul3A_206 : i32
      %add3A_208 = arith.constant 4 : i32
      %add3A_209 = arith.addi %mul3A_207, %add3A_208 : i32
      %mul3A_210 = arith.constant 128 : i32
      %mul3A_211 = arith.muli %add3A_209, %mul3A_210 : i32
      %add3A_212 = arith.addi %mul3A_2, %mul3A_211 : i32
      %dma_start3A_213 = arith.constant 4 : i32
      %dma_start3A_214 = arith.constant 0 : i32
      %dma_start3A_215 = arith.constant 0 : i32
      %dma_start3A_216 = tpu.memref_slice %arg6[%dma_start3A_213, %dma_start3A_214, %dma_start3A_215] : memref<5x128x128xf32, #tpu.memory_space<vmem>> -> memref<1x128x128xf32, #tpu.memory_space<vmem>>
      %dma_start3A_217 = tpu.memref_squeeze %dma_start3A_216 : memref<1x128x128xf32, #tpu.memory_space<vmem>> -> memref<128x128xf32, #tpu.memory_space<vmem>>
      %dma_start3A_218 = arith.constant 0 : i32
      %dma_start3A_219 = tpu.memref_slice %arg4[%add3A_212, %dma_start3A_218] : memref<163840x128xf32, #tpu.memory_space<hbm>> -> memref<128x128xf32, #tpu.memory_space<hbm>>
      %dma_start3A_220 = arith.constant 0 : i32
      %dma_start3A_221 = tpu.memref_slice %arg4[%add3A_212, %dma_start3A_220] : memref<163840x128xf32, #tpu.memory_space<hbm>> -> memref<128x128xf32, #tpu.memory_space<hbm>>
      %dma_start3A_222 = arith.constant 0 : i32
      %dma_start3A_223 = arith.constant 0 : i32
      %dma_start3A_224 = tpu.memref_slice %arg6[%dma_start3A_213, %dma_start3A_222, %dma_start3A_223] : memref<5x128x128xf32, #tpu.memory_space<vmem>> -> memref<1x128x128xf32, #tpu.memory_space<vmem>>
      %dma_start3A_225 = tpu.memref_squeeze %dma_start3A_224 : memref<1x128x128xf32, #tpu.memory_space<vmem>> -> memref<128x128xf32, #tpu.memory_space<vmem>>
      tpu.enqueue_dma source(%dma_start3A_225 : memref<128x128xf32, #tpu.memory_space<vmem>>) target(%dma_start3A_221 : memref<128x128xf32, #tpu.memory_space<hbm>>) target_semaphore(%arg16 : memref<!tpu.dma_semaphore, #tpu.memory_space<semaphore_mem>>)
      %dma_wait3A_226 = arith.constant 0 : i32
      %dma_wait3A_227 = arith.constant 0 : i32
      %dma_wait3A_228 = arith.constant 0 : i32
      %dma_wait3A_229 = tpu.memref_slice %arg6[%dma_wait3A_226, %dma_wait3A_227, %dma_wait3A_228] : memref<5x128x128xf32, #tpu.memory_space<vmem>> -> memref<1x128x128xf32, #tpu.memory_space<vmem>>
      %dma_wait3A_230 = tpu.memref_squeeze %dma_wait3A_229 : memref<1x128x128xf32, #tpu.memory_space<vmem>> -> memref<128x128xf32, #tpu.memory_space<vmem>>
      %dma_wait3A_231 = arith.constant 0 : i32
      %dma_wait3A_232 = tpu.memref_slice %arg4[%add3A_96, %dma_wait3A_231] : memref<163840x128xf32, #tpu.memory_space<hbm>> -> memref<128x128xf32, #tpu.memory_space<hbm>>
      %dma_wait3A_233 = arith.constant 0 : i32
      %dma_wait3A_234 = tpu.memref_slice %arg4[%add3A_96, %dma_wait3A_233] : memref<163840x128xf32, #tpu.memory_space<hbm>> -> memref<128x128xf32, #tpu.memory_space<hbm>>
      %dma_wait3A_235 = arith.constant 0 : i32
      %dma_wait3A_236 = arith.constant 0 : i32
      %dma_wait3A_237 = tpu.memref_slice %arg6[%dma_wait3A_226, %dma_wait3A_235, %dma_wait3A_236] : memref<5x128x128xf32, #tpu.memory_space<vmem>> -> memref<1x128x128xf32, #tpu.memory_space<vmem>>
      %dma_wait3A_238 = tpu.memref_squeeze %dma_wait3A_237 : memref<1x128x128xf32, #tpu.memory_space<vmem>> -> memref<128x128xf32, #tpu.memory_space<vmem>>
      tpu.wait_dma2 semaphore(%arg12 : memref<!tpu.dma_semaphore, #tpu.memory_space<semaphore_mem>>) src(%dma_wait3A_238 : memref<128x128xf32, #tpu.memory_space<vmem>>) dst(%dma_wait3A_234 : memref<128x128xf32, #tpu.memory_space<hbm>>)
      %dma_wait3A_239 = arith.constant 1 : i32
      %dma_wait3A_240 = arith.constant 0 : i32
      %dma_wait3A_241 = arith.constant 0 : i32
      %dma_wait3A_242 = tpu.memref_slice %arg6[%dma_wait3A_239, %dma_wait3A_240, %dma_wait3A_241] : memref<5x128x128xf32, #tpu.memory_space<vmem>> -> memref<1x128x128xf32, #tpu.memory_space<vmem>>
      %dma_wait3A_243 = tpu.memref_squeeze %dma_wait3A_242 : memref<1x128x128xf32, #tpu.memory_space<vmem>> -> memref<128x128xf32, #tpu.memory_space<vmem>>
      %dma_wait3A_244 = arith.constant 0 : i32
      %dma_wait3A_245 = tpu.memref_slice %arg4[%add3A_125, %dma_wait3A_244] : memref<163840x128xf32, #tpu.memory_space<hbm>> -> memref<128x128xf32, #tpu.memory_space<hbm>>
      %dma_wait3A_246 = arith.constant 0 : i32
      %dma_wait3A_247 = tpu.memref_slice %arg4[%add3A_125, %dma_wait3A_246] : memref<163840x128xf32, #tpu.memory_space<hbm>> -> memref<128x128xf32, #tpu.memory_space<hbm>>
      %dma_wait3A_248 = arith.constant 0 : i32
      %dma_wait3A_249 = arith.constant 0 : i32
      %dma_wait3A_250 = tpu.memref_slice %arg6[%dma_wait3A_239, %dma_wait3A_248, %dma_wait3A_249] : memref<5x128x128xf32, #tpu.memory_space<vmem>> -> memref<1x128x128xf32, #tpu.memory_space<vmem>>
      %dma_wait3A_251 = tpu.memref_squeeze %dma_wait3A_250 : memref<1x128x128xf32, #tpu.memory_space<vmem>> -> memref<128x128xf32, #tpu.memory_space<vmem>>
      tpu.wait_dma2 semaphore(%arg13 : memref<!tpu.dma_semaphore, #tpu.memory_space<semaphore_mem>>) src(%dma_wait3A_251 : memref<128x128xf32, #tpu.memory_space<vmem>>) dst(%dma_wait3A_247 : memref<128x128xf32, #tpu.memory_space<hbm>>)
      %dma_wait3A_252 = arith.constant 2 : i32
      %dma_wait3A_253 = arith.constant 0 : i32
      %dma_wait3A_254 = arith.constant 0 : i32
      %dma_wait3A_255 = tpu.memref_slice %arg6[%dma_wait3A_252, %dma_wait3A_253, %dma_wait3A_254] : memref<5x128x128xf32, #tpu.memory_space<vmem>> -> memref<1x128x128xf32, #tpu.memory_space<vmem>>
      %dma_wait3A_256 = tpu.memref_squeeze %dma_wait3A_255 : memref<1x128x128xf32, #tpu.memory_space<vmem>> -> memref<128x128xf32, #tpu.memory_space<vmem>>
      %dma_wait3A_257 = arith.constant 0 : i32
      %dma_wait3A_258 = tpu.memref_slice %arg4[%add3A_154, %dma_wait3A_257] : memref<163840x128xf32, #tpu.memory_space<hbm>> -> memref<128x128xf32, #tpu.memory_space<hbm>>
      %dma_wait3A_259 = arith.constant 0 : i32
      %dma_wait3A_260 = tpu.memref_slice %arg4[%add3A_154, %dma_wait3A_259] : memref<163840x128xf32, #tpu.memory_space<hbm>> -> memref<128x128xf32, #tpu.memory_space<hbm>>
      %dma_wait3A_261 = arith.constant 0 : i32
      %dma_wait3A_262 = arith.constant 0 : i32
      %dma_wait3A_263 = tpu.memref_slice %arg6[%dma_wait3A_252, %dma_wait3A_261, %dma_wait3A_262] : memref<5x128x128xf32, #tpu.memory_space<vmem>> -> memref<1x128x128xf32, #tpu.memory_space<vmem>>
      %dma_wait3A_264 = tpu.memref_squeeze %dma_wait3A_263 : memref<1x128x128xf32, #tpu.memory_space<vmem>> -> memref<128x128xf32, #tpu.memory_space<vmem>>
      tpu.wait_dma2 semaphore(%arg14 : memref<!tpu.dma_semaphore, #tpu.memory_space<semaphore_mem>>) src(%dma_wait3A_264 : memref<128x128xf32, #tpu.memory_space<vmem>>) dst(%dma_wait3A_260 : memref<128x128xf32, #tpu.memory_space<hbm>>)
      %dma_wait3A_265 = arith.constant 3 : i32
      %dma_wait3A_266 = arith.constant 0 : i32
      %dma_wait3A_267 = arith.constant 0 : i32
      %dma_wait3A_268 = tpu.memref_slice %arg6[%dma_wait3A_265, %dma_wait3A_266, %dma_wait3A_267] : memref<5x128x128xf32, #tpu.memory_space<vmem>> -> memref<1x128x128xf32, #tpu.memory_space<vmem>>
      %dma_wait3A_269 = tpu.memref_squeeze %dma_wait3A_268 : memref<1x128x128xf32, #tpu.memory_space<vmem>> -> memref<128x128xf32, #tpu.memory_space<vmem>>
      %dma_wait3A_270 = arith.constant 0 : i32
      %dma_wait3A_271 = tpu.memref_slice %arg4[%add3A_183, %dma_wait3A_270] : memref<163840x128xf32, #tpu.memory_space<hbm>> -> memref<128x128xf32, #tpu.memory_space<hbm>>
      %dma_wait3A_272 = arith.constant 0 : i32
      %dma_wait3A_273 = tpu.memref_slice %arg4[%add3A_183, %dma_wait3A_272] : memref<163840x128xf32, #tpu.memory_space<hbm>> -> memref<128x128xf32, #tpu.memory_space<hbm>>
      %dma_wait3A_274 = arith.constant 0 : i32
      %dma_wait3A_275 = arith.constant 0 : i32
      %dma_wait3A_276 = tpu.memref_slice %arg6[%dma_wait3A_265, %dma_wait3A_274, %dma_wait3A_275] : memref<5x128x128xf32, #tpu.memory_space<vmem>> -> memref<1x128x128xf32, #tpu.memory_space<vmem>>
      %dma_wait3A_277 = tpu.memref_squeeze %dma_wait3A_276 : memref<1x128x128xf32, #tpu.memory_space<vmem>> -> memref<128x128xf32, #tpu.memory_space<vmem>>
      tpu.wait_dma2 semaphore(%arg15 : memref<!tpu.dma_semaphore, #tpu.memory_space<semaphore_mem>>) src(%dma_wait3A_277 : memref<128x128xf32, #tpu.memory_space<vmem>>) dst(%dma_wait3A_273 : memref<128x128xf32, #tpu.memory_space<hbm>>)
      %dma_wait3A_278 = arith.constant 4 : i32
      %dma_wait3A_279 = arith.constant 0 : i32
      %dma_wait3A_280 = arith.constant 0 : i32
      %dma_wait3A_281 = tpu.memref_slice %arg6[%dma_wait3A_278, %dma_wait3A_279, %dma_wait3A_280] : memref<5x128x128xf32, #tpu.memory_space<vmem>> -> memref<1x128x128xf32, #tpu.memory_space<vmem>>
      %dma_wait3A_282 = tpu.memref_squeeze %dma_wait3A_281 : memref<1x128x128xf32, #tpu.memory_space<vmem>> -> memref<128x128xf32, #tpu.memory_space<vmem>>
      %dma_wait3A_283 = arith.constant 0 : i32
      %dma_wait3A_284 = tpu.memref_slice %arg4[%add3A_212, %dma_wait3A_283] : memref<163840x128xf32, #tpu.memory_space<hbm>> -> memref<128x128xf32, #tpu.memory_space<hbm>>
      %dma_wait3A_285 = arith.constant 0 : i32
      %dma_wait3A_286 = tpu.memref_slice %arg4[%add3A_212, %dma_wait3A_285] : memref<163840x128xf32, #tpu.memory_space<hbm>> -> memref<128x128xf32, #tpu.memory_space<hbm>>
      %dma_wait3A_287 = arith.constant 0 : i32
      %dma_wait3A_288 = arith.constant 0 : i32
      %dma_wait3A_289 = tpu.memref_slice %arg6[%dma_wait3A_278, %dma_wait3A_287, %dma_wait3A_288] : memref<5x128x128xf32, #tpu.memory_space<vmem>> -> memref<1x128x128xf32, #tpu.memory_space<vmem>>
      %dma_wait3A_290 = tpu.memref_squeeze %dma_wait3A_289 : memref<1x128x128xf32, #tpu.memory_space<vmem>> -> memref<128x128xf32, #tpu.memory_space<vmem>>
      tpu.wait_dma2 semaphore(%arg16 : memref<!tpu.dma_semaphore, #tpu.memory_space<semaphore_mem>>) src(%dma_wait3A_290 : memref<128x128xf32, #tpu.memory_space<vmem>>) dst(%dma_wait3A_286 : memref<128x128xf32, #tpu.memory_space<hbm>>)
    }
    %scan3A_6 = arith.constant 8 : i32
    return
  }
}

#map = affine_map<(d0, d1) -> (0, 0)>
#map1 = affine_map<(d0, d1) -> (0)>
module attributes {stable_mosaic.version = 14 : i64} {
  func.func @_sc_gather(%arg0: i32, %arg1: i32, %arg2: memref<10000x128xf32, #tpu.memory_space<hbm>>, %arg3: memref<163840xi32, #tpu.memory_space<hbm>>, %arg4: memref<163840x128xf32, #tpu.memory_space<hbm>>, %arg5: memref<5120xi32, #tpu.memory_space<vmem>>, %arg6: memref<5x128x128xf32, #tpu.memory_space<vmem>>, %arg7: memref<!tpu.dma_semaphore, #tpu.memory_space<semaphore_mem>>, %arg8: memref<!tpu.dma_semaphore, #tpu.memory_space<semaphore_mem>>, %arg9: memref<!tpu.dma_semaphore, #tpu.memory_space<semaphore_mem>>, %arg10: memref<!tpu.dma_semaphore, #tpu.memory_space<semaphore_mem>>, %arg11: memref<!tpu.dma_semaphore, #tpu.memory_space<semaphore_mem>>, %arg12: memref<!tpu.dma_semaphore, #tpu.memory_space<semaphore_mem>>, %arg13: memref<!tpu.dma_semaphore, #tpu.memory_space<semaphore_mem>>, %arg14: memref<!tpu.dma_semaphore, #tpu.memory_space<semaphore_mem>>, %arg15: memref<!tpu.dma_semaphore, #tpu.memory_space<semaphore_mem>>, %arg16: memref<!tpu.dma_semaphore, #tpu.memory_space<semaphore_mem>>) attributes {dimension_semantics = [#tpu.dimension_semantics<core_parallel>, #tpu.dimension_semantics<subcore_parallel>], iteration_bounds = array<i64: 2, 16>, scalar_prefetch = 0 : i64, scratch_operands = 12 : i64, tpu.core_type = #tpu.core_type<sc_vector_subcore>, window_params = [{transform_indices = #map}, {transform_indices = #map1}, {transform_indices = #map}]} {
    %mul3A = arith.constant 2 : i32
    %mul3A_0 = arith.muli %arg1, %mul3A : i32
    %add3A = arith.addi %mul3A_0, %arg0 : i32
    %mul3A_1 = arith.constant 5120 : i32
    %mul3A_2 = arith.muli %add3A, %mul3A_1 : i32
    "tpu.region"() ({
      %run_scoped3A = tpu.sem_alloc : memref<!tpu.dma_semaphore, #tpu.memory_space<semaphore_mem>>
      %dma_start3A = tpu.memref_slice %arg3[%mul3A_2] : memref<163840xi32, #tpu.memory_space<hbm>> -> memref<5120xi32, #tpu.memory_space<hbm>>
      %dma_start3A_7 = tpu.memref_slice %arg3[%mul3A_2] : memref<163840xi32, #tpu.memory_space<hbm>> -> memref<5120xi32, #tpu.memory_space<hbm>>
      tpu.enqueue_dma source(%dma_start3A_7 : memref<5120xi32, #tpu.memory_space<hbm>>) target(%arg5 : memref<5120xi32, #tpu.memory_space<vmem>>) target_semaphore(%run_scoped3A : memref<!tpu.dma_semaphore, #tpu.memory_space<semaphore_mem>>)
      %dma_wait3A = tpu.memref_slice %arg3[%mul3A_2] : memref<163840xi32, #tpu.memory_space<hbm>> -> memref<5120xi32, #tpu.memory_space<hbm>>
      %dma_wait3A_8 = tpu.memref_slice %arg3[%mul3A_2] : memref<163840xi32, #tpu.memory_space<hbm>> -> memref<5120xi32, #tpu.memory_space<hbm>>
      tpu.wait_dma2 semaphore(%run_scoped3A : memref<!tpu.dma_semaphore, #tpu.memory_space<semaphore_mem>>) src(%dma_wait3A_8 : memref<5120xi32, #tpu.memory_space<hbm>>) dst(%arg5 : memref<5120xi32, #tpu.memory_space<vmem>>)
      tpu.yield
    }) : () -> ()
    %scan3A = arith.constant 0 : i32
    %scan3A_3 = arith.constant 8 : i32
    %scan3A_4 = arith.addi %scan3A, %scan3A_3 : i32
    %scan3A_5 = arith.constant 1 : i32
    scf.for %scan3A_7 = %scan3A to %scan3A_4 step %scan3A_5  : i32 {
      %mul3A_8 = arith.constant 5 : i32
      %mul3A_9 = arith.muli %scan3A_7, %mul3A_8 : i32
      %add3A_10 = arith.constant 0 : i32
      %add3A_11 = arith.addi %mul3A_9, %add3A_10 : i32
      %mul3A_12 = arith.constant 128 : i32
      %mul3A_13 = arith.muli %add3A_11, %mul3A_12 : i32
      %dma_start3A = arith.constant 0 : i32
      %dma_start3A_14 = arith.constant 0 : i32
      %dma_start3A_15 = arith.constant 0 : i32
      %dma_start3A_16 = tpu.memref_slice %arg6[%dma_start3A, %dma_start3A_14, %dma_start3A_15] : memref<5x128x128xf32, #tpu.memory_space<vmem>> -> memref<1x128x128xf32, #tpu.memory_space<vmem>>
      %dma_start3A_17 = tpu.memref_squeeze %dma_start3A_16 : memref<1x128x128xf32, #tpu.memory_space<vmem>> -> memref<128x128xf32, #tpu.memory_space<vmem>>
      %dma_start3A_18 = tpu.memref_slice %arg5[%mul3A_13] : memref<5120xi32, #tpu.memory_space<vmem>> -> memref<128xi32, #tpu.memory_space<vmem>>
      %dma_start3A_19 = arith.constant 0 : i32
      %dma_start3A_20 = arith.constant 0 : i32
      %dma_start3A_21 = tpu.memref_slice %arg2[%dma_start3A_19, %dma_start3A_20] : memref<10000x128xf32, #tpu.memory_space<hbm>> -> memref<10000x128xf32, #tpu.memory_space<hbm>>
      tpu.enqueue_indirect_dma source(%dma_start3A_21 : memref<10000x128xf32, #tpu.memory_space<hbm>>) target(%dma_start3A_17 : memref<128x128xf32, #tpu.memory_space<vmem>>) offsets(%dma_start3A_18 : memref<128xi32, #tpu.memory_space<vmem>>) semaphore(%arg7 : memref<!tpu.dma_semaphore, #tpu.memory_space<semaphore_mem>>)
      %mul3A_22 = arith.constant 5 : i32
      %mul3A_23 = arith.muli %scan3A_7, %mul3A_22 : i32
      %add3A_24 = arith.constant 1 : i32
      %add3A_25 = arith.addi %mul3A_23, %add3A_24 : i32
      %mul3A_26 = arith.constant 128 : i32
      %mul3A_27 = arith.muli %add3A_25, %mul3A_26 : i32
      %dma_start3A_28 = arith.constant 1 : i32
      %dma_start3A_29 = arith.constant 0 : i32
      %dma_start3A_30 = arith.constant 0 : i32
      %dma_start3A_31 = tpu.memref_slice %arg6[%dma_start3A_28, %dma_start3A_29, %dma_start3A_30] : memref<5x128x128xf32, #tpu.memory_space<vmem>> -> memref<1x128x128xf32, #tpu.memory_space<vmem>>
      %dma_start3A_32 = tpu.memref_squeeze %dma_start3A_31 : memref<1x128x128xf32, #tpu.memory_space<vmem>> -> memref<128x128xf32, #tpu.memory_space<vmem>>
      %dma_start3A_33 = tpu.memref_slice %arg5[%mul3A_27] : memref<5120xi32, #tpu.memory_space<vmem>> -> memref<128xi32, #tpu.memory_space<vmem>>
      %dma_start3A_34 = arith.constant 0 : i32
      %dma_start3A_35 = arith.constant 0 : i32
      %dma_start3A_36 = tpu.memref_slice %arg2[%dma_start3A_34, %dma_start3A_35] : memref<10000x128xf32, #tpu.memory_space<hbm>> -> memref<10000x128xf32, #tpu.memory_space<hbm>>
      tpu.enqueue_indirect_dma source(%dma_start3A_36 : memref<10000x128xf32, #tpu.memory_space<hbm>>) target(%dma_start3A_32 : memref<128x128xf32, #tpu.memory_space<vmem>>) offsets(%dma_start3A_33 : memref<128xi32, #tpu.memory_space<vmem>>) semaphore(%arg8 : memref<!tpu.dma_semaphore, #tpu.memory_space<semaphore_mem>>)
      %mul3A_37 = arith.constant 5 : i32
      %mul3A_38 = arith.muli %scan3A_7, %mul3A_37 : i32
      %add3A_39 = arith.constant 2 : i32
      %add3A_40 = arith.addi %mul3A_38, %add3A_39 : i32
      %mul3A_41 = arith.constant 128 : i32
      %mul3A_42 = arith.muli %add3A_40, %mul3A_41 : i32
      %dma_start3A_43 = arith.constant 2 : i32
      %dma_start3A_44 = arith.constant 0 : i32
      %dma_start3A_45 = arith.constant 0 : i32
      %dma_start3A_46 = tpu.memref_slice %arg6[%dma_start3A_43, %dma_start3A_44, %dma_start3A_45] : memref<5x128x128xf32, #tpu.memory_space<vmem>> -> memref<1x128x128xf32, #tpu.memory_space<vmem>>
      %dma_start3A_47 = tpu.memref_squeeze %dma_start3A_46 : memref<1x128x128xf32, #tpu.memory_space<vmem>> -> memref<128x128xf32, #tpu.memory_space<vmem>>
      %dma_start3A_48 = tpu.memref_slice %arg5[%mul3A_42] : memref<5120xi32, #tpu.memory_space<vmem>> -> memref<128xi32, #tpu.memory_space<vmem>>
      %dma_start3A_49 = arith.constant 0 : i32
      %dma_start3A_50 = arith.constant 0 : i32
      %dma_start3A_51 = tpu.memref_slice %arg2[%dma_start3A_49, %dma_start3A_50] : memref<10000x128xf32, #tpu.memory_space<hbm>> -> memref<10000x128xf32, #tpu.memory_space<hbm>>
      tpu.enqueue_indirect_dma source(%dma_start3A_51 : memref<10000x128xf32, #tpu.memory_space<hbm>>) target(%dma_start3A_47 : memref<128x128xf32, #tpu.memory_space<vmem>>) offsets(%dma_start3A_48 : memref<128xi32, #tpu.memory_space<vmem>>) semaphore(%arg9 : memref<!tpu.dma_semaphore, #tpu.memory_space<semaphore_mem>>)
      %mul3A_52 = arith.constant 5 : i32
      %mul3A_53 = arith.muli %scan3A_7, %mul3A_52 : i32
      %add3A_54 = arith.constant 3 : i32
      %add3A_55 = arith.addi %mul3A_53, %add3A_54 : i32
      %mul3A_56 = arith.constant 128 : i32
      %mul3A_57 = arith.muli %add3A_55, %mul3A_56 : i32
      %dma_start3A_58 = arith.constant 3 : i32
      %dma_start3A_59 = arith.constant 0 : i32
      %dma_start3A_60 = arith.constant 0 : i32
      %dma_start3A_61 = tpu.memref_slice %arg6[%dma_start3A_58, %dma_start3A_59, %dma_start3A_60] : memref<5x128x128xf32, #tpu.memory_space<vmem>> -> memref<1x128x128xf32, #tpu.memory_space<vmem>>
      %dma_start3A_62 = tpu.memref_squeeze %dma_start3A_61 : memref<1x128x128xf32, #tpu.memory_space<vmem>> -> memref<128x128xf32, #tpu.memory_space<vmem>>
      %dma_start3A_63 = tpu.memref_slice %arg5[%mul3A_57] : memref<5120xi32, #tpu.memory_space<vmem>> -> memref<128xi32, #tpu.memory_space<vmem>>
      %dma_start3A_64 = arith.constant 0 : i32
      %dma_start3A_65 = arith.constant 0 : i32
      %dma_start3A_66 = tpu.memref_slice %arg2[%dma_start3A_64, %dma_start3A_65] : memref<10000x128xf32, #tpu.memory_space<hbm>> -> memref<10000x128xf32, #tpu.memory_space<hbm>>
      tpu.enqueue_indirect_dma source(%dma_start3A_66 : memref<10000x128xf32, #tpu.memory_space<hbm>>) target(%dma_start3A_62 : memref<128x128xf32, #tpu.memory_space<vmem>>) offsets(%dma_start3A_63 : memref<128xi32, #tpu.memory_space<vmem>>) semaphore(%arg10 : memref<!tpu.dma_semaphore, #tpu.memory_space<semaphore_mem>>)
      %mul3A_67 = arith.constant 5 : i32
      %mul3A_68 = arith.muli %scan3A_7, %mul3A_67 : i32
      %add3A_69 = arith.constant 4 : i32
      %add3A_70 = arith.addi %mul3A_68, %add3A_69 : i32
      %mul3A_71 = arith.constant 128 : i32
      %mul3A_72 = arith.muli %add3A_70, %mul3A_71 : i32
      %dma_start3A_73 = arith.constant 4 : i32
      %dma_start3A_74 = arith.constant 0 : i32
      %dma_start3A_75 = arith.constant 0 : i32
      %dma_start3A_76 = tpu.memref_slice %arg6[%dma_start3A_73, %dma_start3A_74, %dma_start3A_75] : memref<5x128x128xf32, #tpu.memory_space<vmem>> -> memref<1x128x128xf32, #tpu.memory_space<vmem>>
      %dma_start3A_77 = tpu.memref_squeeze %dma_start3A_76 : memref<1x128x128xf32, #tpu.memory_space<vmem>> -> memref<128x128xf32, #tpu.memory_space<vmem>>
      %dma_start3A_78 = tpu.memref_slice %arg5[%mul3A_72] : memref<5120xi32, #tpu.memory_space<vmem>> -> memref<128xi32, #tpu.memory_space<vmem>>
      %dma_start3A_79 = arith.constant 0 : i32
      %dma_start3A_80 = arith.constant 0 : i32
      %dma_start3A_81 = tpu.memref_slice %arg2[%dma_start3A_79, %dma_start3A_80] : memref<10000x128xf32, #tpu.memory_space<hbm>> -> memref<10000x128xf32, #tpu.memory_space<hbm>>
      tpu.enqueue_indirect_dma source(%dma_start3A_81 : memref<10000x128xf32, #tpu.memory_space<hbm>>) target(%dma_start3A_77 : memref<128x128xf32, #tpu.memory_space<vmem>>) offsets(%dma_start3A_78 : memref<128xi32, #tpu.memory_space<vmem>>) semaphore(%arg11 : memref<!tpu.dma_semaphore, #tpu.memory_space<semaphore_mem>>)
      %dma_wait3A = arith.constant 0 : i32
      %dma_wait3A_82 = arith.constant 0 : i32
      %dma_wait3A_83 = arith.constant 0 : i32
      %dma_wait3A_84 = tpu.memref_slice %arg6[%dma_wait3A, %dma_wait3A_82, %dma_wait3A_83] : memref<5x128x128xf32, #tpu.memory_space<vmem>> -> memref<1x128x128xf32, #tpu.memory_space<vmem>>
      %dma_wait3A_85 = tpu.memref_squeeze %dma_wait3A_84 : memref<1x128x128xf32, #tpu.memory_space<vmem>> -> memref<128x128xf32, #tpu.memory_space<vmem>>
      %dma_wait3A_86 = tpu.memref_slice %arg5[%mul3A_13] : memref<5120xi32, #tpu.memory_space<vmem>> -> memref<128xi32, #tpu.memory_space<vmem>>
      %dma_wait3A_87 = arith.constant 0 : i32
      %dma_wait3A_88 = arith.constant 0 : i32
      %dma_wait3A_89 = tpu.memref_slice %arg2[%dma_wait3A_87, %dma_wait3A_88] : memref<10000x128xf32, #tpu.memory_space<hbm>> -> memref<10000x128xf32, #tpu.memory_space<hbm>>
      tpu.wait_indirect_dma semaphore(%arg7 : memref<!tpu.dma_semaphore, #tpu.memory_space<semaphore_mem>>) src(%dma_wait3A_89 : memref<10000x128xf32, #tpu.memory_space<hbm>>) dst(%dma_wait3A_85 : memref<128x128xf32, #tpu.memory_space<vmem>>)
      %mul3A_90 = arith.constant 5 : i32
      %mul3A_91 = arith.muli %scan3A_7, %mul3A_90 : i32
      %add3A_92 = arith.constant 0 : i32
      %add3A_93 = arith.addi %mul3A_91, %add3A_92 : i32
      %mul3A_94 = arith.constant 128 : i32
      %mul3A_95 = arith.muli %add3A_93, %mul3A_94 : i32
      %add3A_96 = arith.addi %mul3A_2, %mul3A_95 : i32
      %dma_start3A_97 = arith.constant 0 : i32
      %dma_start3A_98 = arith.constant 0 : i32
      %dma_start3A_99 = arith.constant 0 : i32
      %dma_start3A_100 = tpu.memref_slice %arg6[%dma_start3A_97, %dma_start3A_98, %dma_start3A_99] : memref<5x128x128xf32, #tpu.memory_space<vmem>> -> memref<1x128x128xf32, #tpu.memory_space<vmem>>
      %dma_start3A_101 = tpu.memref_squeeze %dma_start3A_100 : memref<1x128x128xf32, #tpu.memory_space<vmem>> -> memref<128x128xf32, #tpu.memory_space<vmem>>
      %dma_start3A_102 = arith.constant 0 : i32
      %dma_start3A_103 = tpu.memref_slice %arg4[%add3A_96, %dma_start3A_102] : memref<163840x128xf32, #tpu.memory_space<hbm>> -> memref<128x128xf32, #tpu.memory_space<hbm>>
      %dma_start3A_104 = arith.constant 0 : i32
      %dma_start3A_105 = tpu.memref_slice %arg4[%add3A_96, %dma_start3A_104] : memref<163840x128xf32, #tpu.memory_space<hbm>> -> memref<128x128xf32, #tpu.memory_space<hbm>>
      %dma_start3A_106 = arith.constant 0 : i32
      %dma_start3A_107 = arith.constant 0 : i32
      %dma_start3A_108 = tpu.memref_slice %arg6[%dma_start3A_97, %dma_start3A_106, %dma_start3A_107] : memref<5x128x128xf32, #tpu.memory_space<vmem>> -> memref<1x128x128xf32, #tpu.memory_space<vmem>>
      %dma_start3A_109 = tpu.memref_squeeze %dma_start3A_108 : memref<1x128x128xf32, #tpu.memory_space<vmem>> -> memref<128x128xf32, #tpu.memory_space<vmem>>
      tpu.enqueue_dma source(%dma_start3A_109 : memref<128x128xf32, #tpu.memory_space<vmem>>) target(%dma_start3A_105 : memref<128x128xf32, #tpu.memory_space<hbm>>) target_semaphore(%arg12 : memref<!tpu.dma_semaphore, #tpu.memory_space<semaphore_mem>>)
      %dma_wait3A_110 = arith.constant 1 : i32
      %dma_wait3A_111 = arith.constant 0 : i32
      %dma_wait3A_112 = arith.constant 0 : i32
      %dma_wait3A_113 = tpu.memref_slice %arg6[%dma_wait3A_110, %dma_wait3A_111, %dma_wait3A_112] : memref<5x128x128xf32, #tpu.memory_space<vmem>> -> memref<1x128x128xf32, #tpu.memory_space<vmem>>
      %dma_wait3A_114 = tpu.memref_squeeze %dma_wait3A_113 : memref<1x128x128xf32, #tpu.memory_space<vmem>> -> memref<128x128xf32, #tpu.memory_space<vmem>>
      %dma_wait3A_115 = tpu.memref_slice %arg5[%mul3A_27] : memref<5120xi32, #tpu.memory_space<vmem>> -> memref<128xi32, #tpu.memory_space<vmem>>
      %dma_wait3A_116 = arith.constant 0 : i32
      %dma_wait3A_117 = arith.constant 0 : i32
      %dma_wait3A_118 = tpu.memref_slice %arg2[%dma_wait3A_116, %dma_wait3A_117] : memref<10000x128xf32, #tpu.memory_space<hbm>> -> memref<10000x128xf32, #tpu.memory_space<hbm>>
      tpu.wait_indirect_dma semaphore(%arg8 : memref<!tpu.dma_semaphore, #tpu.memory_space<semaphore_mem>>) src(%dma_wait3A_118 : memref<10000x128xf32, #tpu.memory_space<hbm>>) dst(%dma_wait3A_114 : memref<128x128xf32, #tpu.memory_space<vmem>>)
      %mul3A_119 = arith.constant 5 : i32
      %mul3A_120 = arith.muli %scan3A_7, %mul3A_119 : i32
      %add3A_121 = arith.constant 1 : i32
      %add3A_122 = arith.addi %mul3A_120, %add3A_121 : i32
      %mul3A_123 = arith.constant 128 : i32
      %mul3A_124 = arith.muli %add3A_122, %mul3A_123 : i32
      %add3A_125 = arith.addi %mul3A_2, %mul3A_124 : i32
      %dma_start3A_126 = arith.constant 1 : i32
      %dma_start3A_127 = arith.constant 0 : i32
      %dma_start3A_128 = arith.constant 0 : i32
      %dma_start3A_129 = tpu.memref_slice %arg6[%dma_start3A_126, %dma_start3A_127, %dma_start3A_128] : memref<5x128x128xf32, #tpu.memory_space<vmem>> -> memref<1x128x128xf32, #tpu.memory_space<vmem>>
      %dma_start3A_130 = tpu.memref_squeeze %dma_start3A_129 : memref<1x128x128xf32, #tpu.memory_space<vmem>> -> memref<128x128xf32, #tpu.memory_space<vmem>>
      %dma_start3A_131 = arith.constant 0 : i32
      %dma_start3A_132 = tpu.memref_slice %arg4[%add3A_125, %dma_start3A_131] : memref<163840x128xf32, #tpu.memory_space<hbm>> -> memref<128x128xf32, #tpu.memory_space<hbm>>
      %dma_start3A_133 = arith.constant 0 : i32
      %dma_start3A_134 = tpu.memref_slice %arg4[%add3A_125, %dma_start3A_133] : memref<163840x128xf32, #tpu.memory_space<hbm>> -> memref<128x128xf32, #tpu.memory_space<hbm>>
      %dma_start3A_135 = arith.constant 0 : i32
      %dma_start3A_136 = arith.constant 0 : i32
      %dma_start3A_137 = tpu.memref_slice %arg6[%dma_start3A_126, %dma_start3A_135, %dma_start3A_136] : memref<5x128x128xf32, #tpu.memory_space<vmem>> -> memref<1x128x128xf32, #tpu.memory_space<vmem>>
      %dma_start3A_138 = tpu.memref_squeeze %dma_start3A_137 : memref<1x128x128xf32, #tpu.memory_space<vmem>> -> memref<128x128xf32, #tpu.memory_space<vmem>>
      tpu.enqueue_dma source(%dma_start3A_138 : memref<128x128xf32, #tpu.memory_space<vmem>>) target(%dma_start3A_134 : memref<128x128xf32, #tpu.memory_space<hbm>>) target_semaphore(%arg13 : memref<!tpu.dma_semaphore, #tpu.memory_space<semaphore_mem>>)
      %dma_wait3A_139 = arith.constant 2 : i32
      %dma_wait3A_140 = arith.constant 0 : i32
      %dma_wait3A_141 = arith.constant 0 : i32
      %dma_wait3A_142 = tpu.memref_slice %arg6[%dma_wait3A_139, %dma_wait3A_140, %dma_wait3A_141] : memref<5x128x128xf32, #tpu.memory_space<vmem>> -> memref<1x128x128xf32, #tpu.memory_space<vmem>>
      %dma_wait3A_143 = tpu.memref_squeeze %dma_wait3A_142 : memref<1x128x128xf32, #tpu.memory_space<vmem>> -> memref<128x128xf32, #tpu.memory_space<vmem>>
      %dma_wait3A_144 = tpu.memref_slice %arg5[%mul3A_42] : memref<5120xi32, #tpu.memory_space<vmem>> -> memref<128xi32, #tpu.memory_space<vmem>>
      %dma_wait3A_145 = arith.constant 0 : i32
      %dma_wait3A_146 = arith.constant 0 : i32
      %dma_wait3A_147 = tpu.memref_slice %arg2[%dma_wait3A_145, %dma_wait3A_146] : memref<10000x128xf32, #tpu.memory_space<hbm>> -> memref<10000x128xf32, #tpu.memory_space<hbm>>
      tpu.wait_indirect_dma semaphore(%arg9 : memref<!tpu.dma_semaphore, #tpu.memory_space<semaphore_mem>>) src(%dma_wait3A_147 : memref<10000x128xf32, #tpu.memory_space<hbm>>) dst(%dma_wait3A_143 : memref<128x128xf32, #tpu.memory_space<vmem>>)
      %mul3A_148 = arith.constant 5 : i32
      %mul3A_149 = arith.muli %scan3A_7, %mul3A_148 : i32
      %add3A_150 = arith.constant 2 : i32
      %add3A_151 = arith.addi %mul3A_149, %add3A_150 : i32
      %mul3A_152 = arith.constant 128 : i32
      %mul3A_153 = arith.muli %add3A_151, %mul3A_152 : i32
      %add3A_154 = arith.addi %mul3A_2, %mul3A_153 : i32
      %dma_start3A_155 = arith.constant 2 : i32
      %dma_start3A_156 = arith.constant 0 : i32
      %dma_start3A_157 = arith.constant 0 : i32
      %dma_start3A_158 = tpu.memref_slice %arg6[%dma_start3A_155, %dma_start3A_156, %dma_start3A_157] : memref<5x128x128xf32, #tpu.memory_space<vmem>> -> memref<1x128x128xf32, #tpu.memory_space<vmem>>
      %dma_start3A_159 = tpu.memref_squeeze %dma_start3A_158 : memref<1x128x128xf32, #tpu.memory_space<vmem>> -> memref<128x128xf32, #tpu.memory_space<vmem>>
      %dma_start3A_160 = arith.constant 0 : i32
      %dma_start3A_161 = tpu.memref_slice %arg4[%add3A_154, %dma_start3A_160] : memref<163840x128xf32, #tpu.memory_space<hbm>> -> memref<128x128xf32, #tpu.memory_space<hbm>>
      %dma_start3A_162 = arith.constant 0 : i32
      %dma_start3A_163 = tpu.memref_slice %arg4[%add3A_154, %dma_start3A_162] : memref<163840x128xf32, #tpu.memory_space<hbm>> -> memref<128x128xf32, #tpu.memory_space<hbm>>
      %dma_start3A_164 = arith.constant 0 : i32
      %dma_start3A_165 = arith.constant 0 : i32
      %dma_start3A_166 = tpu.memref_slice %arg6[%dma_start3A_155, %dma_start3A_164, %dma_start3A_165] : memref<5x128x128xf32, #tpu.memory_space<vmem>> -> memref<1x128x128xf32, #tpu.memory_space<vmem>>
      %dma_start3A_167 = tpu.memref_squeeze %dma_start3A_166 : memref<1x128x128xf32, #tpu.memory_space<vmem>> -> memref<128x128xf32, #tpu.memory_space<vmem>>
      tpu.enqueue_dma source(%dma_start3A_167 : memref<128x128xf32, #tpu.memory_space<vmem>>) target(%dma_start3A_163 : memref<128x128xf32, #tpu.memory_space<hbm>>) target_semaphore(%arg14 : memref<!tpu.dma_semaphore, #tpu.memory_space<semaphore_mem>>)
      %dma_wait3A_168 = arith.constant 3 : i32
      %dma_wait3A_169 = arith.constant 0 : i32
      %dma_wait3A_170 = arith.constant 0 : i32
      %dma_wait3A_171 = tpu.memref_slice %arg6[%dma_wait3A_168, %dma_wait3A_169, %dma_wait3A_170] : memref<5x128x128xf32, #tpu.memory_space<vmem>> -> memref<1x128x128xf32, #tpu.memory_space<vmem>>
      %dma_wait3A_172 = tpu.memref_squeeze %dma_wait3A_171 : memref<1x128x128xf32, #tpu.memory_space<vmem>> -> memref<128x128xf32, #tpu.memory_space<vmem>>
      %dma_wait3A_173 = tpu.memref_slice %arg5[%mul3A_57] : memref<5120xi32, #tpu.memory_space<vmem>> -> memref<128xi32, #tpu.memory_space<vmem>>
      %dma_wait3A_174 = arith.constant 0 : i32
      %dma_wait3A_175 = arith.constant 0 : i32
      %dma_wait3A_176 = tpu.memref_slice %arg2[%dma_wait3A_174, %dma_wait3A_175] : memref<10000x128xf32, #tpu.memory_space<hbm>> -> memref<10000x128xf32, #tpu.memory_space<hbm>>
      tpu.wait_indirect_dma semaphore(%arg10 : memref<!tpu.dma_semaphore, #tpu.memory_space<semaphore_mem>>) src(%dma_wait3A_176 : memref<10000x128xf32, #tpu.memory_space<hbm>>) dst(%dma_wait3A_172 : memref<128x128xf32, #tpu.memory_space<vmem>>)
      %mul3A_177 = arith.constant 5 : i32
      %mul3A_178 = arith.muli %scan3A_7, %mul3A_177 : i32
      %add3A_179 = arith.constant 3 : i32
      %add3A_180 = arith.addi %mul3A_178, %add3A_179 : i32
      %mul3A_181 = arith.constant 128 : i32
      %mul3A_182 = arith.muli %add3A_180, %mul3A_181 : i32
      %add3A_183 = arith.addi %mul3A_2, %mul3A_182 : i32
      %dma_start3A_184 = arith.constant 3 : i32
      %dma_start3A_185 = arith.constant 0 : i32
      %dma_start3A_186 = arith.constant 0 : i32
      %dma_start3A_187 = tpu.memref_slice %arg6[%dma_start3A_184, %dma_start3A_185, %dma_start3A_186] : memref<5x128x128xf32, #tpu.memory_space<vmem>> -> memref<1x128x128xf32, #tpu.memory_space<vmem>>
      %dma_start3A_188 = tpu.memref_squeeze %dma_start3A_187 : memref<1x128x128xf32, #tpu.memory_space<vmem>> -> memref<128x128xf32, #tpu.memory_space<vmem>>
      %dma_start3A_189 = arith.constant 0 : i32
      %dma_start3A_190 = tpu.memref_slice %arg4[%add3A_183, %dma_start3A_189] : memref<163840x128xf32, #tpu.memory_space<hbm>> -> memref<128x128xf32, #tpu.memory_space<hbm>>
      %dma_start3A_191 = arith.constant 0 : i32
      %dma_start3A_192 = tpu.memref_slice %arg4[%add3A_183, %dma_start3A_191] : memref<163840x128xf32, #tpu.memory_space<hbm>> -> memref<128x128xf32, #tpu.memory_space<hbm>>
      %dma_start3A_193 = arith.constant 0 : i32
      %dma_start3A_194 = arith.constant 0 : i32
      %dma_start3A_195 = tpu.memref_slice %arg6[%dma_start3A_184, %dma_start3A_193, %dma_start3A_194] : memref<5x128x128xf32, #tpu.memory_space<vmem>> -> memref<1x128x128xf32, #tpu.memory_space<vmem>>
      %dma_start3A_196 = tpu.memref_squeeze %dma_start3A_195 : memref<1x128x128xf32, #tpu.memory_space<vmem>> -> memref<128x128xf32, #tpu.memory_space<vmem>>
      tpu.enqueue_dma source(%dma_start3A_196 : memref<128x128xf32, #tpu.memory_space<vmem>>) target(%dma_start3A_192 : memref<128x128xf32, #tpu.memory_space<hbm>>) target_semaphore(%arg15 : memref<!tpu.dma_semaphore, #tpu.memory_space<semaphore_mem>>)
      %dma_wait3A_197 = arith.constant 4 : i32
      %dma_wait3A_198 = arith.constant 0 : i32
      %dma_wait3A_199 = arith.constant 0 : i32
      %dma_wait3A_200 = tpu.memref_slice %arg6[%dma_wait3A_197, %dma_wait3A_198, %dma_wait3A_199] : memref<5x128x128xf32, #tpu.memory_space<vmem>> -> memref<1x128x128xf32, #tpu.memory_space<vmem>>
      %dma_wait3A_201 = tpu.memref_squeeze %dma_wait3A_200 : memref<1x128x128xf32, #tpu.memory_space<vmem>> -> memref<128x128xf32, #tpu.memory_space<vmem>>
      %dma_wait3A_202 = tpu.memref_slice %arg5[%mul3A_72] : memref<5120xi32, #tpu.memory_space<vmem>> -> memref<128xi32, #tpu.memory_space<vmem>>
      %dma_wait3A_203 = arith.constant 0 : i32
      %dma_wait3A_204 = arith.constant 0 : i32
      %dma_wait3A_205 = tpu.memref_slice %arg2[%dma_wait3A_203, %dma_wait3A_204] : memref<10000x128xf32, #tpu.memory_space<hbm>> -> memref<10000x128xf32, #tpu.memory_space<hbm>>
      tpu.wait_indirect_dma semaphore(%arg11 : memref<!tpu.dma_semaphore, #tpu.memory_space<semaphore_mem>>) src(%dma_wait3A_205 : memref<10000x128xf32, #tpu.memory_space<hbm>>) dst(%dma_wait3A_201 : memref<128x128xf32, #tpu.memory_space<vmem>>)
      %mul3A_206 = arith.constant 5 : i32
      %mul3A_207 = arith.muli %scan3A_7, %mul3A_206 : i32
      %add3A_208 = arith.constant 4 : i32
      %add3A_209 = arith.addi %mul3A_207, %add3A_208 : i32
      %mul3A_210 = arith.constant 128 : i32
      %mul3A_211 = arith.muli %add3A_209, %mul3A_210 : i32
      %add3A_212 = arith.addi %mul3A_2, %mul3A_211 : i32
      %dma_start3A_213 = arith.constant 4 : i32
      %dma_start3A_214 = arith.constant 0 : i32
      %dma_start3A_215 = arith.constant 0 : i32
      %dma_start3A_216 = tpu.memref_slice %arg6[%dma_start3A_213, %dma_start3A_214, %dma_start3A_215] : memref<5x128x128xf32, #tpu.memory_space<vmem>> -> memref<1x128x128xf32, #tpu.memory_space<vmem>>
      %dma_start3A_217 = tpu.memref_squeeze %dma_start3A_216 : memref<1x128x128xf32, #tpu.memory_space<vmem>> -> memref<128x128xf32, #tpu.memory_space<vmem>>
      %dma_start3A_218 = arith.constant 0 : i32
      %dma_start3A_219 = tpu.memref_slice %arg4[%add3A_212, %dma_start3A_218] : memref<163840x128xf32, #tpu.memory_space<hbm>> -> memref<128x128xf32, #tpu.memory_space<hbm>>
      %dma_start3A_220 = arith.constant 0 : i32
      %dma_start3A_221 = tpu.memref_slice %arg4[%add3A_212, %dma_start3A_220] : memref<163840x128xf32, #tpu.memory_space<hbm>> -> memref<128x128xf32, #tpu.memory_space<hbm>>
      %dma_start3A_222 = arith.constant 0 : i32
      %dma_start3A_223 = arith.constant 0 : i32
      %dma_start3A_224 = tpu.memref_slice %arg6[%dma_start3A_213, %dma_start3A_222, %dma_start3A_223] : memref<5x128x128xf32, #tpu.memory_space<vmem>> -> memref<1x128x128xf32, #tpu.memory_space<vmem>>
      %dma_start3A_225 = tpu.memref_squeeze %dma_start3A_224 : memref<1x128x128xf32, #tpu.memory_space<vmem>> -> memref<128x128xf32, #tpu.memory_space<vmem>>
      tpu.enqueue_dma source(%dma_start3A_225 : memref<128x128xf32, #tpu.memory_space<vmem>>) target(%dma_start3A_221 : memref<128x128xf32, #tpu.memory_space<hbm>>) target_semaphore(%arg16 : memref<!tpu.dma_semaphore, #tpu.memory_space<semaphore_mem>>)
      %dma_wait3A_226 = arith.constant 0 : i32
      %dma_wait3A_227 = arith.constant 0 : i32
      %dma_wait3A_228 = arith.constant 0 : i32
      %dma_wait3A_229 = tpu.memref_slice %arg6[%dma_wait3A_226, %dma_wait3A_227, %dma_wait3A_228] : memref<5x128x128xf32, #tpu.memory_space<vmem>> -> memref<1x128x128xf32, #tpu.memory_space<vmem>>
      %dma_wait3A_230 = tpu.memref_squeeze %dma_wait3A_229 : memref<1x128x128xf32, #tpu.memory_space<vmem>> -> memref<128x128xf32, #tpu.memory_space<vmem>>
      %dma_wait3A_231 = arith.constant 0 : i32
      %dma_wait3A_232 = tpu.memref_slice %arg4[%add3A_96, %dma_wait3A_231] : memref<163840x128xf32, #tpu.memory_space<hbm>> -> memref<128x128xf32, #tpu.memory_space<hbm>>
      %dma_wait3A_233 = arith.constant 0 : i32
      %dma_wait3A_234 = tpu.memref_slice %arg4[%add3A_96, %dma_wait3A_233] : memref<163840x128xf32, #tpu.memory_space<hbm>> -> memref<128x128xf32, #tpu.memory_space<hbm>>
      %dma_wait3A_235 = arith.constant 0 : i32
      %dma_wait3A_236 = arith.constant 0 : i32
      %dma_wait3A_237 = tpu.memref_slice %arg6[%dma_wait3A_226, %dma_wait3A_235, %dma_wait3A_236] : memref<5x128x128xf32, #tpu.memory_space<vmem>> -> memref<1x128x128xf32, #tpu.memory_space<vmem>>
      %dma_wait3A_238 = tpu.memref_squeeze %dma_wait3A_237 : memref<1x128x128xf32, #tpu.memory_space<vmem>> -> memref<128x128xf32, #tpu.memory_space<vmem>>
      tpu.wait_dma2 semaphore(%arg12 : memref<!tpu.dma_semaphore, #tpu.memory_space<semaphore_mem>>) src(%dma_wait3A_238 : memref<128x128xf32, #tpu.memory_space<vmem>>) dst(%dma_wait3A_234 : memref<128x128xf32, #tpu.memory_space<hbm>>)
      %dma_wait3A_239 = arith.constant 1 : i32
      %dma_wait3A_240 = arith.constant 0 : i32
      %dma_wait3A_241 = arith.constant 0 : i32
      %dma_wait3A_242 = tpu.memref_slice %arg6[%dma_wait3A_239, %dma_wait3A_240, %dma_wait3A_241] : memref<5x128x128xf32, #tpu.memory_space<vmem>> -> memref<1x128x128xf32, #tpu.memory_space<vmem>>
      %dma_wait3A_243 = tpu.memref_squeeze %dma_wait3A_242 : memref<1x128x128xf32, #tpu.memory_space<vmem>> -> memref<128x128xf32, #tpu.memory_space<vmem>>
      %dma_wait3A_244 = arith.constant 0 : i32
      %dma_wait3A_245 = tpu.memref_slice %arg4[%add3A_125, %dma_wait3A_244] : memref<163840x128xf32, #tpu.memory_space<hbm>> -> memref<128x128xf32, #tpu.memory_space<hbm>>
      %dma_wait3A_246 = arith.constant 0 : i32
      %dma_wait3A_247 = tpu.memref_slice %arg4[%add3A_125, %dma_wait3A_246] : memref<163840x128xf32, #tpu.memory_space<hbm>> -> memref<128x128xf32, #tpu.memory_space<hbm>>
      %dma_wait3A_248 = arith.constant 0 : i32
      %dma_wait3A_249 = arith.constant 0 : i32
      %dma_wait3A_250 = tpu.memref_slice %arg6[%dma_wait3A_239, %dma_wait3A_248, %dma_wait3A_249] : memref<5x128x128xf32, #tpu.memory_space<vmem>> -> memref<1x128x128xf32, #tpu.memory_space<vmem>>
      %dma_wait3A_251 = tpu.memref_squeeze %dma_wait3A_250 : memref<1x128x128xf32, #tpu.memory_space<vmem>> -> memref<128x128xf32, #tpu.memory_space<vmem>>
      tpu.wait_dma2 semaphore(%arg13 : memref<!tpu.dma_semaphore, #tpu.memory_space<semaphore_mem>>) src(%dma_wait3A_251 : memref<128x128xf32, #tpu.memory_space<vmem>>) dst(%dma_wait3A_247 : memref<128x128xf32, #tpu.memory_space<hbm>>)
      %dma_wait3A_252 = arith.constant 2 : i32
      %dma_wait3A_253 = arith.constant 0 : i32
      %dma_wait3A_254 = arith.constant 0 : i32
      %dma_wait3A_255 = tpu.memref_slice %arg6[%dma_wait3A_252, %dma_wait3A_253, %dma_wait3A_254] : memref<5x128x128xf32, #tpu.memory_space<vmem>> -> memref<1x128x128xf32, #tpu.memory_space<vmem>>
      %dma_wait3A_256 = tpu.memref_squeeze %dma_wait3A_255 : memref<1x128x128xf32, #tpu.memory_space<vmem>> -> memref<128x128xf32, #tpu.memory_space<vmem>>
      %dma_wait3A_257 = arith.constant 0 : i32
      %dma_wait3A_258 = tpu.memref_slice %arg4[%add3A_154, %dma_wait3A_257] : memref<163840x128xf32, #tpu.memory_space<hbm>> -> memref<128x128xf32, #tpu.memory_space<hbm>>
      %dma_wait3A_259 = arith.constant 0 : i32
      %dma_wait3A_260 = tpu.memref_slice %arg4[%add3A_154, %dma_wait3A_259] : memref<163840x128xf32, #tpu.memory_space<hbm>> -> memref<128x128xf32, #tpu.memory_space<hbm>>
      %dma_wait3A_261 = arith.constant 0 : i32
      %dma_wait3A_262 = arith.constant 0 : i32
      %dma_wait3A_263 = tpu.memref_slice %arg6[%dma_wait3A_252, %dma_wait3A_261, %dma_wait3A_262] : memref<5x128x128xf32, #tpu.memory_space<vmem>> -> memref<1x128x128xf32, #tpu.memory_space<vmem>>
      %dma_wait3A_264 = tpu.memref_squeeze %dma_wait3A_263 : memref<1x128x128xf32, #tpu.memory_space<vmem>> -> memref<128x128xf32, #tpu.memory_space<vmem>>
      tpu.wait_dma2 semaphore(%arg14 : memref<!tpu.dma_semaphore, #tpu.memory_space<semaphore_mem>>) src(%dma_wait3A_264 : memref<128x128xf32, #tpu.memory_space<vmem>>) dst(%dma_wait3A_260 : memref<128x128xf32, #tpu.memory_space<hbm>>)
      %dma_wait3A_265 = arith.constant 3 : i32
      %dma_wait3A_266 = arith.constant 0 : i32
      %dma_wait3A_267 = arith.constant 0 : i32
      %dma_wait3A_268 = tpu.memref_slice %arg6[%dma_wait3A_265, %dma_wait3A_266, %dma_wait3A_267] : memref<5x128x128xf32, #tpu.memory_space<vmem>> -> memref<1x128x128xf32, #tpu.memory_space<vmem>>
      %dma_wait3A_269 = tpu.memref_squeeze %dma_wait3A_268 : memref<1x128x128xf32, #tpu.memory_space<vmem>> -> memref<128x128xf32, #tpu.memory_space<vmem>>
      %dma_wait3A_270 = arith.constant 0 : i32
      %dma_wait3A_271 = tpu.memref_slice %arg4[%add3A_183, %dma_wait3A_270] : memref<163840x128xf32, #tpu.memory_space<hbm>> -> memref<128x128xf32, #tpu.memory_space<hbm>>
      %dma_wait3A_272 = arith.constant 0 : i32
      %dma_wait3A_273 = tpu.memref_slice %arg4[%add3A_183, %dma_wait3A_272] : memref<163840x128xf32, #tpu.memory_space<hbm>> -> memref<128x128xf32, #tpu.memory_space<hbm>>
      %dma_wait3A_274 = arith.constant 0 : i32
      %dma_wait3A_275 = arith.constant 0 : i32
      %dma_wait3A_276 = tpu.memref_slice %arg6[%dma_wait3A_265, %dma_wait3A_274, %dma_wait3A_275] : memref<5x128x128xf32, #tpu.memory_space<vmem>> -> memref<1x128x128xf32, #tpu.memory_space<vmem>>
      %dma_wait3A_277 = tpu.memref_squeeze %dma_wait3A_276 : memref<1x128x128xf32, #tpu.memory_space<vmem>> -> memref<128x128xf32, #tpu.memory_space<vmem>>
      tpu.wait_dma2 semaphore(%arg15 : memref<!tpu.dma_semaphore, #tpu.memory_space<semaphore_mem>>) src(%dma_wait3A_277 : memref<128x128xf32, #tpu.memory_space<vmem>>) dst(%dma_wait3A_273 : memref<128x128xf32, #tpu.memory_space<hbm>>)
      %dma_wait3A_278 = arith.constant 4 : i32
      %dma_wait3A_279 = arith.constant 0 : i32
      %dma_wait3A_280 = arith.constant 0 : i32
      %dma_wait3A_281 = tpu.memref_slice %arg6[%dma_wait3A_278, %dma_wait3A_279, %dma_wait3A_280] : memref<5x128x128xf32, #tpu.memory_space<vmem>> -> memref<1x128x128xf32, #tpu.memory_space<vmem>>
      %dma_wait3A_282 = tpu.memref_squeeze %dma_wait3A_281 : memref<1x128x128xf32, #tpu.memory_space<vmem>> -> memref<128x128xf32, #tpu.memory_space<vmem>>
      %dma_wait3A_283 = arith.constant 0 : i32
      %dma_wait3A_284 = tpu.memref_slice %arg4[%add3A_212, %dma_wait3A_283] : memref<163840x128xf32, #tpu.memory_space<hbm>> -> memref<128x128xf32, #tpu.memory_space<hbm>>
      %dma_wait3A_285 = arith.constant 0 : i32
      %dma_wait3A_286 = tpu.memref_slice %arg4[%add3A_212, %dma_wait3A_285] : memref<163840x128xf32, #tpu.memory_space<hbm>> -> memref<128x128xf32, #tpu.memory_space<hbm>>
      %dma_wait3A_287 = arith.constant 0 : i32
      %dma_wait3A_288 = arith.constant 0 : i32
      %dma_wait3A_289 = tpu.memref_slice %arg6[%dma_wait3A_278, %dma_wait3A_287, %dma_wait3A_288] : memref<5x128x128xf32, #tpu.memory_space<vmem>> -> memref<1x128x128xf32, #tpu.memory_space<vmem>>
      %dma_wait3A_290 = tpu.memref_squeeze %dma_wait3A_289 : memref<1x128x128xf32, #tpu.memory_space<vmem>> -> memref<128x128xf32, #tpu.memory_space<vmem>>
      tpu.wait_dma2 semaphore(%arg16 : memref<!tpu.dma_semaphore, #tpu.memory_space<semaphore_mem>>) src(%dma_wait3A_290 : memref<128x128xf32, #tpu.memory_space<vmem>>) dst(%dma_wait3A_286 : memref<128x128xf32, #tpu.memory_space<hbm>>)
    }
    %scan3A_6 = arith.constant 8 : i32
    return
  }
}

module attributes {stable_mosaic.version = 14 : i64} {
  func.func @body(%arg0: memref<10000x4xf32, #tpu.memory_space<vmem>>, %arg1: memref<4x32xf32, #tpu.memory_space<vmem>>, %arg2: memref<1x32xf32, #tpu.memory_space<vmem>>, %arg3: memref<10000x128xf32, #tpu.memory_space<vmem>>) attributes {dimension_semantics = [], scalar_prefetch = 0 : i64, scratch_operands = 0 : i64, tpu.core_type = #tpu.core_type<tc>} {
    %get3A = arith.constant 0 : index
    %get3A_0 = arith.constant 0 : index
    %get3A_1 = vector.load %arg0[%get3A, %get3A_0] : memref<10000x4xf32, #tpu.memory_space<vmem>>, vector<10000x4xf32>
    %get3A_2 = arith.constant 0 : index
    %get3A_3 = arith.constant 0 : index
    %get3A_4 = vector.load %arg1[%get3A_2, %get3A_3] : memref<4x32xf32, #tpu.memory_space<vmem>>, vector<4x32xf32>
    %dot_general3A = arith.constant dense<0.000000e+00> : vector<10000x32xf32>
    %dot_general3A_5 = tpu.matmul %get3A_1, %get3A_4, %dot_general3A {dimension_numbers = #tpu.dot_dimension_numbers<[1], [0], [0], [1], [0, 0, 1, 1], [], []>, transpose_lhs_hint = false} : vector<10000x4xf32>, vector<4x32xf32>, vector<10000x32xf32> -> vector<10000x32xf32>
    %get3A_6 = arith.constant 0 : index
    %get3A_7 = arith.constant 0 : index
    %get3A_8 = vector.load %arg2[%get3A_6, %get3A_7] : memref<1x32xf32, #tpu.memory_space<vmem>>, vector<1x32xf32>
    %add3A = vector.broadcast %get3A_8 : vector<1x32xf32> to vector<10000x32xf32>
    %add3A_9 = arith.addf %dot_general3A_5, %add3A : vector<10000x32xf32>
    %ge3A = arith.constant 0.000000e+00 : f32
    %ge3A_10 = vector.broadcast %ge3A : f32 to vector<10000x32xf32>
    %ge3A_11 = arith.cmpf oge, %add3A_9, %ge3A_10 : vector<10000x32xf32>
    %mul3A = arith.constant 1.000000e-01 : f32
    %mul3A_12 = vector.broadcast %mul3A : f32 to vector<10000x32xf32>
    %mul3A_13 = arith.mulf %mul3A_12, %add3A_9 : vector<10000x32xf32>
    %select_n3A = arith.select %ge3A_11, %add3A_9, %mul3A_13 : vector<10000x32xi1>, vector<10000x32xf32>
    %broadcast_in_dim3A = arith.constant 0.000000e+00 : f32
    %broadcast_in_dim3A_14 = vector.broadcast %broadcast_in_dim3A : f32 to vector<10000x96xf32>
    %concatenate3A = tpu.concatenate %select_n3A, %broadcast_in_dim3A_14 in 1 : vector<10000x32xf32>, vector<10000x96xf32> -> vector<10000x128xf32>
    %swap3A = arith.constant 0 : index
    %swap3A_15 = arith.constant 0 : index
    %swap3A_16 = vector.load %arg3[%swap3A, %swap3A_15] : memref<10000x128xf32, #tpu.memory_space<vmem>>, vector<10000x128xf32>
    tpu.vector_store %arg3[%swap3A, %swap3A_15], %concatenate3A {strides = array<i32>} : memref<10000x128xf32, #tpu.memory_space<vmem>>, vector<10000x128xf32>,
    return
  }
}

module attributes {stable_mosaic.version = 14 : i64} {
  func.func @body(%arg0: i32, %arg1: memref<1024x5xf32, #tpu.memory_space<vmem>>, %arg2: memref<1024x128xf32, #tpu.memory_space<vmem>>, %arg3: memref<5x32xf32, #tpu.memory_space<vmem>>, %arg4: memref<1x32xf32, #tpu.memory_space<vmem>>, %arg5: memref<32x32xf32, #tpu.memory_space<vmem>>, %arg6: memref<1x32xf32, #tpu.memory_space<vmem>>, %arg7: memref<1024x32xf32, #tpu.memory_space<vmem>>, %arg8: memref<32x32xf32, #tpu.memory_space<vmem>>, %arg9: memref<32x1024xf32, #tpu.memory_space<vmem>>, %arg10: memref<32x1024xf32, #tpu.memory_space<vmem>>, %arg11: memref<1024x128xf32, #tpu.memory_space<vmem>>) attributes {dimension_semantics = [#tpu.dimension_semantics<arbitrary>], iteration_bounds = array<i64: 160>, scalar_prefetch = 0 : i64, scratch_operands = 0 : i64, tpu.core_type = #tpu.core_type<tc>, window_params = [{transform_indices = @transform_0, window_bounds = array<i64: 1024, 5>}, {transform_indices = @transform_1, window_bounds = array<i64: 1024, 128>}, {pipeline_mode = #tpu.pipeline_mode<synchronous>, transform_indices = @transform_2, window_bounds = array<i64: 5, 32>}, {pipeline_mode = #tpu.pipeline_mode<synchronous>, transform_indices = @transform_3, window_bounds = array<i64: 1, 32>}, {pipeline_mode = #tpu.pipeline_mode<synchronous>, transform_indices = @transform_4, window_bounds = array<i64: 32, 32>}, {pipeline_mode = #tpu.pipeline_mode<synchronous>, transform_indices = @transform_5, window_bounds = array<i64: 1, 32>}, {pipeline_mode = #tpu.pipeline_mode<synchronous>, transform_indices = @transform_6, window_bounds = array<i64: 1024, 32>}, {pipeline_mode = #tpu.pipeline_mode<synchronous>, transform_indices = @transform_7, window_bounds = array<i64: 32, 32>}, {pipeline_mode = #tpu.pipeline_mode<synchronous>, transform_indices = @transform_8, window_bounds = array<i64: 32, 1024>}, {pipeline_mode = #tpu.pipeline_mode<synchronous>, transform_indices = @transform_9, window_bounds = array<i64: 32, 1024>}, {transform_indices = @transform_10, window_bounds = array<i64: 1024, 128>}]} {
    %get3A = arith.constant 0 : index
    %get3A_0 = arith.constant 0 : index
    %get3A_1 = vector.load %arg1[%get3A, %get3A_0] : memref<1024x5xf32, #tpu.memory_space<vmem>>, vector<1024x5xf32>
    %get3A_2 = arith.constant 0 : index
    %get3A_3 = arith.constant 0 : index
    %get3A_4 = vector.load %arg3[%get3A_2, %get3A_3] : memref<5x32xf32, #tpu.memory_space<vmem>>, vector<5x32xf32>
    %dot_general3A = arith.constant dense<0.000000e+00> : vector<1024x32xf32>
    %dot_general3A_5 = tpu.matmul %get3A_1, %get3A_4, %dot_general3A {dimension_numbers = #tpu.dot_dimension_numbers<[1], [0], [0], [1], [0, 0, 1, 1], [], []>, transpose_lhs_hint = false} : vector<1024x5xf32>, vector<5x32xf32>, vector<1024x32xf32> -> vector<1024x32xf32>
    %get3A_6 = arith.constant 0 : index
    %get3A_7 = arith.constant 0 : index
    %get3A_8 = vector.load %arg4[%get3A_6, %get3A_7] : memref<1x32xf32, #tpu.memory_space<vmem>>, vector<1x32xf32>
    %add3A = vector.broadcast %get3A_8 : vector<1x32xf32> to vector<1024x32xf32>
    %add3A_9 = arith.addf %dot_general3A_5, %add3A : vector<1024x32xf32>
    %ge3A = arith.constant 0.000000e+00 : f32
    %ge3A_10 = vector.broadcast %ge3A : f32 to vector<1024x32xf32>
    %ge3A_11 = arith.cmpf oge, %add3A_9, %ge3A_10 : vector<1024x32xf32>
    %mul3A = arith.constant 1.000000e-01 : f32
    %mul3A_12 = vector.broadcast %mul3A : f32 to vector<1024x32xf32>
    %mul3A_13 = arith.mulf %mul3A_12, %add3A_9 : vector<1024x32xf32>
    %select_n3A = arith.select %ge3A_11, %add3A_9, %mul3A_13 : vector<1024x32xi1>, vector<1024x32xf32>
    %get3A_14 = arith.constant 0 : index
    %get3A_15 = arith.constant 0 : index
    %get3A_16 = vector.load %arg5[%get3A_14, %get3A_15] : memref<32x32xf32, #tpu.memory_space<vmem>>, vector<32x32xf32>
    %dot_general3A_17 = arith.constant dense<0.000000e+00> : vector<1024x32xf32>
    %dot_general3A_18 = tpu.matmul %select_n3A, %get3A_16, %dot_general3A_17 {dimension_numbers = #tpu.dot_dimension_numbers<[1], [0], [0], [1], [0, 0, 1, 1], [], []>, transpose_lhs_hint = false} : vector<1024x32xf32>, vector<32x32xf32>, vector<1024x32xf32> -> vector<1024x32xf32>
    %get3A_19 = arith.constant 0 : index
    %get3A_20 = arith.constant 0 : index
    %get3A_21 = vector.load %arg6[%get3A_19, %get3A_20] : memref<1x32xf32, #tpu.memory_space<vmem>>, vector<1x32xf32>
    %add3A_22 = vector.broadcast %get3A_21 : vector<1x32xf32> to vector<1024x32xf32>
    %add3A_23 = arith.addf %dot_general3A_18, %add3A_22 : vector<1024x32xf32>
    %ge3A_24 = arith.constant 0.000000e+00 : f32
    %ge3A_25 = vector.broadcast %ge3A_24 : f32 to vector<1024x32xf32>
    %ge3A_26 = arith.cmpf oge, %add3A_23, %ge3A_25 : vector<1024x32xf32>
    %mul3A_27 = arith.constant 1.000000e-01 : f32
    %mul3A_28 = vector.broadcast %mul3A_27 : f32 to vector<1024x32xf32>
    %mul3A_29 = arith.mulf %mul3A_28, %add3A_23 : vector<1024x32xf32>
    %select_n3A_30 = arith.select %ge3A_26, %add3A_23, %mul3A_29 : vector<1024x32xi1>, vector<1024x32xf32>
    %get3A_31 = arith.constant 0 : index
    %get3A_32 = arith.constant 0 : index
    %get3A_33 = vector.load %arg2[%get3A_31, %get3A_32] : memref<1024x128xf32, #tpu.memory_space<vmem>>, vector<1024x32xf32>
    %get3A_34 = arith.constant 0 : index
    %get3A_35 = arith.constant 0 : index
    %get3A_36 = vector.load %arg9[%get3A_34, %get3A_35] : memref<32x1024xf32, #tpu.memory_space<vmem>>, vector<32x1024xf32>
    %dot_general3A_37 = arith.constant dense<0.000000e+00> : vector<1024x1024xf32>
    %dot_general3A_38 = tpu.matmul %select_n3A_30, %get3A_36, %dot_general3A_37 {dimension_numbers = #tpu.dot_dimension_numbers<[1], [0], [0], [1], [0, 0, 1, 1], [], []>, transpose_lhs_hint = false} : vector<1024x32xf32>, vector<32x1024xf32>, vector<1024x1024xf32> -> vector<1024x1024xf32>
    %get3A_39 = arith.constant 0 : index
    %get3A_40 = arith.constant 0 : index
    %get3A_41 = vector.load %arg10[%get3A_39, %get3A_40] : memref<32x1024xf32, #tpu.memory_space<vmem>>, vector<32x1024xf32>
    %dot_general3A_42 = arith.constant dense<0.000000e+00> : vector<1024x1024xf32>
    %dot_general3A_43 = tpu.matmul %get3A_33, %get3A_41, %dot_general3A_42 {dimension_numbers = #tpu.dot_dimension_numbers<[1], [0], [0], [1], [0, 0, 1, 1], [], []>, transpose_lhs_hint = false} : vector<1024x32xf32>, vector<32x1024xf32>, vector<1024x1024xf32> -> vector<1024x1024xf32>
    %mul3A_44 = arith.mulf %dot_general3A_38, %dot_general3A_43 : vector<1024x1024xf32>
    %get3A_45 = arith.constant 0 : index
    %get3A_46 = arith.constant 0 : index
    %get3A_47 = vector.load %arg7[%get3A_45, %get3A_46] : memref<1024x32xf32, #tpu.memory_space<vmem>>, vector<1024x32xf32>
    %dot_general3A_48 = arith.constant dense<0.000000e+00> : vector<1024x32xf32>
    %dot_general3A_49 = tpu.matmul %mul3A_44, %get3A_47, %dot_general3A_48 {dimension_numbers = #tpu.dot_dimension_numbers<[1], [0], [0], [1], [0, 0, 1, 1], [], []>, transpose_lhs_hint = false} : vector<1024x1024xf32>, vector<1024x32xf32>, vector<1024x32xf32> -> vector<1024x32xf32>
    %get3A_50 = arith.constant 0 : index
    %get3A_51 = arith.constant 0 : index
    %get3A_52 = vector.load %arg8[%get3A_50, %get3A_51] : memref<32x32xf32, #tpu.memory_space<vmem>>, vector<32x32xf32>
    %dot_general3A_53 = arith.constant dense<0.000000e+00> : vector<1024x32xf32>
    %dot_general3A_54 = tpu.matmul %get3A_33, %get3A_52, %dot_general3A_53 {dimension_numbers = #tpu.dot_dimension_numbers<[1], [0], [0], [1], [0, 0, 1, 1], [], []>, transpose_lhs_hint = false} : vector<1024x32xf32>, vector<32x32xf32>, vector<1024x32xf32> -> vector<1024x32xf32>
    %add3A_55 = arith.addf %dot_general3A_49, %dot_general3A_54 : vector<1024x32xf32>
    %mul3A_56 = arith.constant 1024 : i32
    %mul3A_57 = arith.muli %arg0, %mul3A_56 : i32
    %iota3A = tpu.iota {dimensions = array<i32: 0>} : vector<1024x1xi32>
    %add3A_58 = vector.broadcast %mul3A_57 : i32 to vector<1024x1xi32>
    %add3A_59 = arith.addi %add3A_58, %iota3A : vector<1024x1xi32>
    %lt3A = arith.constant 160000 : i32
    %lt3A_60 = vector.broadcast %lt3A : i32 to vector<1024x1xi32>
    %lt3A_61 = arith.cmpi slt, %add3A_59, %lt3A_60 : vector<1024x1xi32>
    %convert_element_type3A = arith.extui %lt3A_61 : vector<1024x1xi1> to vector<1024x1xi32>
    %convert_element_type3A_62 = arith.sitofp %convert_element_type3A : vector<1024x1xi32> to vector<1024x1xf32>
    %mul3A_63 = vector.broadcast %convert_element_type3A_62 : vector<1024x1xf32> to vector<1024x32xf32>
    %mul3A_64 = arith.mulf %add3A_55, %mul3A_63 : vector<1024x32xf32>
    %broadcast_in_dim3A = arith.constant 0.000000e+00 : f32
    %broadcast_in_dim3A_65 = vector.broadcast %broadcast_in_dim3A : f32 to vector<1024x95xf32>
    %concatenate3A = tpu.concatenate %mul3A_64, %convert_element_type3A_62, %broadcast_in_dim3A_65 in 1 : vector<1024x32xf32>, vector<1024x1xf32>, vector<1024x95xf32> -> vector<1024x128xf32>
    %swap3A = arith.constant 0 : index
    %swap3A_66 = arith.constant 0 : index
    %swap3A_67 = vector.load %arg11[%swap3A, %swap3A_66] : memref<1024x128xf32, #tpu.memory_space<vmem>>, vector<1024x128xf32>
    tpu.vector_store %arg11[%swap3A, %swap3A_66], %concatenate3A {strides = array<i32>} : memref<1024x128xf32, #tpu.memory_space<vmem>>, vector<1024x128xf32>,
    return
  }
  func.func @transform_0(%arg0: i32) -> (i32, i32) {
    %c0_i32 = arith.constant 0 : i32
    %c0_i32_0 = arith.constant 0 : i32
    return %arg0, %c0_i32 : i32, i32
  }
  func.func @transform_1(%arg0: i32) -> (i32, i32) {
    %c0_i32 = arith.constant 0 : i32
    %c0_i32_0 = arith.constant 0 : i32
    return %arg0, %c0_i32 : i32, i32
  }
  func.func @transform_2(%arg0: i32) -> (i32, i32) {
    %c0_i32 = arith.constant 0 : i32
    %c0_i32_0 = arith.constant 0 : i32
    %c0_i32_1 = arith.constant 0 : i32
    return %c0_i32, %c0_i32_0 : i32, i32
  }
  func.func @transform_3(%arg0: i32) -> (i32, i32) {
    %c0_i32 = arith.constant 0 : i32
    %c0_i32_0 = arith.constant 0 : i32
    %c0_i32_1 = arith.constant 0 : i32
    return %c0_i32, %c0_i32_0 : i32, i32
  }
  func.func @transform_4(%arg0: i32) -> (i32, i32) {
    %c0_i32 = arith.constant 0 : i32
    %c0_i32_0 = arith.constant 0 : i32
    %c0_i32_1 = arith.constant 0 : i32
    return %c0_i32, %c0_i32_0 : i32, i32
  }
  func.func @transform_5(%arg0: i32) -> (i32, i32) {
    %c0_i32 = arith.constant 0 : i32
    %c0_i32_0 = arith.constant 0 : i32
    %c0_i32_1 = arith.constant 0 : i32
    return %c0_i32, %c0_i32_0 : i32, i32
  }
  func.func @transform_6(%arg0: i32) -> (i32, i32) {
    %c0_i32 = arith.constant 0 : i32
    %c0_i32_0 = arith.constant 0 : i32
    %c0_i32_1 = arith.constant 0 : i32
    return %c0_i32, %c0_i32_0 : i32, i32
  }
  func.func @transform_7(%arg0: i32) -> (i32, i32) {
    %c0_i32 = arith.constant 0 : i32
    %c0_i32_0 = arith.constant 0 : i32
    %c0_i32_1 = arith.constant 0 : i32
    return %c0_i32, %c0_i32_0 : i32, i32
  }
  func.func @transform_8(%arg0: i32) -> (i32, i32) {
    %c0_i32 = arith.constant 0 : i32
    %c0_i32_0 = arith.constant 0 : i32
    %c0_i32_1 = arith.constant 0 : i32
    return %c0_i32, %c0_i32_0 : i32, i32
  }
  func.func @transform_9(%arg0: i32) -> (i32, i32) {
    %c0_i32 = arith.constant 0 : i32
    %c0_i32_0 = arith.constant 0 : i32
    %c0_i32_1 = arith.constant 0 : i32
    return %c0_i32, %c0_i32_0 : i32, i32
  }
  func.func @transform_10(%arg0: i32) -> (i32, i32) {
    %c0_i32 = arith.constant 0 : i32
    %c0_i32_0 = arith.constant 0 : i32
    return %arg0, %c0_i32 : i32, i32
  }
}

module attributes {stable_mosaic.version = 14 : i64} {
  func.func @body(%arg0: memref<2x10000x128xf32, #tpu.memory_space<vmem>>, %arg1: memref<10000x128xf32, #tpu.memory_space<vmem>>, %arg2: memref<32x32xf32, #tpu.memory_space<vmem>>, %arg3: memref<1x32xf32, #tpu.memory_space<vmem>>, %arg4: memref<1x32xf32, #tpu.memory_space<vmem>>, %arg5: memref<1x32xf32, #tpu.memory_space<vmem>>, %arg6: memref<10000x128xf32, #tpu.memory_space<vmem>>) attributes {dimension_semantics = [], scalar_prefetch = 0 : i64, scratch_operands = 0 : i64, tpu.core_type = #tpu.core_type<tc>} {
    %get3A = arith.constant 0 : index
    %get3A_0 = arith.constant 0 : index
    %get3A_1 = arith.constant 0 : index
    %get3A_2 = vector.load %arg0[%get3A, %get3A_0, %get3A_1] : memref<2x10000x128xf32, #tpu.memory_space<vmem>>, vector<1x10000x128xf32>
    %get3A_3 = vector.shape_cast %get3A_2 : vector<1x10000x128xf32> to vector<10000x128xf32>
    %get3A_4 = arith.constant 1 : index
    %get3A_5 = arith.constant 0 : index
    %get3A_6 = arith.constant 0 : index
    %get3A_7 = vector.load %arg0[%get3A_4, %get3A_5, %get3A_6] : memref<2x10000x128xf32, #tpu.memory_space<vmem>>, vector<1x10000x128xf32>
    %get3A_8 = vector.shape_cast %get3A_7 : vector<1x10000x128xf32> to vector<10000x128xf32>
    %add3A = arith.addf %get3A_3, %get3A_8 : vector<10000x128xf32>
    %slice3A = vector.extract_strided_slice %add3A {offsets = [0, 32], sizes = [10000, 1], strides = [1, 1]} : vector<10000x128xf32> to vector<10000x1xf32>
    %max3A = arith.constant 1.000000e+00 : f32
    %max3A_9 = vector.broadcast %max3A : f32 to vector<10000x1xf32>
    %max3A_10 = arith.maximumf %slice3A, %max3A_9 : vector<10000x1xf32>
    %get3A_11 = arith.constant 0 : index
    %get3A_12 = arith.constant 0 : index
    %get3A_13 = vector.load %arg1[%get3A_11, %get3A_12] : memref<10000x128xf32, #tpu.memory_space<vmem>>, vector<10000x32xf32>
    %slice3A_14 = vector.extract_strided_slice %add3A {offsets = [0, 0], sizes = [10000, 32], strides = [1, 1]} : vector<10000x128xf32> to vector<10000x32xf32>
    %div3A = vector.broadcast %max3A_10 : vector<10000x1xf32> to vector<10000x32xf32>
    %div3A_15 = arith.divf %slice3A_14, %div3A : vector<10000x32xf32>
    %get3A_16 = arith.constant 0 : index
    %get3A_17 = arith.constant 0 : index
    %get3A_18 = vector.load %arg2[%get3A_16, %get3A_17] : memref<32x32xf32, #tpu.memory_space<vmem>>, vector<32x32xf32>
    %dot_general3A = arith.constant dense<0.000000e+00> : vector<10000x32xf32>
    %dot_general3A_19 = tpu.matmul %get3A_13, %get3A_18, %dot_general3A {dimension_numbers = #tpu.dot_dimension_numbers<[1], [0], [0], [1], [0, 0, 1, 1], [], []>, transpose_lhs_hint = false} : vector<10000x32xf32>, vector<32x32xf32>, vector<10000x32xf32> -> vector<10000x32xf32>
    %add3A_20 = arith.addf %div3A_15, %dot_general3A_19 : vector<10000x32xf32>
    %get3A_21 = arith.constant 0 : index
    %get3A_22 = arith.constant 0 : index
    %get3A_23 = vector.load %arg3[%get3A_21, %get3A_22] : memref<1x32xf32, #tpu.memory_space<vmem>>, vector<1x32xf32>
    %add3A_24 = vector.broadcast %get3A_23 : vector<1x32xf32> to vector<10000x32xf32>
    %add3A_25 = arith.addf %add3A_20, %add3A_24 : vector<10000x32xf32>
    %reduce_sum3A = arith.constant dense<0.000000e+00> : vector<10000xf32>
    %reduce_sum3A_26 = vector.multi_reduction <add>, %add3A_25, %reduce_sum3A [1] : vector<10000x32xf32> to vector<10000xf32>
    %broadcast_in_dim3A = vector.shape_cast %reduce_sum3A_26 : vector<10000xf32> to vector<10000x1xf32>
    %div3A_27 = arith.constant 3.200000e+01 : f32
    %div3A_28 = vector.broadcast %div3A_27 : f32 to vector<10000x1xf32>
    %div3A_29 = arith.divf %broadcast_in_dim3A, %div3A_28 : vector<10000x1xf32>
    %sub3A = vector.broadcast %div3A_29 : vector<10000x1xf32> to vector<10000x32xf32>
    %sub3A_30 = arith.subf %add3A_25, %sub3A : vector<10000x32xf32>
    %integer_pow3A = arith.mulf %sub3A_30, %sub3A_30 : vector<10000x32xf32>
    %reduce_sum3A_31 = arith.constant dense<0.000000e+00> : vector<10000xf32>
    %reduce_sum3A_32 = vector.multi_reduction <add>, %integer_pow3A, %reduce_sum3A_31 [1] : vector<10000x32xf32> to vector<10000xf32>
    %broadcast_in_dim3A_33 = vector.shape_cast %reduce_sum3A_32 : vector<10000xf32> to vector<10000x1xf32>
    %div3A_34 = arith.constant 3.200000e+01 : f32
    %div3A_35 = vector.broadcast %div3A_34 : f32 to vector<10000x1xf32>
    %div3A_36 = arith.divf %broadcast_in_dim3A_33, %div3A_35 : vector<10000x1xf32>
    %sub3A_37 = vector.broadcast %div3A_29 : vector<10000x1xf32> to vector<10000x32xf32>
    %sub3A_38 = arith.subf %add3A_25, %sub3A_37 : vector<10000x32xf32>
    %add3A_39 = arith.constant 9.99999974E-6 : f32
    %add3A_40 = vector.broadcast %add3A_39 : f32 to vector<10000x1xf32>
    %add3A_41 = arith.addf %div3A_36, %add3A_40 : vector<10000x1xf32>
    %sqrt3A = math.sqrt %add3A_41 : vector<10000x1xf32>
    %div3A_42 = vector.broadcast %sqrt3A : vector<10000x1xf32> to vector<10000x32xf32>
    %div3A_43 = arith.divf %sub3A_38, %div3A_42 : vector<10000x32xf32>
    %get3A_44 = arith.constant 0 : index
    %get3A_45 = arith.constant 0 : index
    %get3A_46 = vector.load %arg4[%get3A_44, %get3A_45] : memref<1x32xf32, #tpu.memory_space<vmem>>, vector<1x32xf32>
    %mul3A = vector.broadcast %get3A_46 : vector<1x32xf32> to vector<10000x32xf32>
    %mul3A_47 = arith.mulf %div3A_43, %mul3A : vector<10000x32xf32>
    %get3A_48 = arith.constant 0 : index
    %get3A_49 = arith.constant 0 : index
    %get3A_50 = vector.load %arg5[%get3A_48, %get3A_49] : memref<1x32xf32, #tpu.memory_space<vmem>>, vector<1x32xf32>
    %add3A_51 = vector.broadcast %get3A_50 : vector<1x32xf32> to vector<10000x32xf32>
    %add3A_52 = arith.addf %mul3A_47, %add3A_51 : vector<10000x32xf32>
    %ge3A = arith.constant 0.000000e+00 : f32
    %ge3A_53 = vector.broadcast %ge3A : f32 to vector<10000x32xf32>
    %ge3A_54 = arith.cmpf oge, %add3A_52, %ge3A_53 : vector<10000x32xf32>
    %mul3A_55 = arith.constant 1.000000e-01 : f32
    %mul3A_56 = vector.broadcast %mul3A_55 : f32 to vector<10000x32xf32>
    %mul3A_57 = arith.mulf %mul3A_56, %add3A_52 : vector<10000x32xf32>
    %select_n3A = arith.select %ge3A_54, %add3A_52, %mul3A_57 : vector<10000x32xi1>, vector<10000x32xf32>
    %add3A_58 = arith.addf %select_n3A, %get3A_13 : vector<10000x32xf32>
    %broadcast_in_dim3A_59 = arith.constant 0.000000e+00 : f32
    %broadcast_in_dim3A_60 = vector.broadcast %broadcast_in_dim3A_59 : f32 to vector<10000x96xf32>
    %concatenate3A = tpu.concatenate %add3A_58, %broadcast_in_dim3A_60 in 1 : vector<10000x32xf32>, vector<10000x96xf32> -> vector<10000x128xf32>
    %swap3A = arith.constant 0 : index
    %swap3A_61 = arith.constant 0 : index
    %swap3A_62 = vector.load %arg6[%swap3A, %swap3A_61] : memref<10000x128xf32, #tpu.memory_space<vmem>>, vector<10000x128xf32>
    tpu.vector_store %arg6[%swap3A, %swap3A_61], %concatenate3A {strides = array<i32>} : memref<10000x128xf32, #tpu.memory_space<vmem>>, vector<10000x128xf32>,
    return
  }
}

module attributes {stable_mosaic.version = 14 : i64} {
  func.func @body(%arg0: memref<2x10000x128xf32, #tpu.memory_space<vmem>>, %arg1: memref<10000x128xf32, #tpu.memory_space<vmem>>, %arg2: memref<32x32xf32, #tpu.memory_space<vmem>>, %arg3: memref<1x32xf32, #tpu.memory_space<vmem>>, %arg4: memref<1x32xf32, #tpu.memory_space<vmem>>, %arg5: memref<1x32xf32, #tpu.memory_space<vmem>>, %arg6: memref<1x10000xi32, #tpu.memory_space<vmem>>, %arg7: memref<32x32xf32, #tpu.memory_space<vmem>>, %arg8: memref<1x32xf32, #tpu.memory_space<vmem>>, %arg9: memref<32x16xf32, #tpu.memory_space<vmem>>, %arg10: memref<1x16xf32, #tpu.memory_space<vmem>>, %arg11: memref<16x1xf32, #tpu.memory_space<vmem>>, %arg12: memref<1x1xf32, #tpu.memory_space<vmem>>, %arg13: memref<16x1xf32, #tpu.memory_space<vmem>>) attributes {dimension_semantics = [], scalar_prefetch = 0 : i64, scratch_operands = 0 : i64, tpu.core_type = #tpu.core_type<tc>} {
    %get3A = arith.constant 0 : index
    %get3A_0 = arith.constant 0 : index
    %get3A_1 = arith.constant 0 : index
    %get3A_2 = vector.load %arg0[%get3A, %get3A_0, %get3A_1] : memref<2x10000x128xf32, #tpu.memory_space<vmem>>, vector<1x10000x128xf32>
    %get3A_3 = vector.shape_cast %get3A_2 : vector<1x10000x128xf32> to vector<10000x128xf32>
    %get3A_4 = arith.constant 1 : index
    %get3A_5 = arith.constant 0 : index
    %get3A_6 = arith.constant 0 : index
    %get3A_7 = vector.load %arg0[%get3A_4, %get3A_5, %get3A_6] : memref<2x10000x128xf32, #tpu.memory_space<vmem>>, vector<1x10000x128xf32>
    %get3A_8 = vector.shape_cast %get3A_7 : vector<1x10000x128xf32> to vector<10000x128xf32>
    %add3A = arith.addf %get3A_3, %get3A_8 : vector<10000x128xf32>
    %slice3A = vector.extract_strided_slice %add3A {offsets = [0, 32], sizes = [10000, 1], strides = [1, 1]} : vector<10000x128xf32> to vector<10000x1xf32>
    %max3A = arith.constant 1.000000e+00 : f32
    %max3A_9 = vector.broadcast %max3A : f32 to vector<10000x1xf32>
    %max3A_10 = arith.maximumf %slice3A, %max3A_9 : vector<10000x1xf32>
    %get3A_11 = arith.constant 0 : index
    %get3A_12 = arith.constant 0 : index
    %get3A_13 = vector.load %arg1[%get3A_11, %get3A_12] : memref<10000x128xf32, #tpu.memory_space<vmem>>, vector<10000x32xf32>
    %slice3A_14 = vector.extract_strided_slice %add3A {offsets = [0, 0], sizes = [10000, 32], strides = [1, 1]} : vector<10000x128xf32> to vector<10000x32xf32>
    %div3A = vector.broadcast %max3A_10 : vector<10000x1xf32> to vector<10000x32xf32>
    %div3A_15 = arith.divf %slice3A_14, %div3A : vector<10000x32xf32>
    %get3A_16 = arith.constant 0 : index
    %get3A_17 = arith.constant 0 : index
    %get3A_18 = vector.load %arg2[%get3A_16, %get3A_17] : memref<32x32xf32, #tpu.memory_space<vmem>>, vector<32x32xf32>
    %dot_general3A = arith.constant dense<0.000000e+00> : vector<10000x32xf32>
    %dot_general3A_19 = tpu.matmul %get3A_13, %get3A_18, %dot_general3A {dimension_numbers = #tpu.dot_dimension_numbers<[1], [0], [0], [1], [0, 0, 1, 1], [], []>, transpose_lhs_hint = false} : vector<10000x32xf32>, vector<32x32xf32>, vector<10000x32xf32> -> vector<10000x32xf32>
    %add3A_20 = arith.addf %div3A_15, %dot_general3A_19 : vector<10000x32xf32>
    %get3A_21 = arith.constant 0 : index
    %get3A_22 = arith.constant 0 : index
    %get3A_23 = vector.load %arg3[%get3A_21, %get3A_22] : memref<1x32xf32, #tpu.memory_space<vmem>>, vector<1x32xf32>
    %add3A_24 = vector.broadcast %get3A_23 : vector<1x32xf32> to vector<10000x32xf32>
    %add3A_25 = arith.addf %add3A_20, %add3A_24 : vector<10000x32xf32>
    %reduce_sum3A = arith.constant dense<0.000000e+00> : vector<10000xf32>
    %reduce_sum3A_26 = vector.multi_reduction <add>, %add3A_25, %reduce_sum3A [1] : vector<10000x32xf32> to vector<10000xf32>
    %broadcast_in_dim3A = vector.shape_cast %reduce_sum3A_26 : vector<10000xf32> to vector<10000x1xf32>
    %div3A_27 = arith.constant 3.200000e+01 : f32
    %div3A_28 = vector.broadcast %div3A_27 : f32 to vector<10000x1xf32>
    %div3A_29 = arith.divf %broadcast_in_dim3A, %div3A_28 : vector<10000x1xf32>
    %sub3A = vector.broadcast %div3A_29 : vector<10000x1xf32> to vector<10000x32xf32>
    %sub3A_30 = arith.subf %add3A_25, %sub3A : vector<10000x32xf32>
    %integer_pow3A = arith.mulf %sub3A_30, %sub3A_30 : vector<10000x32xf32>
    %reduce_sum3A_31 = arith.constant dense<0.000000e+00> : vector<10000xf32>
    %reduce_sum3A_32 = vector.multi_reduction <add>, %integer_pow3A, %reduce_sum3A_31 [1] : vector<10000x32xf32> to vector<10000xf32>
    %broadcast_in_dim3A_33 = vector.shape_cast %reduce_sum3A_32 : vector<10000xf32> to vector<10000x1xf32>
    %div3A_34 = arith.constant 3.200000e+01 : f32
    %div3A_35 = vector.broadcast %div3A_34 : f32 to vector<10000x1xf32>
    %div3A_36 = arith.divf %broadcast_in_dim3A_33, %div3A_35 : vector<10000x1xf32>
    %sub3A_37 = vector.broadcast %div3A_29 : vector<10000x1xf32> to vector<10000x32xf32>
    %sub3A_38 = arith.subf %add3A_25, %sub3A_37 : vector<10000x32xf32>
    %add3A_39 = arith.constant 9.99999974E-6 : f32
    %add3A_40 = vector.broadcast %add3A_39 : f32 to vector<10000x1xf32>
    %add3A_41 = arith.addf %div3A_36, %add3A_40 : vector<10000x1xf32>
    %sqrt3A = math.sqrt %add3A_41 : vector<10000x1xf32>
    %div3A_42 = vector.broadcast %sqrt3A : vector<10000x1xf32> to vector<10000x32xf32>
    %div3A_43 = arith.divf %sub3A_38, %div3A_42 : vector<10000x32xf32>
    %get3A_44 = arith.constant 0 : index
    %get3A_45 = arith.constant 0 : index
    %get3A_46 = vector.load %arg4[%get3A_44, %get3A_45] : memref<1x32xf32, #tpu.memory_space<vmem>>, vector<1x32xf32>
    %mul3A = vector.broadcast %get3A_46 : vector<1x32xf32> to vector<10000x32xf32>
    %mul3A_47 = arith.mulf %div3A_43, %mul3A : vector<10000x32xf32>
    %get3A_48 = arith.constant 0 : index
    %get3A_49 = arith.constant 0 : index
    %get3A_50 = vector.load %arg5[%get3A_48, %get3A_49] : memref<1x32xf32, #tpu.memory_space<vmem>>, vector<1x32xf32>
    %add3A_51 = vector.broadcast %get3A_50 : vector<1x32xf32> to vector<10000x32xf32>
    %add3A_52 = arith.addf %mul3A_47, %add3A_51 : vector<10000x32xf32>
    %ge3A = arith.constant 0.000000e+00 : f32
    %ge3A_53 = vector.broadcast %ge3A : f32 to vector<10000x32xf32>
    %ge3A_54 = arith.cmpf oge, %add3A_52, %ge3A_53 : vector<10000x32xf32>
    %mul3A_55 = arith.constant 1.000000e-01 : f32
    %mul3A_56 = vector.broadcast %mul3A_55 : f32 to vector<10000x32xf32>
    %mul3A_57 = arith.mulf %mul3A_56, %add3A_52 : vector<10000x32xf32>
    %select_n3A = arith.select %ge3A_54, %add3A_52, %mul3A_57 : vector<10000x32xi1>, vector<10000x32xf32>
    %add3A_58 = arith.addf %select_n3A, %get3A_13 : vector<10000x32xf32>
    %iota3A = tpu.iota {dimensions = array<i32: 0>} : vector<16x10000xi32>
    %get3A_59 = arith.constant 0 : index
    %get3A_60 = arith.constant 0 : index
    %get3A_61 = vector.load %arg6[%get3A_59, %get3A_60] : memref<1x10000xi32, #tpu.memory_space<vmem>>, vector<1x10000xi32>
    %eq3A = vector.broadcast %get3A_61 : vector<1x10000xi32> to vector<16x10000xi32>
    %eq3A_62 = arith.cmpi eq, %eq3A, %iota3A : vector<16x10000xi32>
    %convert_element_type3A = arith.extui %eq3A_62 : vector<16x10000xi1> to vector<16x10000xi32>
    %convert_element_type3A_63 = arith.sitofp %convert_element_type3A : vector<16x10000xi32> to vector<16x10000xf32>
    %reduce_sum3A_64 = arith.constant dense<0.000000e+00> : vector<16xf32>
    %reduce_sum3A_65 = vector.multi_reduction <add>, %convert_element_type3A_63, %reduce_sum3A_64 [1] : vector<16x10000xf32> to vector<16xf32>
    %broadcast_in_dim3A_66 = vector.shape_cast %reduce_sum3A_65 : vector<16xf32> to vector<16x1xf32>
    %max3A_67 = arith.constant 1.000000e+00 : f32
    %max3A_68 = vector.broadcast %max3A_67 : f32 to vector<16x1xf32>
    %max3A_69 = arith.maximumf %broadcast_in_dim3A_66, %max3A_68 : vector<16x1xf32>
    %dot_general3A_70 = arith.constant dense<0.000000e+00> : vector<16x32xf32>
    %dot_general3A_71 = tpu.matmul %convert_element_type3A_63, %add3A_58, %dot_general3A_70 {dimension_numbers = #tpu.dot_dimension_numbers<[1], [0], [0], [1], [0, 0, 1, 1], [], []>, transpose_lhs_hint = false} : vector<16x10000xf32>, vector<10000x32xf32>, vector<16x32xf32> -> vector<16x32xf32>
    %div3A_72 = vector.broadcast %max3A_69 : vector<16x1xf32> to vector<16x32xf32>
    %div3A_73 = arith.divf %dot_general3A_71, %div3A_72 : vector<16x32xf32>
    %get3A_74 = arith.constant 0 : index
    %get3A_75 = arith.constant 0 : index
    %get3A_76 = vector.load %arg7[%get3A_74, %get3A_75] : memref<32x32xf32, #tpu.memory_space<vmem>>, vector<32x32xf32>
    %dot_general3A_77 = arith.constant dense<0.000000e+00> : vector<16x32xf32>
    %dot_general3A_78 = tpu.matmul %div3A_73, %get3A_76, %dot_general3A_77 {dimension_numbers = #tpu.dot_dimension_numbers<[1], [0], [0], [1], [0, 0, 1, 1], [], []>, transpose_lhs_hint = false} : vector<16x32xf32>, vector<32x32xf32>, vector<16x32xf32> -> vector<16x32xf32>
    %get3A_79 = arith.constant 0 : index
    %get3A_80 = arith.constant 0 : index
    %get3A_81 = vector.load %arg8[%get3A_79, %get3A_80] : memref<1x32xf32, #tpu.memory_space<vmem>>, vector<1x32xf32>
    %add3A_82 = vector.broadcast %get3A_81 : vector<1x32xf32> to vector<16x32xf32>
    %add3A_83 = arith.addf %dot_general3A_78, %add3A_82 : vector<16x32xf32>
    %ge3A_84 = arith.constant 0.000000e+00 : f32
    %ge3A_85 = vector.broadcast %ge3A_84 : f32 to vector<16x32xf32>
    %ge3A_86 = arith.cmpf oge, %add3A_83, %ge3A_85 : vector<16x32xf32>
    %mul3A_87 = arith.constant 1.000000e-01 : f32
    %mul3A_88 = vector.broadcast %mul3A_87 : f32 to vector<16x32xf32>
    %mul3A_89 = arith.mulf %mul3A_88, %add3A_83 : vector<16x32xf32>
    %select_n3A_90 = arith.select %ge3A_86, %add3A_83, %mul3A_89 : vector<16x32xi1>, vector<16x32xf32>
    %get3A_91 = arith.constant 0 : index
    %get3A_92 = arith.constant 0 : index
    %get3A_93 = vector.load %arg9[%get3A_91, %get3A_92] : memref<32x16xf32, #tpu.memory_space<vmem>>, vector<32x16xf32>
    %dot_general3A_94 = arith.constant dense<0.000000e+00> : vector<16x16xf32>
    %dot_general3A_95 = tpu.matmul %select_n3A_90, %get3A_93, %dot_general3A_94 {dimension_numbers = #tpu.dot_dimension_numbers<[1], [0], [0], [1], [0, 0, 1, 1], [], []>, transpose_lhs_hint = false} : vector<16x32xf32>, vector<32x16xf32>, vector<16x16xf32> -> vector<16x16xf32>
    %get3A_96 = arith.constant 0 : index
    %get3A_97 = arith.constant 0 : index
    %get3A_98 = vector.load %arg10[%get3A_96, %get3A_97] : memref<1x16xf32, #tpu.memory_space<vmem>>, vector<1x16xf32>
    %add3A_99 = vector.broadcast %get3A_98 : vector<1x16xf32> to vector<16x16xf32>
    %add3A_100 = arith.addf %dot_general3A_95, %add3A_99 : vector<16x16xf32>
    %ge3A_101 = arith.constant 0.000000e+00 : f32
    %ge3A_102 = vector.broadcast %ge3A_101 : f32 to vector<16x16xf32>
    %ge3A_103 = arith.cmpf oge, %add3A_100, %ge3A_102 : vector<16x16xf32>
    %mul3A_104 = arith.constant 1.000000e-01 : f32
    %mul3A_105 = vector.broadcast %mul3A_104 : f32 to vector<16x16xf32>
    %mul3A_106 = arith.mulf %mul3A_105, %add3A_100 : vector<16x16xf32>
    %select_n3A_107 = arith.select %ge3A_103, %add3A_100, %mul3A_106 : vector<16x16xi1>, vector<16x16xf32>
    %get3A_108 = arith.constant 0 : index
    %get3A_109 = arith.constant 0 : index
    %get3A_110 = vector.load %arg11[%get3A_108, %get3A_109] : memref<16x1xf32, #tpu.memory_space<vmem>>, vector<16x1xf32>
    %dot_general3A_111 = arith.constant dense<0.000000e+00> : vector<16x1xf32>
    %dot_general3A_112 = tpu.matmul %select_n3A_107, %get3A_110, %dot_general3A_111 {dimension_numbers = #tpu.dot_dimension_numbers<[1], [0], [0], [1], [0, 0, 1, 1], [], []>, transpose_lhs_hint = false} : vector<16x16xf32>, vector<16x1xf32>, vector<16x1xf32> -> vector<16x1xf32>
    %get3A_113 = arith.constant 0 : index
    %get3A_114 = arith.constant 0 : index
    %get3A_115 = vector.load %arg12[%get3A_113, %get3A_114] : memref<1x1xf32, #tpu.memory_space<vmem>>, vector<1x1xf32>
    %add3A_116 = vector.broadcast %get3A_115 : vector<1x1xf32> to vector<16x1xf32>
    %add3A_117 = arith.addf %dot_general3A_112, %add3A_116 : vector<16x1xf32>
    %swap3A = arith.constant 0 : index
    %swap3A_118 = arith.constant 0 : index
    %swap3A_119 = vector.load %arg13[%swap3A, %swap3A_118] : memref<16x1xf32, #tpu.memory_space<vmem>>, vector<16x1xf32>
    tpu.vector_store %arg13[%swap3A, %swap3A_118], %add3A_117 {strides = array<i32>} : memref<16x1xf32, #tpu.memory_space<vmem>>, vector<16x1xf32>,
    return
  }
}

</mosaic_0001>

<sc_bundles>
// kernel: kernel.11.cloned.1.call-start
scs
__scs_entry_jumppad:
0x0: {  	(pc) =	sbr.rel $0x88, $3  }
0x1: {  	(tag) =	ssettag $0x0;
	lr =	simm.s32 $0x1  }
0x2: {  	[smem:$0x3F81] =	sst lr;
	_ =	strace $0xD0000000  }
0x3: {  	_ = 	snop  }
0x4: {  	_ = 	snop  }
0x5: {  	_ = 	snop  }
0x6: {  	_ = 	snop  }
0x7: {  	_ = 	snop  }
__scs_overlays_trampoline_lowered:
0x8: {  	[smem:$0x3F90] =	sst s0  }
0x9: {  	[smem:$0x3F91] =	sst s1  }
0xa: {  	[smem:$0x3F92] =	sst s2  }
0xb: {  	[smem:$0x3F93] =	sst s3  }
0xc: {  	[smem:$0x3F94] =	sst s4  }
0xd: {  	[smem:$0x3F95] =	sst s5  }
0xe: {  	[smem:$0x3F96] =	sst s6  }
0xf: {  	[smem:$0x3F97] =	sst s7  }
0x10: {  	[smem:$0x3F98] =	sst s8  }
0x11: {  	[smem:$0x3F99] =	sst s9;
	s0 =	simm.s32 @!p0 $0x0  }
0x12: {  	s1 =	sld [smem:$0x3F7F];
	s0 =	simm.s32 @p0 $0x1  }
0x13: {  	[smem:$0x3F9A] =	sst s0;
	s0 =	simm.s32 @!p1 $0x0  }
0x14: {  	s2 =	sld [smem:$0x3F7E];
	s0 =	simm.s32 @p1 $0x1  }
0x15: {  	[smem:$0x3F9B] =	sst s0;
	s0 =	simm.s32 @!p2 $0x0  }
0x16: {  	s3 =	sld [smem:$0x3FDB];
	s0 =	simm.s32 @p2 $0x1  }
0x17: {  	s4 =	simm.s32 $0x1BF5;
	[smem:$0x3F9D] =	sst s0  }
0x18: {  	s0 =	sld [smem:$0x3F80];
	_ =	swait.ge [sflag:s4], $0x0  }
0x19: {  	s7 =	sld [smem:$0x3F81]  }
0x1a: {  	s8 =	sadd.s32 $0xFFFFE003, lr  }
0x1b: {  	s9 =	sadd.s32 $0xFFFFFEF7, lr;
	s5 =	simm.s32 $0xFFFFFFFF;
	p2 =	slt.u32 s8, $0xFFFFF086  }
0x1c: {  	p1 =	slt.u32 s9, $0xF7A;
	s5 =	simm.s32 @!p2 $0x0  }
0x1d: {  	s5 =	simm.s32 @p1 $0x1;
	p0 =	seq.s32 s7, s2  }
0x1e: {  	s7 =	smul.u32 @!p0 $0xF7A, s2;
	p2 =	seq.s32 @!p0 s5, $0x0  }
0x1f: {  	s9 =	smul.u32 $0xF7A, s1;
	s8 =	simm.s32 @!p0 $0x1BF5;
	p2 =	por !p2, p0  }
0x20: {  	[sflag:s8] =	ssyncset.s32 @!p0 $0xFFFFF086;
	s6 =	sadd.s32 @!p0 s3, s7;
	s7 =	simm.s32 @!p0 $0x108  }
0x21: {  	s3 =	sadd.s32 s3, s9;
	s6 =	sadd.s32 @!p0 $0x88, s6;
	s7 =	simm.s32 @p2 $0x1082  }
0x22: {  	[simem:s7], [sflag:s8] =	dma.local @!p0 [hbm:s6], $0xF7A  }
0x23: {  	s9 =	sor.u32 $0xD0000000, s2;
	s6 =	simm.s32 $0x108;
	_ =	swait.ge @!p0 [sflag:s8], $0x0  }
0x24: {  	s3 =	sadd.s32 $0x88, s3;
	s6 =	simm.s32 @!p1 $0x1082;
	[sflag:s4] =	ssyncset.s32 $0xFFFFF086  }
0x25: {  	[simem:s6], [sflag:s4] =	dma.local [hbm:s3], $0xF7A  }
0x26: {  	[smem:$0x3F81] =	sst s1;
	(tag) =	ssettag s2;
	_ =	strace s9  }
0x27: {  	s1 =	sld [smem:$0x3F91]  }
0x28: {  	s2 =	sld [smem:$0x3F92]  }
0x29: {  	s4 =	sld [smem:$0x3F94]  }
0x2a: {  	p0 =	seq.s32 s5, $0x0;
	s5 =	sld [smem:$0x3F95]  }
0x2b: {  	s6 =	sld [smem:$0x3F96]  }
0x2c: {  	s7 =	sld [smem:$0x3F97]  }
0x2d: {  	s3 =	simm.s32 $0x108;
	s8 =	sld [smem:$0x3F98]  }
0x2e: {  	s3 =	simm.s32 @!p0 $0x1082;
	s9 =	sld [smem:$0x3F99]  }
0x2f: {  	lr =	sadd.s32 s0, s3;
	s0 =	sld [smem:$0x3F90]  }
0x30: {  	s3 =	sld [smem:$0x3F93]  }
0x31: {  	[smem:$0x3F9C] =	sst s10  }
0x32: {  	s10 =	sld [smem:$0x3F9A];
	_ =	sdelay $0x3  }
0x33: {  	p0 =	seq.s32 s10, $0x1;
	s10 =	sld [smem:$0x3F9C];
	_ =	sdelay $0x3  }
0x34: {  	[smem:$0x3F9C] =	sst s10  }
0x35: {  	s10 =	sld [smem:$0x3F9B];
	_ =	sdelay $0x3  }
0x36: {  	p1 =	seq.s32 s10, $0x1;
	s10 =	sld [smem:$0x3F9C];
	_ =	sdelay $0x3  }
0x37: {  	[smem:$0x3F9C] =	sst s10  }
0x38: {  	s10 =	sld [smem:$0x3F9D]  }
0x39: {  	_ = 	snop;
	(pc) =	sbr.ind lr, $3  }
0x3a: {  	_ = 	snop  }
0x3b: {  	_ = 	snop  }
0x3c: {  	p2 =	seq.s32 s10, $0x1;
	s10 =	sld [smem:$0x3F9C]  }
0x3d: {  	_ =	shalt  }
0x3e: {  	_ =	shalt  }
0x3f: {  	_ =	shalt  }
0x40: {  	_ =	shalt  }
0x41: {  	_ =	shalt  }
0x42: {  	_ =	shalt  }
0x43: {  	_ =	shalt  }
0x44: {  	_ =	shalt  }
0x45: {  	_ =	shalt  }
0x46: {  	_ =	shalt  }
0x47: {  	_ =	shalt  }
0x48: {  	_ =	shalt  }
0x49: {  	_ =	shalt  }
0x4a: {  	_ =	shalt  }
0x4b: {  	_ =	shalt  }
0x4c: {  	_ =	shalt  }
0x4d: {  	_ =	shalt  }
0x4e: {  	_ =	shalt  }
0x4f: {  	_ =	shalt  }
0x50: {  	_ =	shalt  }
0x51: {  	_ =	shalt  }
0x52: {  	_ =	shalt  }
0x53: {  	_ =	shalt  }
0x54: {  	_ =	shalt  }
0x55: {  	_ =	shalt  }
0x56: {  	_ =	shalt  }
0x57: {  	_ =	shalt  }
0x58: {  	_ =	shalt  }
0x59: {  	_ =	shalt  }
0x5a: {  	_ =	shalt  }
0x5b: {  	_ =	shalt  }
0x5c: {  	_ =	shalt  }
0x5d: {  	_ =	shalt  }
0x5e: {  	_ =	shalt  }
0x5f: {  	_ =	shalt  }
0x60: {  	_ =	shalt  }
0x61: {  	_ =	shalt  }
0x62: {  	_ =	shalt  }
0x63: {  	_ =	shalt  }
0x64: {  	_ =	shalt  }
0x65: {  	_ =	shalt  }
0x66: {  	_ =	shalt  }
0x67: {  	_ =	shalt  }
0x68: {  	_ =	shalt  }
0x69: {  	_ =	shalt  }
0x6a: {  	_ =	shalt  }
0x6b: {  	_ =	shalt  }
0x6c: {  	_ =	shalt  }
0x6d: {  	_ =	shalt  }
0x6e: {  	_ =	shalt  }
0x6f: {  	_ =	shalt  }
0x70: {  	_ =	shalt  }
0x71: {  	_ =	shalt  }
0x72: {  	_ =	shalt  }
0x73: {  	_ =	shalt  }
0x74: {  	_ =	shalt  }
0x75: {  	_ =	shalt  }
0x76: {  	_ =	shalt  }
0x77: {  	_ =	shalt  }
0x78: {  	_ =	shalt  }
0x79: {  	_ =	shalt  }
0x7a: {  	_ =	shalt  }
0x7b: {  	_ =	shalt  }
0x7c: {  	_ =	shalt  }
0x7d: {  	_ =	shalt  }
0x7e: {  	_ =	shalt  }
0x7f: {  	_ =	shalt  }
0x80: {  	_ =	shalt  }
0x81: {  	_ =	shalt  }
0x82: {  	_ =	shalt  }
0x83: {  	_ =	shalt  }
0x84: {  	_ =	shalt  }
0x85: {  	_ =	shalt  }
0x86: {  	_ =	shalt  }
0x87: {  	_ =	shalt  }
.Lfunc_end0:
.L_simem_size_0:
called_computation_lowered:
.L_overlay_start_0:
0x88: {  	s2 =	sld [smem:$0x3FD9]  }
0x89: {  	s3 =	sld [smem:$0x3FFE];
	_ =	sdelay $0x1  }
0x8a: {  	s1 =	srdreg.scid  }
0x8b: {  	s0 =	sand.u32 $0x1, s1  }
0x8c: {  	s16 =	sshll.u32 s0, $0xA;
	s2 =	sadd.s32 s3, s2  }
0x8d: {  	s2 =	sadd.s32 s2, s16  }
0x8e: {  	[smem:$0x3FA8] =	sst s2  }
0x8f: {  	_ = 	snop  }
0x90: {  	(tm) =	ssettm $0x1  }
0x91: {  	s17 =	sld [smem:$0x3FFB];
	_ =	sdelay $0x3  }
0x92: {  	_ =	strace s17  }
0x93: {  	s2 =	sld [smem:$0x3FFC];
	_ =	sdelay $0x3  }
0x94: {  	_ =	strace s2  }
0x95: {  	s2 =	sld [smem:$0x3FFD];
	_ =	sdelay $0x3  }
0x96: {  	_ =	strace s2  }
0x97: {  	_ =	strace $0x8FFFFFFF  }
0x98: {  	s18 =	sld [smem:$0x3FDB];
	_ =	sdelay $0x1  }
0x99: {  	s19 =	simm.s32 $_scs_section_size  }
0x9a: {  	s4 =	simm.s32 $_size__tile_overlayer_lowered;
	s5 =	simm.s32 $_tile_overlayer_lowered  }
0x9b: {  	s22 =	simm.s32 $0x1BFF;
	s21 =	sshll.u32 s5, $0x1;
	s2 =	sadd.s32 s19, s18  }
0x9c: {  	s6 =	simm.s32 $0x0;
	s20 =	sshll.u32 s4, $0x1;
	s4 =	sadd.s32 s21, s2  }
0x9d: {  	[timem:s6], [sflag:s22] =	dma.local [hbm:s4], s20  }
0x9e: {  	_ =	swait.ge [sflag:s22], s20  }
0x9f: {  	s3 =	ssub.s32 $0x0, s20;
	[sflag:s22] =	ssyncset.done $0x0  }
0xa0: {  	[sflag:s22] =	ssyncadd.s32 s3;
	_ =	sdelay $0x1  }
0xa1: {  	s23 =	simm.s32 $0x1B8B  }
0xa2: {  	_ =	swait.ge [sflag:s23], $0x1  }
0xa3: {  	[sflag:s23] =	ssyncset.done $0x0  }
0xa4: {  	s25 =	simm.s32 $0x1B8E;
	s24 =	sld [smem:$0x3FFE];
	[sflag:s23] =	ssyncadd.s32 $0xFFFFFFFF  }
0xa5: {  	s26 =	simm.s32 $execute0_lowered;
	[smem:$0x3FD2] =	sst s25  }
0xa6: {  	s4 =	sshll.u32 s26, $0x1;
	_ =	strace $0x80000046;
	[dreg:$0x1] =	wrdreg $0xFFFFFFFF  }
0xa7: {  	s28 =	simm.s32 $_size_execute0_lowered;
	s2 =	sadd.s32 s2, s4;
	[dreg:$0x0] =	wrdreg $0x0  }
0xa8: {  	s4 =	sshll.u32 s28, $0x1;
	[dreg:$0x2] =	wrdreg s2  }
0xa9: {  	[dreg:$0x3] =	wrdreg s4  }
0xaa: {  	[dreg:$0x4] =	wrdreg $0xC0  }
0xab: {  	_ =	task [dreg:s6], $0x5FFFF  }
0xac: {  	[dreg:$0x1] =	wrdreg $0xFFFFFFFF  }
0xad: {  	[dreg:$0x0] =	wrdreg $0x60  }
0xae: {  	[dreg:$0x2] =	wrdreg s24  }
0xaf: {  	[dreg:$0x3] =	wrdreg $0x9  }
0xb0: {  	_ =	task.clear_ibuf [dreg:s6], $0x4FFFF;
	_ =	strace $0x90000046  }
0xb1: {  	s29 =	simm.s32 $0x9;
	_ =	strace $0x80000048  }
0xb2: {  	_ =	swait.ge [sflag:s29], $0x1  }
0xb3: {  	[sflag:s29] =	ssyncadd.s32 $0xFFFFFFFF  }
0xb4: {  	_ =	strace $0x90000048  }
0xb5: {  	_ =	sfence  }
0xb6: {  	s30 =	sld [smem:$0x0];
	_ =	sdelay $0x2  }
0xb7: {  	s31 =	sshll.u32 s1, $0xD;
	s1 =	sshrl.u32 s1, $0x2  }
0xb8: {  	s3 =	sand.u32 $0x4000, s31;
	s1 =	sadd.s32 s1, s30  }
0xb9: {  	s0 =	sor.u32 s3, s0;
	s1 =	sshll.u32 s1, $0x11  }
0xba: {  	s0 =	sor.u32 s1, s0  }
0xbb: {  	s0 =	sadd.s32 $0x8F2B, s0  }
0xbc: {  	[sflag:s0] =	ssyncadd.remote.s32 $0x1  }
0xbd: {  	_ =	sfence.sel $0xFFFF  }
0xbe: {  	[dreg:$0x0] =	wrdreg $0xFFFFFFFF;
	(pc) =	sbr.abs _section_cstart, $3  }
0xbf: {  	[dreg:$0x1] =	wrdreg $0xFFFFFFFF  }
0xc0: {  	_ =	task.clear_ibuf [dreg:s6], $0x2FFFF;
	_ =	strace $0x9FFFFFFF  }
0xc1: {  	(tm) =	ssettm $0x7FFFFFFF  }
tec
execute0_lowered:
.L_overlay_start_1:
0x0: {  	(tag) =	ssettag $0x1  }
0x1: {  	s1 =	srdreg.scid  }
0x2: {  	s0 =	stileid.u32;
	s4 =	rddreg [dreg:$0x0]  }
0x3: {  	s2 =	simm.s32 $0x0;
	s10 =	simm.s32 $0x5400;
	s11 =	simm.s32 $0x9400  }
0x4: {  	s12 =	simm.s32 $0xD400;
	s13 =	simm.s32 $0x11400;
	s14 =	simm.s32 $0x1  }
0x5: {  	s15 =	simm.s32 $0x2;
	s16 =	simm.s32 $0x3;
	s17 =	simm.s32 $0x4  }
0x6: {  	s18 =	simm.s32 $0x5;
	s19 =	simm.s32 $0x6;
	s20 =	simm.s32 $0x7  }
0x7: {  	s21 =	simm.s32 $0x8;
	s22 =	simm.s32 $0x9;
	s23 =	simm.s32 $0xA  }
0x8: {  	s24 =	simm.s32 $0x0;
	s5 =	sand.u32 $0x1, s1;
	s1 =	rddreg [dreg:$0x1]  }
0x9: {  	s3 =	sshll.u32 s0, $0x1;
	[smem:$0x7FF] =	sst s2;
	s7 =	smul.u32 $0x28000, s0  }
0xa: {  	s3 =	sor.u32 s5, s3;
	s8 =	ssub.s32 $0x2, s5;
	s5 =	smul.u32 $0x14000, s5  }
0xb: {  	_ =	strace $0x80000047;
	s6 =	smul.u32 $0x1400, s3;
	s9 =	sshrl.u32 s8, $0x1  }
0xc: {  	s3 =	sadd.s32 $0xAE00, s4;
	s7 =	sadd.s32 s7, s4;
	s31 =	ssub.s32 s8, s9  }
0xd: {  	s7 =	sadd.s32 s5, s7;
	s8 =	simm.s32 $0x80;
	s6 =	sshrl.u32 s6, $0x3  }
0xe: {  	s9 =	simm.s32 $0x1400;
	s5 =	smax.u32 s31, $0x1;
	s4 =	sadd.s32 s6, s4  }
0xf: {  	s6 =	sadd.s32 $0x34000, s7;
	s7 =	simm.s32 $0xB;
	s4 =	sadd.s32 $0x5E00, s4  }
.LBB2_1:
0x10: {  	[tilespmem:s2], [sflag:$0xB] =	stream.linear.gather [hbm4b:s4+s2], $0x1400, $0x38;
	[tilespmem:$0x15400] =	vst v63  }
0x11: {  	_ =	swait.ge [sflag:s7], $0x1400  }
0x12: {  	[sflag:s7] =	ssyncset.done $0x0  }
0x13: {  	s25 =	simm.s32 $0x0;
	[sflag:s7] =	ssyncadd.s32 $0xFFFFEC00  }
0x14: {  	[tilespmem:s9], [sflag:$0x1] =	stream.indirect.gather [hbm4b:s3+s8], $0x80, s25, s8, $0xb8;
	[tilespmem:$0x15400] =	vst v63  }
0x15: {  	s26 =	simm.s32 $0x80  }
0x16: {  	[tilespmem:s10], [sflag:$0x2] =	stream.indirect.gather [hbm4b:s3+s8], $0x80, s26, s8, $0xb8;
	[tilespmem:$0x15400] =	vst v63  }
0x17: {  	s28 =	simm.s32 $0x100  }
0x18: {  	[tilespmem:s11], [sflag:$0x3] =	stream.indirect.gather [hbm4b:s3+s8], $0x80, s28, s8, $0xb8;
	[tilespmem:$0x15400] =	vst v63  }
0x19: {  	s30 =	simm.s32 $0x180  }
0x1a: {  	[tilespmem:s12], [sflag:$0x4] =	stream.indirect.gather [hbm4b:s3+s8], $0x80, s30, s8, $0xb8;
	[tilespmem:$0x15400] =	vst v63  }
0x1b: {  	s31 =	simm.s32 $0x200  }
0x1c: {  	[tilespmem:s13], [sflag:$0x5] =	stream.indirect.gather [hbm4b:s3+s8], $0x80, s31, s8, $0xb8;
	[tilespmem:$0x15400] =	vst v63  }
0x1d: {  	_ =	swait.ge [sflag:s14], $0x4000  }
0x1e: {  	[sflag:s14] =	ssyncset.done $0x0  }
0x1f: {  	s26 =	sadd.s32 $0xFFFFE000, s6;
	[sflag:s14] =	ssyncadd.s32 $0xFFFFC000  }
0x20: {  	[hbm4b:s26+s2] =	stream.linear.scatter [tilespmem:s9], [sflag:$0x6], $0x4000, $0x38;
	[tilespmem:$0x15400] =	vst v63  }
0x21: {  	_ =	swait.ge [sflag:s15], $0x4000  }
0x22: {  	[sflag:s15] =	ssyncset.done $0x0  }
0x23: {  	s28 =	sadd.s32 $0xFFFFE800, s6;
	[sflag:s15] =	ssyncadd.s32 $0xFFFFC000  }
0x24: {  	[hbm4b:s28+s2] =	stream.linear.scatter [tilespmem:s10], [sflag:$0x7], $0x4000, $0x38;
	[tilespmem:$0x15400] =	vst v63  }
0x25: {  	_ =	swait.ge [sflag:s16], $0x4000  }
0x26: {  	[sflag:s16] =	ssyncset.done $0x0  }
0x27: {  	s30 =	sadd.s32 $0xFFFFF000, s6;
	[sflag:s16] =	ssyncadd.s32 $0xFFFFC000  }
0x28: {  	[hbm4b:s30+s2] =	stream.linear.scatter [tilespmem:s11], [sflag:$0x8], $0x4000, $0x38;
	[tilespmem:$0x15400] =	vst v63  }
0x29: {  	_ =	swait.ge [sflag:s17], $0x4000  }
0x2a: {  	[sflag:s17] =	ssyncset.done $0x0  }
0x2b: {  	s31 =	sadd.s32 $0xFFFFF800, s6;
	[sflag:s17] =	ssyncadd.s32 $0xFFFFC000  }
0x2c: {  	[hbm4b:s31+s2] =	stream.linear.scatter [tilespmem:s12], [sflag:$0x9], $0x4000, $0x38;
	[tilespmem:$0x15400] =	vst v63  }
0x2d: {  	_ =	swait.ge [sflag:s18], $0x4000  }
0x2e: {  	[sflag:s18] =	ssyncset.done $0x0  }
0x2f: {  	[sflag:s18] =	ssyncadd.s32 $0xFFFFC000  }
0x30: {  	[hbm4b:s6+s2] =	stream.linear.scatter [tilespmem:s13], [sflag:$0xA], $0x4000, $0x38;
	[tilespmem:$0x15400] =	vst v63  }
0x31: {  	_ =	swait.ge [sflag:s19], $0x4000  }
0x32: {  	[sflag:s19] =	ssyncset.done $0x0  }
0x33: {  	[sflag:s19] =	ssyncadd.s32 $0xFFFFC000  }
0x34: {  	_ =	swait.ge [sflag:s20], $0x4000  }
0x35: {  	[sflag:s20] =	ssyncset.done $0x0  }
0x36: {  	[sflag:s20] =	ssyncadd.s32 $0xFFFFC000  }
0x37: {  	_ =	swait.ge [sflag:s21], $0x4000  }
0x38: {  	[sflag:s21] =	ssyncset.done $0x0  }
0x39: {  	[sflag:s21] =	ssyncadd.s32 $0xFFFFC000  }
0x3a: {  	_ =	swait.ge [sflag:s22], $0x4000  }
0x3b: {  	[sflag:s22] =	ssyncset.done $0x0  }
0x3c: {  	[sflag:s22] =	ssyncadd.s32 $0xFFFFC000  }
0x3d: {  	s29 =	simm.s32 $0x1400;
	_ =	swait.ge [sflag:s23], $0x4000  }
0x3e: {  	s25 =	sadd.s32 $0x2800, s6;
	s26 =	simm.s32 $0xA00;
	[sflag:s23] =	ssyncset.done $0x0  }
.LBB2_2:
0x3f: {  	s30 =	sshra.s32 s26, $0x2  }
0x40: {  	[sflag:s23] =	ssyncadd.s32 $0xFFFFC000;
	s26 =	smov.u32 s29;
	s28 =	sadd.s32 $0xA00, s29  }
0x41: {  	[tilespmem:s9], [sflag:$0x1] =	stream.indirect.gather [hbm4b:s3+s8], $0x80, s30, s8, $0xb8;
	[tilespmem:$0x15400] =	vst v63  }
0x42: {  	p0 =	sne.s32 s29, $0x4600;
	s29 =	sadd.s32 $0x80, s30  }
0x43: {  	[tilespmem:s10], [sflag:$0x2] =	stream.indirect.gather [hbm4b:s3+s8], $0x80, s29, s8, $0xb8;
	[tilespmem:$0x15400] =	vst v63  }
0x44: {  	s29 =	sadd.s32 $0x100, s30  }
0x45: {  	[tilespmem:s11], [sflag:$0x3] =	stream.indirect.gather [hbm4b:s3+s8], $0x80, s29, s8, $0xb8;
	[tilespmem:$0x15400] =	vst v63  }
0x46: {  	s29 =	sadd.s32 $0x180, s30  }
0x47: {  	[tilespmem:s12], [sflag:$0x4] =	stream.indirect.gather [hbm4b:s3+s8], $0x80, s29, s8, $0xb8;
	[tilespmem:$0x15400] =	vst v63  }
0x48: {  	s29 =	sadd.s32 $0x200, s30  }
0x49: {  	[tilespmem:s13], [sflag:$0x5] =	stream.indirect.gather [hbm4b:s3+s8], $0x80, s29, s8, $0xb8;
	[tilespmem:$0x15400] =	vst v63  }
0x4a: {  	_ =	swait.ge [sflag:s14], $0x4000  }
0x4b: {  	[sflag:s14] =	ssyncset.done $0x0  }
0x4c: {  	s29 =	sadd.s32 $0xFFFFE000, s25;
	[sflag:s14] =	ssyncadd.s32 $0xFFFFC000  }
0x4d: {  	[hbm4b:s29+s2] =	stream.linear.scatter [tilespmem:s9], [sflag:$0x6], $0x4000, $0x38;
	[tilespmem:$0x15400] =	vst v63  }
0x4e: {  	_ =	swait.ge [sflag:s15], $0x4000  }
0x4f: {  	[sflag:s15] =	ssyncset.done $0x0  }
0x50: {  	s29 =	sadd.s32 $0xFFFFE800, s25;
	[sflag:s15] =	ssyncadd.s32 $0xFFFFC000  }
0x51: {  	[hbm4b:s29+s2] =	stream.linear.scatter [tilespmem:s10], [sflag:$0x7], $0x4000, $0x38;
	[tilespmem:$0x15400] =	vst v63  }
0x52: {  	_ =	swait.ge [sflag:s16], $0x4000  }
0x53: {  	[sflag:s16] =	ssyncset.done $0x0  }
0x54: {  	s29 =	sadd.s32 $0xFFFFF000, s25;
	[sflag:s16] =	ssyncadd.s32 $0xFFFFC000  }
0x55: {  	[hbm4b:s29+s2] =	stream.linear.scatter [tilespmem:s11], [sflag:$0x8], $0x4000, $0x38;
	[tilespmem:$0x15400] =	vst v63  }
0x56: {  	_ =	swait.ge [sflag:s17], $0x4000  }
0x57: {  	[sflag:s17] =	ssyncset.done $0x0  }
0x58: {  	s29 =	sadd.s32 $0xFFFFF800, s25;
	[sflag:s17] =	ssyncadd.s32 $0xFFFFC000  }
0x59: {  	[hbm4b:s29+s2] =	stream.linear.scatter [tilespmem:s12], [sflag:$0x9], $0x4000, $0x38;
	[tilespmem:$0x15400] =	vst v63  }
0x5a: {  	_ =	swait.ge [sflag:s18], $0x4000  }
0x5b: {  	[sflag:s18] =	ssyncset.done $0x0  }
0x5c: {  	[sflag:s18] =	ssyncadd.s32 $0xFFFFC000  }
0x5d: {  	[hbm4b:s25+s2] =	stream.linear.scatter [tilespmem:s13], [sflag:$0xA], $0x4000, $0x38;
	[tilespmem:$0x15400] =	vst v63  }
0x5e: {  	_ =	swait.ge [sflag:s19], $0x4000  }
0x5f: {  	[sflag:s19] =	ssyncset.done $0x0  }
0x60: {  	[sflag:s19] =	ssyncadd.s32 $0xFFFFC000  }
0x61: {  	_ =	swait.ge [sflag:s20], $0x4000  }
0x62: {  	[sflag:s20] =	ssyncset.done $0x0  }
0x63: {  	[sflag:s20] =	ssyncadd.s32 $0xFFFFC000  }
0x64: {  	_ =	swait.ge [sflag:s21], $0x4000  }
0x65: {  	[sflag:s21] =	ssyncset.done $0x0  }
0x66: {  	[sflag:s21] =	ssyncadd.s32 $0xFFFFC000  }
.Ltmp0:
0x67: {  	_ =	swait.ge [sflag:s22], $0x4000;
	(pc) =	sbr.rel @p0 .LBB2_2-.Ltmp0, $4  }
0x68: {  	[sflag:s22] =	ssyncset.done $0x0  }
0x69: {  	[sflag:s22] =	ssyncadd.s32 $0xFFFFC000  }
0x6a: {  	_ =	swait.ge [sflag:s23], $0x4000  }
0x6b: {  	s29 =	smov.u32 s28;
	s25 =	sadd.s32 $0x2800, s25;
	[sflag:s23] =	ssyncset.done $0x0  }
0x6c: {  	s26 =	sshra.s32 s26, $0x2;
	[sflag:s23] =	ssyncadd.s32 $0xFFFFC000  }
0x6d: {  	[tilespmem:s9], [sflag:$0x1] =	stream.indirect.gather [hbm4b:s3+s8], $0x80, s26, s8, $0xb8;
	[tilespmem:$0x15400] =	vst v63  }
0x6e: {  	s28 =	sadd.s32 $0x80, s26  }
0x6f: {  	[tilespmem:s10], [sflag:$0x2] =	stream.indirect.gather [hbm4b:s3+s8], $0x80, s28, s8, $0xb8;
	[tilespmem:$0x15400] =	vst v63  }
0x70: {  	s30 =	sadd.s32 $0x100, s26  }
0x71: {  	[tilespmem:s11], [sflag:$0x3] =	stream.indirect.gather [hbm4b:s3+s8], $0x80, s30, s8, $0xb8;
	[tilespmem:$0x15400] =	vst v63  }
0x72: {  	s31 =	sadd.s32 $0x180, s26  }
0x73: {  	[tilespmem:s12], [sflag:$0x4] =	stream.indirect.gather [hbm4b:s3+s8], $0x80, s31, s8, $0xb8;
	[tilespmem:$0x15400] =	vst v63  }
0x74: {  	s26 =	sadd.s32 $0x200, s26  }
0x75: {  	[tilespmem:s13], [sflag:$0x5] =	stream.indirect.gather [hbm4b:s3+s8], $0x80, s26, s8, $0xb8;
	[tilespmem:$0x15400] =	vst v63  }
0x76: {  	_ =	swait.ge [sflag:s14], $0x4000  }
0x77: {  	[sflag:s14] =	ssyncset.done $0x0  }
0x78: {  	s28 =	sadd.s32 $0xFFFFE000, s25;
	[sflag:s14] =	ssyncadd.s32 $0xFFFFC000  }
0x79: {  	[hbm4b:s28+s2] =	stream.linear.scatter [tilespmem:s9], [sflag:$0x6], $0x4000, $0x38;
	[tilespmem:$0x15400] =	vst v63  }
0x7a: {  	_ =	swait.ge [sflag:s15], $0x4000  }
0x7b: {  	[sflag:s15] =	ssyncset.done $0x0  }
0x7c: {  	s29 =	sadd.s32 $0xFFFFE800, s25;
	[sflag:s15] =	ssyncadd.s32 $0xFFFFC000  }
0x7d: {  	[hbm4b:s29+s2] =	stream.linear.scatter [tilespmem:s10], [sflag:$0x7], $0x4000, $0x38;
	[tilespmem:$0x15400] =	vst v63  }
0x7e: {  	_ =	swait.ge [sflag:s16], $0x4000  }
0x7f: {  	[sflag:s16] =	ssyncset.done $0x0  }
0x80: {  	s30 =	sadd.s32 $0xFFFFF000, s25;
	[sflag:s16] =	ssyncadd.s32 $0xFFFFC000  }
0x81: {  	[hbm4b:s30+s2] =	stream.linear.scatter [tilespmem:s11], [sflag:$0x8], $0x4000, $0x38;
	[tilespmem:$0x15400] =	vst v63  }
0x82: {  	_ =	swait.ge [sflag:s17], $0x4000  }
0x83: {  	[sflag:s17] =	ssyncset.done $0x0  }
0x84: {  	s31 =	sadd.s32 $0xFFFFF800, s25;
	[sflag:s17] =	ssyncadd.s32 $0xFFFFC000  }
0x85: {  	[hbm4b:s31+s2] =	stream.linear.scatter [tilespmem:s12], [sflag:$0x9], $0x4000, $0x38;
	[tilespmem:$0x15400] =	vst v63  }
0x86: {  	_ =	swait.ge [sflag:s18], $0x4000  }
0x87: {  	[sflag:s18] =	ssyncset.done $0x0  }
0x88: {  	[sflag:s18] =	ssyncadd.s32 $0xFFFFC000  }
0x89: {  	[hbm4b:s25+s2] =	stream.linear.scatter [tilespmem:s13], [sflag:$0xA], $0x4000, $0x38;
	[tilespmem:$0x15400] =	vst v63  }
0x8a: {  	_ =	swait.ge [sflag:s19], $0x4000  }
0x8b: {  	[sflag:s19] =	ssyncset.done $0x0  }
0x8c: {  	[sflag:s19] =	ssyncadd.s32 $0xFFFFC000  }
0x8d: {  	_ =	swait.ge [sflag:s20], $0x4000  }
0x8e: {  	[sflag:s20] =	ssyncset.done $0x0  }
0x8f: {  	[sflag:s20] =	ssyncadd.s32 $0xFFFFC000  }
0x90: {  	_ =	swait.ge [sflag:s21], $0x4000  }
0x91: {  	[sflag:s21] =	ssyncset.done $0x0  }
0x92: {  	s24 =	sadd.s32 $0x1, s24;
	[sflag:s21] =	ssyncadd.s32 $0xFFFFC000  }
0x93: {  	p0 =	sne.s32 s24, s5;
	_ =	swait.ge [sflag:s22], $0x4000  }
.Ltmp1:
0x94: {  	[sflag:s22] =	ssyncset.done $0x0;
	(pc) =	sbr.rel @p0 .LBB2_1-.Ltmp1, $4  }
0x95: {  	[sflag:s22] =	ssyncadd.s32 $0xFFFFC000  }
0x96: {  	_ =	swait.ge [sflag:s23], $0x4000  }
0x97: {  	[sflag:s23] =	ssyncset.done $0x0  }
0x98: {  	[sflag:s23] =	ssyncadd.s32 $0xFFFFC000  }
0x99: {  	_ =	sfence.sel $0x180000  }
0x9a: {  	[bflag:$0x0] =	sbarrier.arrive $0xFFFF  }
0x9b: {  	p0 =	sne.s32 s0, $0x0;
	_ =	strace $0x90000047  }
0x9c: {  	s0 =	sadd.s32 @!p0 $0x100000, s1;
	[bflag:$0x2] =	sbarrier.arrive $0xFFFF  }
0x9d: {  	[sflag:s0] =	ssyncadd.tile.s32 @!p0 $0x1;
	_ =	shalt  }
.Lfunc_end2:
_tile_overlayer_lowered:
.L_overlay_start_2:
0x9e: {  	(tag) =	ssettag $0x2  }
0x9f: {  	s0 =	rddreg [dreg:$0x0];
	s2 =	stileid.u32  }
0xa0: {  	s1 =	rddreg [dreg:$0x1];
	p0 =	sne.s32 s2, $0x0  }
0xa1: {  	s3 =	rddreg [dreg:$0x2];
	[bflag:$0x3] =	sbarrier.arrive $0xFFFF;
	s2 =	simm.s32 @!p0 $0x1C0B  }
0xa2: {  	[timem:s3], [sflag:s2] =	dma.local @!p0 [hbm:s0], s1  }
0xa3: {  	s0 =	simm.s32 @!p0 $0xB  }
0xa4: {  	_ =	swait.ge @!p0 [sflag:s0], s1  }
0xa5: {  	s1 =	ssub.s32 @!p0 $0x0, s1;
	[sflag:s0] =	ssyncset.done @!p0 $0x0  }
0xa6: {  	[sflag:s0] =	ssyncadd.s32 @!p0 s1  }
0xa7: {  	[bflag:$0x3] =	sbarrier.arrive $0xFFFF  }
0xa8: {  	_ =	shalt  }

// kernel: kernel.14.cloned.1.call-start
scs
__scs_entry_jumppad:
0x0: {  	(pc) =	sbr.rel $0x88, $3  }
0x1: {  	(tag) =	ssettag $0x0;
	lr =	simm.s32 $0x1  }
0x2: {  	[smem:$0x3F81] =	sst lr;
	_ =	strace $0xD0000000  }
0x3: {  	_ = 	snop  }
0x4: {  	_ = 	snop  }
0x5: {  	_ = 	snop  }
0x6: {  	_ = 	snop  }
0x7: {  	_ = 	snop  }
__scs_overlays_trampoline_lowered:
0x8: {  	[smem:$0x3F90] =	sst s0  }
0x9: {  	[smem:$0x3F91] =	sst s1  }
0xa: {  	[smem:$0x3F92] =	sst s2  }
0xb: {  	[smem:$0x3F93] =	sst s3  }
0xc: {  	[smem:$0x3F94] =	sst s4  }
0xd: {  	[smem:$0x3F95] =	sst s5  }
0xe: {  	[smem:$0x3F96] =	sst s6  }
0xf: {  	[smem:$0x3F97] =	sst s7  }
0x10: {  	[smem:$0x3F98] =	sst s8  }
0x11: {  	[smem:$0x3F99] =	sst s9;
	s0 =	simm.s32 @!p0 $0x0  }
0x12: {  	s1 =	sld [smem:$0x3F7F];
	s0 =	simm.s32 @p0 $0x1  }
0x13: {  	[smem:$0x3F9A] =	sst s0;
	s0 =	simm.s32 @!p1 $0x0  }
0x14: {  	s2 =	sld [smem:$0x3F7E];
	s0 =	simm.s32 @p1 $0x1  }
0x15: {  	[smem:$0x3F9B] =	sst s0;
	s0 =	simm.s32 @!p2 $0x0  }
0x16: {  	s3 =	sld [smem:$0x3FDB];
	s0 =	simm.s32 @p2 $0x1  }
0x17: {  	s4 =	simm.s32 $0x1BF5;
	[smem:$0x3F9D] =	sst s0  }
0x18: {  	s0 =	sld [smem:$0x3F80];
	_ =	swait.ge [sflag:s4], $0x0  }
0x19: {  	s7 =	sld [smem:$0x3F81]  }
0x1a: {  	s8 =	sadd.s32 $0xFFFFE003, lr  }
0x1b: {  	s9 =	sadd.s32 $0xFFFFFEF7, lr;
	s5 =	simm.s32 $0xFFFFFFFF;
	p2 =	slt.u32 s8, $0xFFFFF086  }
0x1c: {  	p1 =	slt.u32 s9, $0xF7A;
	s5 =	simm.s32 @!p2 $0x0  }
0x1d: {  	s5 =	simm.s32 @p1 $0x1;
	p0 =	seq.s32 s7, s2  }
0x1e: {  	s7 =	smul.u32 @!p0 $0xF7A, s2;
	p2 =	seq.s32 @!p0 s5, $0x0  }
0x1f: {  	s9 =	smul.u32 $0xF7A, s1;
	s8 =	simm.s32 @!p0 $0x1BF5;
	p2 =	por !p2, p0  }
0x20: {  	[sflag:s8] =	ssyncset.s32 @!p0 $0xFFFFF086;
	s6 =	sadd.s32 @!p0 s3, s7;
	s7 =	simm.s32 @!p0 $0x108  }
0x21: {  	s3 =	sadd.s32 s3, s9;
	s6 =	sadd.s32 @!p0 $0x88, s6;
	s7 =	simm.s32 @p2 $0x1082  }
0x22: {  	[simem:s7], [sflag:s8] =	dma.local @!p0 [hbm:s6], $0xF7A  }
0x23: {  	s9 =	sor.u32 $0xD0000000, s2;
	s6 =	simm.s32 $0x108;
	_ =	swait.ge @!p0 [sflag:s8], $0x0  }
0x24: {  	s3 =	sadd.s32 $0x88, s3;
	s6 =	simm.s32 @!p1 $0x1082;
	[sflag:s4] =	ssyncset.s32 $0xFFFFF086  }
0x25: {  	[simem:s6], [sflag:s4] =	dma.local [hbm:s3], $0xF7A  }
0x26: {  	[smem:$0x3F81] =	sst s1;
	(tag) =	ssettag s2;
	_ =	strace s9  }
0x27: {  	s1 =	sld [smem:$0x3F91]  }
0x28: {  	s2 =	sld [smem:$0x3F92]  }
0x29: {  	s4 =	sld [smem:$0x3F94]  }
0x2a: {  	p0 =	seq.s32 s5, $0x0;
	s5 =	sld [smem:$0x3F95]  }
0x2b: {  	s6 =	sld [smem:$0x3F96]  }
0x2c: {  	s7 =	sld [smem:$0x3F97]  }
0x2d: {  	s3 =	simm.s32 $0x108;
	s8 =	sld [smem:$0x3F98]  }
0x2e: {  	s3 =	simm.s32 @!p0 $0x1082;
	s9 =	sld [smem:$0x3F99]  }
0x2f: {  	lr =	sadd.s32 s0, s3;
	s0 =	sld [smem:$0x3F90]  }
0x30: {  	s3 =	sld [smem:$0x3F93]  }
0x31: {  	[smem:$0x3F9C] =	sst s10  }
0x32: {  	s10 =	sld [smem:$0x3F9A];
	_ =	sdelay $0x3  }
0x33: {  	p0 =	seq.s32 s10, $0x1;
	s10 =	sld [smem:$0x3F9C];
	_ =	sdelay $0x3  }
0x34: {  	[smem:$0x3F9C] =	sst s10  }
0x35: {  	s10 =	sld [smem:$0x3F9B];
	_ =	sdelay $0x3  }
0x36: {  	p1 =	seq.s32 s10, $0x1;
	s10 =	sld [smem:$0x3F9C];
	_ =	sdelay $0x3  }
0x37: {  	[smem:$0x3F9C] =	sst s10  }
0x38: {  	s10 =	sld [smem:$0x3F9D]  }
0x39: {  	_ = 	snop;
	(pc) =	sbr.ind lr, $3  }
0x3a: {  	_ = 	snop  }
0x3b: {  	_ = 	snop  }
0x3c: {  	p2 =	seq.s32 s10, $0x1;
	s10 =	sld [smem:$0x3F9C]  }
0x3d: {  	_ =	shalt  }
0x3e: {  	_ =	shalt  }
0x3f: {  	_ =	shalt  }
0x40: {  	_ =	shalt  }
0x41: {  	_ =	shalt  }
0x42: {  	_ =	shalt  }
0x43: {  	_ =	shalt  }
0x44: {  	_ =	shalt  }
0x45: {  	_ =	shalt  }
0x46: {  	_ =	shalt  }
0x47: {  	_ =	shalt  }
0x48: {  	_ =	shalt  }
0x49: {  	_ =	shalt  }
0x4a: {  	_ =	shalt  }
0x4b: {  	_ =	shalt  }
0x4c: {  	_ =	shalt  }
0x4d: {  	_ =	shalt  }
0x4e: {  	_ =	shalt  }
0x4f: {  	_ =	shalt  }
0x50: {  	_ =	shalt  }
0x51: {  	_ =	shalt  }
0x52: {  	_ =	shalt  }
0x53: {  	_ =	shalt  }
0x54: {  	_ =	shalt  }
0x55: {  	_ =	shalt  }
0x56: {  	_ =	shalt  }
0x57: {  	_ =	shalt  }
0x58: {  	_ =	shalt  }
0x59: {  	_ =	shalt  }
0x5a: {  	_ =	shalt  }
0x5b: {  	_ =	shalt  }
0x5c: {  	_ =	shalt  }
0x5d: {  	_ =	shalt  }
0x5e: {  	_ =	shalt  }
0x5f: {  	_ =	shalt  }
0x60: {  	_ =	shalt  }
0x61: {  	_ =	shalt  }
0x62: {  	_ =	shalt  }
0x63: {  	_ =	shalt  }
0x64: {  	_ =	shalt  }
0x65: {  	_ =	shalt  }
0x66: {  	_ =	shalt  }
0x67: {  	_ =	shalt  }
0x68: {  	_ =	shalt  }
0x69: {  	_ =	shalt  }
0x6a: {  	_ =	shalt  }
0x6b: {  	_ =	shalt  }
0x6c: {  	_ =	shalt  }
0x6d: {  	_ =	shalt  }
0x6e: {  	_ =	shalt  }
0x6f: {  	_ =	shalt  }
0x70: {  	_ =	shalt  }
0x71: {  	_ =	shalt  }
0x72: {  	_ =	shalt  }
0x73: {  	_ =	shalt  }
0x74: {  	_ =	shalt  }
0x75: {  	_ =	shalt  }
0x76: {  	_ =	shalt  }
0x77: {  	_ =	shalt  }
0x78: {  	_ =	shalt  }
0x79: {  	_ =	shalt  }
0x7a: {  	_ =	shalt  }
0x7b: {  	_ =	shalt  }
0x7c: {  	_ =	shalt  }
0x7d: {  	_ =	shalt  }
0x7e: {  	_ =	shalt  }
0x7f: {  	_ =	shalt  }
0x80: {  	_ =	shalt  }
0x81: {  	_ =	shalt  }
0x82: {  	_ =	shalt  }
0x83: {  	_ =	shalt  }
0x84: {  	_ =	shalt  }
0x85: {  	_ =	shalt  }
0x86: {  	_ =	shalt  }
0x87: {  	_ =	shalt  }
.Lfunc_end0:
.L_simem_size_0:
called_computation.1_lowered:
.L_overlay_start_0:
0x88: {  	s2 =	sld [smem:$0x3FD9]  }
0x89: {  	s3 =	sld [smem:$0x3FFE];
	_ =	sdelay $0x1  }
0x8a: {  	s1 =	srdreg.scid  }
0x8b: {  	s0 =	sand.u32 $0x1, s1  }
0x8c: {  	s16 =	sshll.u32 s0, $0xA;
	s2 =	sadd.s32 s3, s2  }
0x8d: {  	s2 =	sadd.s32 s2, s16  }
0x8e: {  	[smem:$0x3FA8] =	sst s2  }
0x8f: {  	_ = 	snop  }
0x90: {  	(tm) =	ssettm $0x1  }
0x91: {  	s17 =	sld [smem:$0x3FFB];
	_ =	sdelay $0x3  }
0x92: {  	_ =	strace s17  }
0x93: {  	s2 =	sld [smem:$0x3FFC];
	_ =	sdelay $0x3  }
0x94: {  	_ =	strace s2  }
0x95: {  	s2 =	sld [smem:$0x3FFD];
	_ =	sdelay $0x3  }
0x96: {  	_ =	strace s2  }
0x97: {  	_ =	strace $0x8FFFFFFF  }
0x98: {  	s18 =	sld [smem:$0x3FDB];
	_ =	sdelay $0x1  }
0x99: {  	s19 =	simm.s32 $_scs_section_size  }
0x9a: {  	s4 =	simm.s32 $_size__tile_overlayer_lowered;
	s5 =	simm.s32 $_tile_overlayer_lowered  }
0x9b: {  	s22 =	simm.s32 $0x1BFF;
	s21 =	sshll.u32 s5, $0x1;
	s2 =	sadd.s32 s19, s18  }
0x9c: {  	s6 =	simm.s32 $0x0;
	s20 =	sshll.u32 s4, $0x1;
	s4 =	sadd.s32 s21, s2  }
0x9d: {  	[timem:s6], [sflag:s22] =	dma.local [hbm:s4], s20  }
0x9e: {  	_ =	swait.ge [sflag:s22], s20  }
0x9f: {  	s3 =	ssub.s32 $0x0, s20;
	[sflag:s22] =	ssyncset.done $0x0  }
0xa0: {  	[sflag:s22] =	ssyncadd.s32 s3;
	_ =	sdelay $0x1  }
0xa1: {  	s23 =	simm.s32 $0x1B8B  }
0xa2: {  	_ =	swait.ge [sflag:s23], $0x1  }
0xa3: {  	[sflag:s23] =	ssyncset.done $0x0  }
0xa4: {  	s25 =	simm.s32 $0x1B8E;
	s24 =	sld [smem:$0x3FFE];
	[sflag:s23] =	ssyncadd.s32 $0xFFFFFFFF  }
0xa5: {  	s26 =	simm.s32 $execute0_lowered;
	[smem:$0x3FD2] =	sst s25  }
0xa6: {  	s4 =	sshll.u32 s26, $0x1;
	_ =	strace $0x80000049;
	[dreg:$0x1] =	wrdreg $0xFFFFFFFF  }
0xa7: {  	s28 =	simm.s32 $_size_execute0_lowered;
	s2 =	sadd.s32 s2, s4;
	[dreg:$0x0] =	wrdreg $0x0  }
0xa8: {  	s4 =	sshll.u32 s28, $0x1;
	[dreg:$0x2] =	wrdreg s2  }
0xa9: {  	[dreg:$0x3] =	wrdreg s4  }
0xaa: {  	[dreg:$0x4] =	wrdreg $0xC0  }
0xab: {  	_ =	task [dreg:s6], $0x5FFFF  }
0xac: {  	[dreg:$0x1] =	wrdreg $0xFFFFFFFF  }
0xad: {  	[dreg:$0x0] =	wrdreg $0x60  }
0xae: {  	[dreg:$0x2] =	wrdreg s24  }
0xaf: {  	[dreg:$0x3] =	wrdreg $0x94000  }
0xb0: {  	[dreg:$0x4] =	wrdreg $0x9  }
0xb1: {  	_ =	task.clear_ibuf [dreg:s6], $0x5FFFF;
	_ =	strace $0x90000049  }
0xb2: {  	s29 =	simm.s32 $0x9;
	_ =	strace $0x8000004B  }
0xb3: {  	_ =	swait.ge [sflag:s29], $0x1  }
0xb4: {  	[sflag:s29] =	ssyncadd.s32 $0xFFFFFFFF  }
0xb5: {  	_ =	strace $0x9000004B  }
0xb6: {  	_ =	sfence  }
0xb7: {  	s30 =	sld [smem:$0x0];
	_ =	sdelay $0x2  }
0xb8: {  	s31 =	sshll.u32 s1, $0xD;
	s1 =	sshrl.u32 s1, $0x2  }
0xb9: {  	s3 =	sand.u32 $0x4000, s31;
	s1 =	sadd.s32 s1, s30  }
0xba: {  	s0 =	sor.u32 s3, s0;
	s1 =	sshll.u32 s1, $0x11  }
0xbb: {  	s0 =	sor.u32 s1, s0  }
0xbc: {  	s0 =	sadd.s32 $0x8F2B, s0  }
0xbd: {  	[sflag:s0] =	ssyncadd.remote.s32 $0x1  }
0xbe: {  	_ =	sfence.sel $0xFFFF  }
0xbf: {  	[dreg:$0x0] =	wrdreg $0xFFFFFFFF;
	(pc) =	sbr.abs _section_cstart, $3  }
0xc0: {  	[dreg:$0x1] =	wrdreg $0xFFFFFFFF  }
0xc1: {  	_ =	task.clear_ibuf [dreg:s6], $0x2FFFF;
	_ =	strace $0x9FFFFFFF  }
0xc2: {  	(tm) =	ssettm $0x7FFFFFFF  }
0xc3: {  	_ =	shalt  }
tec
execute0_lowered:
.L_overlay_start_1:
0x0: {  	(tag) =	ssettag $0x1  }
0x1: {  	s1 =	srdreg.scid;
	s0 =	stileid.u32  }
0x2: {  	s5 =	rddreg [dreg:$0x0];
	s8 =	smul.u32 $0x14000, s0  }
0x3: {  	s2 =	rddreg [dreg:$0x1];
	s3 =	simm.s32 $0x0;
	s11 =	smul.u32 $0x50000, s0  }
0x4: {  	s16 =	simm.s32 $0x80;
	s17 =	simm.s32 $0x2;
	s13 =	smul.u32 $0x140000, s0  }
0x5: {  	s18 =	simm.s32 $0x3;
	s7 =	sand.u32 $0x1, s1;
	s15 =	smul.u32 $0x28000, s0  }
0x6: {  	s19 =	simm.s32 $0x4;
	s20 =	simm.s32 $0x0;
	s6 =	smul.u32 $0x140000, s7  }
0x7: {  	s23 =	sshll.u32 s0, $0x1;
	[smem:$0x7FF] =	sst s3;
	s28 =	smul.u32 $0xA0000, s7  }
0x8: {  	s9 =	sadd.s32 $0x7AA000, s5;
	s1 =	sor.u32 s7, s23;
	s30 =	smul.u32 $0x14000, s7  }
0x9: {  	s29 =	sshll.u32 s0, $0x6;
	s24 =	ssub.s32 $0x2, s7;
	s4 =	smul.u32 $0x1400, s1  }
0xa: {  	s1 =	rddreg [dreg:$0x2];
	_ =	strace $0x8000004A;
	s25 =	sshrl.u32 s24, $0x1  }
0xb: {  	s26 =	sshrl.u32 s11, $0x2;
	s31 =	sadd.s32 s15, s9;
	s15 =	simm.s32 $0x1  }
0xc: {  	s6 =	sadd.s32 s8, s6;
	s8 =	ssub.s32 s24, s25;
	s14 =	sadd.s32 s26, s2  }
0xd: {  	s11 =	sadd.s32 s28, s13;
	s13 =	simm.s32 $0x1400;
	s4 =	sshrl.u32 s4, $0x3  }
0xe: {  	s6 =	sshrl.u32 s6, $0x3;
	s8 =	smax.u32 s8, $0x1;
	s11 =	sshrl.u32 s11, $0x3  }
0xf: {  	s10 =	sadd.s32 s4, s5;
	s4 =	sadd.s32 $0x2B4000, s5;
	s12 =	sadd.s32 s6, s5  }
0x10: {  	s5 =	sor.u32 $0x1C05, s29;
	s9 =	sadd.s32 s11, s9;
	s11 =	sshrl.u32 s14, $0x3  }
0x11: {  	s14 =	simm.s32 $0x5400;
	s6 =	sadd.s32 $0x525000, s10;
	s10 =	sadd.s32 s30, s31  }
0x12: {  	s7 =	sadd.s32 $0x2B6800, s12;
	s12 =	simm.s32 $0x5;
	s10 =	sadd.s32 $0x800, s10  }
.LBB2_1:
0x13: {  	[spmem:s11], [sflag:s5] =	dma.local [hbm:s4], $0x2800  }
0x14: {  	_ =	swait.ge [sflag:s12], $0x2800  }
0x15: {  	[sflag:s12] =	ssyncset.done $0x0  }
0x16: {  	[sflag:s12] =	ssyncadd.s32 $0xFFFFD800  }
0x17: {  	[tilespmem:s3], [sflag:$0x5] =	stream.linear.gather [hbm4b:s6+s3], $0x1400, $0x38;
	[tilespmem:$0x1D400] =	vst v63  }
0x18: {  	_ =	swait.ge [sflag:s12], $0x1400  }
0x19: {  	[sflag:s12] =	ssyncset.done $0x0  }
0x1a: {  	[sflag:s12] =	ssyncadd.s32 $0xFFFFEC00  }
0x1b: {  	s21 =	sadd.s32 $0x0, s9;
	[bflag:$0x0] =	sbarrier.arrive $0xFFFF  }
0x1c: {  	[tilespmem:s13], [sflag:$0x1] =	stream.linear.gather [hbm4b:s21+s3], $0x4000, $0x38;
	[tilespmem:$0x1D400] =	vst v63  }
0x1d: {  	s30 =	sadd.s32 $0x0, s10  }
0x1e: {  	[tilespmem:s14], [sflag:$0x2] =	stream.linear.gather [hbm4b:s30+s3], $0x4000, $0x38;
	[tilespmem:$0x1D400] =	vst v63  }
0x1f: {  	_ =	swait.ge [sflag:s15], $0x4000  }
0x20: {  	[sflag:s15] =	ssyncset.done $0x0  }
0x21: {  	[sflag:s15] =	ssyncadd.s32 $0xFFFFC000  }
0x22: {  	[spmem:s2] =	stream.indirect.scatter.add.f32 [tilespmem:s13], [sflag:$0x3], $0x80, s3, s16, $0xb8;
	[tilespmem:$0x1D400] =	vst v63  }
0x23: {  	_ =	swait.ge [sflag:s17], $0x4000  }
0x24: {  	[sflag:s17] =	ssyncset.done $0x0  }
0x25: {  	s31 =	simm.s32 $0x80;
	[sflag:s17] =	ssyncadd.s32 $0xFFFFC000  }
0x26: {  	[spmem:s2] =	stream.indirect.scatter.add.f32 [tilespmem:s14], [sflag:$0x4], $0x80, s31, s16, $0xb8;
	[tilespmem:$0x1D400] =	vst v63  }
0x27: {  	_ =	swait.ge [sflag:s18], $0x4000  }
0x28: {  	[sflag:s18] =	ssyncset.done $0x0  }
0x29: {  	[sflag:s18] =	ssyncadd.s32 $0xFFFFC000  }
0x2a: {  	s22 =	simm.s32 $0x1000;
	_ =	swait.ge [sflag:s19], $0x4000  }
0x2b: {  	s23 =	simm.s32 $0x2000;
	s21 =	simm.s32 $0x100;
	[sflag:s19] =	ssyncset.done $0x0  }
.LBB2_2:
0x2c: {  	s24 =	sadd.s32 s22, s9  }
0x2d: {  	[sflag:s19] =	ssyncadd.s32 $0xFFFFC000;
	s25 =	smov.u32 s23;
	s26 =	sadd.s32 $0x1000, s23  }
0x2e: {  	[tilespmem:s13], [sflag:$0x1] =	stream.linear.gather [hbm4b:s24+s3], $0x4000, $0x38;
	[tilespmem:$0x1D400] =	vst v63  }
0x2f: {  	p0 =	sne.s32 s23, $0x13000;
	s23 =	sadd.s32 s22, s10;
	s22 =	smov.u32 s25  }
0x30: {  	[tilespmem:s14], [sflag:$0x2] =	stream.linear.gather [hbm4b:s23+s3], $0x4000, $0x38;
	[tilespmem:$0x1D400] =	vst v63  }
0x31: {  	_ =	swait.ge [sflag:s15], $0x4000  }
0x32: {  	[sflag:s15] =	ssyncset.done $0x0  }
0x33: {  	[sflag:s15] =	ssyncadd.s32 $0xFFFFC000  }
0x34: {  	[spmem:s2] =	stream.indirect.scatter.add.f32 [tilespmem:s13], [sflag:$0x3], $0x80, s21, s16, $0xb8;
	[tilespmem:$0x1D400] =	vst v63  }
0x35: {  	_ =	swait.ge [sflag:s17], $0x4000  }
0x36: {  	[sflag:s17] =	ssyncset.done $0x0  }
0x37: {  	s23 =	sadd.s32 $0x80, s21;
	[sflag:s17] =	ssyncadd.s32 $0xFFFFC000  }
0x38: {  	[spmem:s2] =	stream.indirect.scatter.add.f32 [tilespmem:s14], [sflag:$0x4], $0x80, s23, s16, $0xb8;
	[tilespmem:$0x1D400] =	vst v63  }
.Ltmp0:
0x39: {  	_ =	swait.ge [sflag:s18], $0x4000;
	(pc) =	sbr.rel @p0 .LBB2_2-.Ltmp0, $4  }
0x3a: {  	[sflag:s18] =	ssyncset.done $0x0  }
0x3b: {  	[sflag:s18] =	ssyncadd.s32 $0xFFFFC000  }
0x3c: {  	_ =	swait.ge [sflag:s19], $0x4000  }
0x3d: {  	s21 =	sadd.s32 $0x100, s21;
	s23 =	smov.u32 s26;
	[sflag:s19] =	ssyncset.done $0x0  }
0x3e: {  	s23 =	sadd.s32 s22, s9;
	[sflag:s19] =	ssyncadd.s32 $0xFFFFC000  }
0x3f: {  	[tilespmem:s13], [sflag:$0x1] =	stream.linear.gather [hbm4b:s23+s3], $0x4000, $0x38;
	[tilespmem:$0x1D400] =	vst v63  }
0x40: {  	s30 =	sadd.s32 s22, s10  }
0x41: {  	[tilespmem:s14], [sflag:$0x2] =	stream.linear.gather [hbm4b:s30+s3], $0x4000, $0x38;
	[tilespmem:$0x1D400] =	vst v63  }
0x42: {  	_ =	swait.ge [sflag:s15], $0x4000  }
0x43: {  	[sflag:s15] =	ssyncset.done $0x0  }
0x44: {  	[sflag:s15] =	ssyncadd.s32 $0xFFFFC000  }
0x45: {  	[spmem:s2] =	stream.indirect.scatter.add.f32 [tilespmem:s13], [sflag:$0x3], $0x80, s21, s16, $0xb8;
	[tilespmem:$0x1D400] =	vst v63  }
0x46: {  	_ =	swait.ge [sflag:s17], $0x4000  }
0x47: {  	[sflag:s17] =	ssyncset.done $0x0  }
0x48: {  	s31 =	sadd.s32 $0x80, s21;
	[sflag:s17] =	ssyncadd.s32 $0xFFFFC000  }
0x49: {  	[spmem:s2] =	stream.indirect.scatter.add.f32 [tilespmem:s14], [sflag:$0x4], $0x80, s31, s16, $0xb8;
	[tilespmem:$0x1D400] =	vst v63  }
0x4a: {  	_ =	swait.ge [sflag:s18], $0x4000  }
0x4b: {  	[sflag:s18] =	ssyncset.done $0x0  }
0x4c: {  	[sflag:s18] =	ssyncadd.s32 $0xFFFFC000  }
0x4d: {  	_ =	swait.ge [sflag:s19], $0x4000  }
0x4e: {  	s20 =	sadd.s32 $0x1, s20;
	[sflag:s19] =	ssyncset.done $0x0  }
0x4f: {  	p0 =	sne.s32 s20, s8;
	[sflag:s19] =	ssyncadd.s32 $0xFFFFC000  }
.Ltmp1:
0x50: {  	[bflag:$0x0] =	sbarrier.arrive $0xFFFF;
	(pc) =	sbr.rel @p0 .LBB2_1-.Ltmp1, $4  }
0x51: {  	[hbm:s7], [sflag:s5] =	dma.local [spmem:s11], $0x2800  }
0x52: {  	_ =	swait.ge [sflag:s12], $0x2800  }
0x53: {  	[sflag:s12] =	ssyncset.done $0x0  }
0x54: {  	[sflag:s12] =	ssyncadd.s32 $0xFFFFD800  }
0x55: {  	_ =	sfence.sel $0x180000  }
0x56: {  	[bflag:$0x0] =	sbarrier.arrive $0xFFFF  }
0x57: {  	p0 =	sne.s32 s0, $0x0;
	_ =	strace $0x9000004A  }
0x58: {  	s0 =	sadd.s32 @!p0 $0x100000, s1;
	[bflag:$0x2] =	sbarrier.arrive $0xFFFF  }
0x59: {  	[sflag:s0] =	ssyncadd.tile.s32 @!p0 $0x1;
	_ =	shalt  }
.Lfunc_end2:
_tile_overlayer_lowered:
.L_overlay_start_2:
0x5a: {  	(tag) =	ssettag $0x2  }
0x5b: {  	s0 =	rddreg [dreg:$0x0];
	s2 =	stileid.u32  }
0x5c: {  	s1 =	rddreg [dreg:$0x1];
	p0 =	sne.s32 s2, $0x0  }
0x5d: {  	s3 =	rddreg [dreg:$0x2];
	[bflag:$0x3] =	sbarrier.arrive $0xFFFF;
	s2 =	simm.s32 @!p0 $0x1C05  }
0x5e: {  	[timem:s3], [sflag:s2] =	dma.local @!p0 [hbm:s0], s1  }
0x5f: {  	s0 =	simm.s32 @!p0 $0x5  }
0x60: {  	_ =	swait.ge @!p0 [sflag:s0], s1  }
0x61: {  	s1 =	ssub.s32 @!p0 $0x0, s1;
	[sflag:s0] =	ssyncset.done @!p0 $0x0  }
0x62: {  	[sflag:s0] =	ssyncadd.s32 @!p0 s1  }
0x63: {  	[bflag:$0x3] =	sbarrier.arrive $0xFFFF  }
0x64: {  	_ =	shalt  }

// kernel: kernel.17.cloned.1.call-start
scs
__scs_entry_jumppad:
0x0: {  	(pc) =	sbr.rel $0x88, $3  }
0x1: {  	(tag) =	ssettag $0x0;
	lr =	simm.s32 $0x1  }
0x2: {  	[smem:$0x3F81] =	sst lr;
	_ =	strace $0xD0000000  }
0x3: {  	_ = 	snop  }
0x4: {  	_ = 	snop  }
0x5: {  	_ = 	snop  }
0x6: {  	_ = 	snop  }
0x7: {  	_ = 	snop  }
__scs_overlays_trampoline_lowered:
0x8: {  	[smem:$0x3F90] =	sst s0  }
0x9: {  	[smem:$0x3F91] =	sst s1  }
0xa: {  	[smem:$0x3F92] =	sst s2  }
0xb: {  	[smem:$0x3F93] =	sst s3  }
0xc: {  	[smem:$0x3F94] =	sst s4  }
0xd: {  	[smem:$0x3F95] =	sst s5  }
0xe: {  	[smem:$0x3F96] =	sst s6  }
0xf: {  	[smem:$0x3F97] =	sst s7  }
0x10: {  	[smem:$0x3F98] =	sst s8  }
0x11: {  	[smem:$0x3F99] =	sst s9;
	s0 =	simm.s32 @!p0 $0x0  }
0x12: {  	s1 =	sld [smem:$0x3F7F];
	s0 =	simm.s32 @p0 $0x1  }
0x13: {  	[smem:$0x3F9A] =	sst s0;
	s0 =	simm.s32 @!p1 $0x0  }
0x14: {  	s2 =	sld [smem:$0x3F7E];
	s0 =	simm.s32 @p1 $0x1  }
0x15: {  	[smem:$0x3F9B] =	sst s0;
	s0 =	simm.s32 @!p2 $0x0  }
0x16: {  	s3 =	sld [smem:$0x3FDB];
	s0 =	simm.s32 @p2 $0x1  }
0x17: {  	s4 =	simm.s32 $0x1BF5;
	[smem:$0x3F9D] =	sst s0  }
0x18: {  	s0 =	sld [smem:$0x3F80];
	_ =	swait.ge [sflag:s4], $0x0  }
0x19: {  	s7 =	sld [smem:$0x3F81]  }
0x1a: {  	s8 =	sadd.s32 $0xFFFFE003, lr  }
0x1b: {  	s9 =	sadd.s32 $0xFFFFFEF7, lr;
	s5 =	simm.s32 $0xFFFFFFFF;
	p2 =	slt.u32 s8, $0xFFFFF086  }
0x1c: {  	p1 =	slt.u32 s9, $0xF7A;
	s5 =	simm.s32 @!p2 $0x0  }
0x1d: {  	s5 =	simm.s32 @p1 $0x1;
	p0 =	seq.s32 s7, s2  }
0x1e: {  	s7 =	smul.u32 @!p0 $0xF7A, s2;
	p2 =	seq.s32 @!p0 s5, $0x0  }
0x1f: {  	s9 =	smul.u32 $0xF7A, s1;
	s8 =	simm.s32 @!p0 $0x1BF5;
	p2 =	por !p2, p0  }
0x20: {  	[sflag:s8] =	ssyncset.s32 @!p0 $0xFFFFF086;
	s6 =	sadd.s32 @!p0 s3, s7;
	s7 =	simm.s32 @!p0 $0x108  }
0x21: {  	s3 =	sadd.s32 s3, s9;
	s6 =	sadd.s32 @!p0 $0x88, s6;
	s7 =	simm.s32 @p2 $0x1082  }
0x22: {  	[simem:s7], [sflag:s8] =	dma.local @!p0 [hbm:s6], $0xF7A  }
0x23: {  	s9 =	sor.u32 $0xD0000000, s2;
	s6 =	simm.s32 $0x108;
	_ =	swait.ge @!p0 [sflag:s8], $0x0  }
0x24: {  	s3 =	sadd.s32 $0x88, s3;
	s6 =	simm.s32 @!p1 $0x1082;
	[sflag:s4] =	ssyncset.s32 $0xFFFFF086  }
0x25: {  	[simem:s6], [sflag:s4] =	dma.local [hbm:s3], $0xF7A  }
0x26: {  	[smem:$0x3F81] =	sst s1;
	(tag) =	ssettag s2;
	_ =	strace s9  }
0x27: {  	s1 =	sld [smem:$0x3F91]  }
0x28: {  	s2 =	sld [smem:$0x3F92]  }
0x29: {  	s4 =	sld [smem:$0x3F94]  }
0x2a: {  	p0 =	seq.s32 s5, $0x0;
	s5 =	sld [smem:$0x3F95]  }
0x2b: {  	s6 =	sld [smem:$0x3F96]  }
0x2c: {  	s7 =	sld [smem:$0x3F97]  }
0x2d: {  	s3 =	simm.s32 $0x108;
	s8 =	sld [smem:$0x3F98]  }
0x2e: {  	s3 =	simm.s32 @!p0 $0x1082;
	s9 =	sld [smem:$0x3F99]  }
0x2f: {  	lr =	sadd.s32 s0, s3;
	s0 =	sld [smem:$0x3F90]  }
0x30: {  	s3 =	sld [smem:$0x3F93]  }
0x31: {  	[smem:$0x3F9C] =	sst s10  }
0x32: {  	s10 =	sld [smem:$0x3F9A];
	_ =	sdelay $0x3  }
0x33: {  	p0 =	seq.s32 s10, $0x1;
	s10 =	sld [smem:$0x3F9C];
	_ =	sdelay $0x3  }
0x34: {  	[smem:$0x3F9C] =	sst s10  }
0x35: {  	s10 =	sld [smem:$0x3F9B];
	_ =	sdelay $0x3  }
0x36: {  	p1 =	seq.s32 s10, $0x1;
	s10 =	sld [smem:$0x3F9C];
	_ =	sdelay $0x3  }
0x37: {  	[smem:$0x3F9C] =	sst s10  }
0x38: {  	s10 =	sld [smem:$0x3F9D]  }
0x39: {  	_ = 	snop;
	(pc) =	sbr.ind lr, $3  }
0x3a: {  	_ = 	snop  }
0x3b: {  	_ = 	snop  }
0x3c: {  	p2 =	seq.s32 s10, $0x1;
	s10 =	sld [smem:$0x3F9C]  }
0x3d: {  	_ =	shalt  }
0x3e: {  	_ =	shalt  }
0x3f: {  	_ =	shalt  }
0x40: {  	_ =	shalt  }
0x41: {  	_ =	shalt  }
0x42: {  	_ =	shalt  }
0x43: {  	_ =	shalt  }
0x44: {  	_ =	shalt  }
0x45: {  	_ =	shalt  }
0x46: {  	_ =	shalt  }
0x47: {  	_ =	shalt  }
0x48: {  	_ =	shalt  }
0x49: {  	_ =	shalt  }
0x4a: {  	_ =	shalt  }
0x4b: {  	_ =	shalt  }
0x4c: {  	_ =	shalt  }
0x4d: {  	_ =	shalt  }
0x4e: {  	_ =	shalt  }
0x4f: {  	_ =	shalt  }
0x50: {  	_ =	shalt  }
0x51: {  	_ =	shalt  }
0x52: {  	_ =	shalt  }
0x53: {  	_ =	shalt  }
0x54: {  	_ =	shalt  }
0x55: {  	_ =	shalt  }
0x56: {  	_ =	shalt  }
0x57: {  	_ =	shalt  }
0x58: {  	_ =	shalt  }
0x59: {  	_ =	shalt  }
0x5a: {  	_ =	shalt  }
0x5b: {  	_ =	shalt  }
0x5c: {  	_ =	shalt  }
0x5d: {  	_ =	shalt  }
0x5e: {  	_ =	shalt  }
0x5f: {  	_ =	shalt  }
0x60: {  	_ =	shalt  }
0x61: {  	_ =	shalt  }
0x62: {  	_ =	shalt  }
0x63: {  	_ =	shalt  }
0x64: {  	_ =	shalt  }
0x65: {  	_ =	shalt  }
0x66: {  	_ =	shalt  }
0x67: {  	_ =	shalt  }
0x68: {  	_ =	shalt  }
0x69: {  	_ =	shalt  }
0x6a: {  	_ =	shalt  }
0x6b: {  	_ =	shalt  }
0x6c: {  	_ =	shalt  }
0x6d: {  	_ =	shalt  }
0x6e: {  	_ =	shalt  }
0x6f: {  	_ =	shalt  }
0x70: {  	_ =	shalt  }
0x71: {  	_ =	shalt  }
0x72: {  	_ =	shalt  }
0x73: {  	_ =	shalt  }
0x74: {  	_ =	shalt  }
0x75: {  	_ =	shalt  }
0x76: {  	_ =	shalt  }
0x77: {  	_ =	shalt  }
0x78: {  	_ =	shalt  }
0x79: {  	_ =	shalt  }
0x7a: {  	_ =	shalt  }
0x7b: {  	_ =	shalt  }
0x7c: {  	_ =	shalt  }
0x7d: {  	_ =	shalt  }
0x7e: {  	_ =	shalt  }
0x7f: {  	_ =	shalt  }
0x80: {  	_ =	shalt  }
0x81: {  	_ =	shalt  }
0x82: {  	_ =	shalt  }
0x83: {  	_ =	shalt  }
0x84: {  	_ =	shalt  }
0x85: {  	_ =	shalt  }
0x86: {  	_ =	shalt  }
0x87: {  	_ =	shalt  }
.Lfunc_end0:
.L_simem_size_0:
called_computation.2_lowered:
.L_overlay_start_0:
0x88: {  	s2 =	sld [smem:$0x3FD9]  }
0x89: {  	s3 =	sld [smem:$0x3FFE];
	_ =	sdelay $0x1  }
0x8a: {  	s1 =	srdreg.scid  }
0x8b: {  	s0 =	sand.u32 $0x1, s1  }
0x8c: {  	s16 =	sshll.u32 s0, $0xA;
	s2 =	sadd.s32 s3, s2  }
0x8d: {  	s2 =	sadd.s32 s2, s16  }
0x8e: {  	[smem:$0x3FA8] =	sst s2  }
0x8f: {  	_ = 	snop  }
0x90: {  	(tm) =	ssettm $0x1  }
0x91: {  	s17 =	sld [smem:$0x3FFB];
	_ =	sdelay $0x3  }
0x92: {  	_ =	strace s17  }
0x93: {  	s2 =	sld [smem:$0x3FFC];
	_ =	sdelay $0x3  }
0x94: {  	_ =	strace s2  }
0x95: {  	s2 =	sld [smem:$0x3FFD];
	_ =	sdelay $0x3  }
0x96: {  	_ =	strace s2  }
0x97: {  	_ =	strace $0x8FFFFFFF  }
0x98: {  	s18 =	sld [smem:$0x3FDB];
	_ =	sdelay $0x1  }
0x99: {  	s19 =	simm.s32 $_scs_section_size  }
0x9a: {  	s4 =	simm.s32 $_size__tile_overlayer_lowered;
	s5 =	simm.s32 $_tile_overlayer_lowered  }
0x9b: {  	s22 =	simm.s32 $0x1BFF;
	s21 =	sshll.u32 s5, $0x1;
	s2 =	sadd.s32 s19, s18  }
0x9c: {  	s6 =	simm.s32 $0x0;
	s20 =	sshll.u32 s4, $0x1;
	s4 =	sadd.s32 s21, s2  }
0x9d: {  	[timem:s6], [sflag:s22] =	dma.local [hbm:s4], s20  }
0x9e: {  	_ =	swait.ge [sflag:s22], s20  }
0x9f: {  	s3 =	ssub.s32 $0x0, s20;
	[sflag:s22] =	ssyncset.done $0x0  }
0xa0: {  	[sflag:s22] =	ssyncadd.s32 s3;
	_ =	sdelay $0x1  }
0xa1: {  	s23 =	simm.s32 $0x1B8B  }
0xa2: {  	_ =	swait.ge [sflag:s23], $0x1  }
0xa3: {  	[sflag:s23] =	ssyncset.done $0x0  }
0xa4: {  	s25 =	simm.s32 $0x1B8E;
	s24 =	sld [smem:$0x3FFE];
	[sflag:s23] =	ssyncadd.s32 $0xFFFFFFFF  }
0xa5: {  	s26 =	simm.s32 $execute0_lowered;
	[smem:$0x3FD2] =	sst s25  }
0xa6: {  	s4 =	sshll.u32 s26, $0x1;
	_ =	strace $0x8000004C;
	[dreg:$0x1] =	wrdreg $0xFFFFFFFF  }
0xa7: {  	s28 =	simm.s32 $_size_execute0_lowered;
	s2 =	sadd.s32 s2, s4;
	[dreg:$0x0] =	wrdreg $0x0  }
0xa8: {  	s4 =	sshll.u32 s28, $0x1;
	[dreg:$0x2] =	wrdreg s2  }
0xa9: {  	[dreg:$0x3] =	wrdreg s4  }
0xaa: {  	[dreg:$0x4] =	wrdreg $0xC0  }
0xab: {  	_ =	task [dreg:s6], $0x5FFFF  }
0xac: {  	[dreg:$0x1] =	wrdreg $0xFFFFFFFF  }
0xad: {  	[dreg:$0x0] =	wrdreg $0x60  }
0xae: {  	[dreg:$0x2] =	wrdreg s24  }
0xaf: {  	[dreg:$0x3] =	wrdreg $0x9  }
0xb0: {  	_ =	task.clear_ibuf [dreg:s6], $0x4FFFF;
	_ =	strace $0x9000004C  }
0xb1: {  	s29 =	simm.s32 $0x9;
	_ =	strace $0x8000004E  }
0xb2: {  	_ =	swait.ge [sflag:s29], $0x1  }
0xb3: {  	[sflag:s29] =	ssyncadd.s32 $0xFFFFFFFF  }
0xb4: {  	_ =	strace $0x9000004E  }
0xb5: {  	_ =	sfence  }
0xb6: {  	s30 =	sld [smem:$0x0];
	_ =	sdelay $0x2  }
0xb7: {  	s31 =	sshll.u32 s1, $0xD;
	s1 =	sshrl.u32 s1, $0x2  }
0xb8: {  	s3 =	sand.u32 $0x4000, s31;
	s1 =	sadd.s32 s1, s30  }
0xb9: {  	s0 =	sor.u32 s3, s0;
	s1 =	sshll.u32 s1, $0x11  }
0xba: {  	s0 =	sor.u32 s1, s0  }
0xbb: {  	s0 =	sadd.s32 $0x8F2B, s0  }
0xbc: {  	[sflag:s0] =	ssyncadd.remote.s32 $0x1  }
0xbd: {  	_ =	sfence.sel $0xFFFF  }
0xbe: {  	[dreg:$0x0] =	wrdreg $0xFFFFFFFF;
	(pc) =	sbr.abs _section_cstart, $3  }
0xbf: {  	[dreg:$0x1] =	wrdreg $0xFFFFFFFF  }
0xc0: {  	_ =	task.clear_ibuf [dreg:s6], $0x2FFFF;
	_ =	strace $0x9FFFFFFF  }
0xc1: {  	(tm) =	ssettm $0x7FFFFFFF  }
tec
execute0_lowered:
.L_overlay_start_1:
0x0: {  	(tag) =	ssettag $0x1  }
0x1: {  	s1 =	srdreg.scid  }
0x2: {  	s0 =	stileid.u32;
	s4 =	rddreg [dreg:$0x0]  }
0x3: {  	s2 =	simm.s32 $0x0;
	s10 =	simm.s32 $0x5400;
	s11 =	simm.s32 $0x9400  }
0x4: {  	s12 =	simm.s32 $0xD400;
	s13 =	simm.s32 $0x11400;
	s14 =	simm.s32 $0x1  }
0x5: {  	s15 =	simm.s32 $0x2;
	s16 =	simm.s32 $0x3;
	s17 =	simm.s32 $0x4  }
0x6: {  	s18 =	simm.s32 $0x5;
	s19 =	simm.s32 $0x6;
	s20 =	simm.s32 $0x7  }
0x7: {  	s21 =	simm.s32 $0x8;
	s22 =	simm.s32 $0x9;
	s23 =	simm.s32 $0xA  }
0x8: {  	s24 =	simm.s32 $0x0;
	s5 =	sand.u32 $0x1, s1;
	s1 =	rddreg [dreg:$0x1]  }
0x9: {  	s3 =	sshll.u32 s0, $0x1;
	[smem:$0x7FF] =	sst s2;
	s7 =	smul.u32 $0x28000, s0  }
0xa: {  	s3 =	sor.u32 s5, s3;
	s8 =	ssub.s32 $0x2, s5;
	s5 =	smul.u32 $0x14000, s5  }
0xb: {  	_ =	strace $0x8000004D;
	s6 =	smul.u32 $0x1400, s3;
	s9 =	sshrl.u32 s8, $0x1  }
0xc: {  	s3 =	sadd.s32 $0x2B6800, s4;
	s7 =	sadd.s32 s7, s4;
	s31 =	ssub.s32 s8, s9  }
0xd: {  	s7 =	sadd.s32 s5, s7;
	s8 =	simm.s32 $0x80;
	s6 =	sshrl.u32 s6, $0x3  }
0xe: {  	s9 =	simm.s32 $0x1400;
	s5 =	smax.u32 s31, $0x1;
	s4 =	sadd.s32 s6, s4  }
0xf: {  	s6 =	sadd.s32 $0xCE00, s7;
	s7 =	simm.s32 $0xB;
	s4 =	sadd.s32 $0x5E00, s4  }
.LBB2_1:
0x10: {  	[tilespmem:s2], [sflag:$0xB] =	stream.linear.gather [hbm4b:s4+s2], $0x1400, $0x38;
	[tilespmem:$0x15400] =	vst v63  }
0x11: {  	_ =	swait.ge [sflag:s7], $0x1400  }
0x12: {  	[sflag:s7] =	ssyncset.done $0x0  }
0x13: {  	s25 =	simm.s32 $0x0;
	[sflag:s7] =	ssyncadd.s32 $0xFFFFEC00  }
0x14: {  	[tilespmem:s9], [sflag:$0x1] =	stream.indirect.gather [hbm4b:s3+s8], $0x80, s25, s8, $0xb8;
	[tilespmem:$0x15400] =	vst v63  }
0x15: {  	s26 =	simm.s32 $0x80  }
0x16: {  	[tilespmem:s10], [sflag:$0x2] =	stream.indirect.gather [hbm4b:s3+s8], $0x80, s26, s8, $0xb8;
	[tilespmem:$0x15400] =	vst v63  }
0x17: {  	s28 =	simm.s32 $0x100  }
0x18: {  	[tilespmem:s11], [sflag:$0x3] =	stream.indirect.gather [hbm4b:s3+s8], $0x80, s28, s8, $0xb8;
	[tilespmem:$0x15400] =	vst v63  }
0x19: {  	s30 =	simm.s32 $0x180  }
0x1a: {  	[tilespmem:s12], [sflag:$0x4] =	stream.indirect.gather [hbm4b:s3+s8], $0x80, s30, s8, $0xb8;
	[tilespmem:$0x15400] =	vst v63  }
0x1b: {  	s31 =	simm.s32 $0x200  }
0x1c: {  	[tilespmem:s13], [sflag:$0x5] =	stream.indirect.gather [hbm4b:s3+s8], $0x80, s31, s8, $0xb8;
	[tilespmem:$0x15400] =	vst v63  }
0x1d: {  	_ =	swait.ge [sflag:s14], $0x4000  }
0x1e: {  	[sflag:s14] =	ssyncset.done $0x0  }
0x1f: {  	s26 =	sadd.s32 $0xFFFFE000, s6;
	[sflag:s14] =	ssyncadd.s32 $0xFFFFC000  }
0x20: {  	[hbm4b:s26+s2] =	stream.linear.scatter [tilespmem:s9], [sflag:$0x6], $0x4000, $0x38;
	[tilespmem:$0x15400] =	vst v63  }
0x21: {  	_ =	swait.ge [sflag:s15], $0x4000  }
0x22: {  	[sflag:s15] =	ssyncset.done $0x0  }
0x23: {  	s28 =	sadd.s32 $0xFFFFE800, s6;
	[sflag:s15] =	ssyncadd.s32 $0xFFFFC000  }
0x24: {  	[hbm4b:s28+s2] =	stream.linear.scatter [tilespmem:s10], [sflag:$0x7], $0x4000, $0x38;
	[tilespmem:$0x15400] =	vst v63  }
0x25: {  	_ =	swait.ge [sflag:s16], $0x4000  }
0x26: {  	[sflag:s16] =	ssyncset.done $0x0  }
0x27: {  	s30 =	sadd.s32 $0xFFFFF000, s6;
	[sflag:s16] =	ssyncadd.s32 $0xFFFFC000  }
0x28: {  	[hbm4b:s30+s2] =	stream.linear.scatter [tilespmem:s11], [sflag:$0x8], $0x4000, $0x38;
	[tilespmem:$0x15400] =	vst v63  }
0x29: {  	_ =	swait.ge [sflag:s17], $0x4000  }
0x2a: {  	[sflag:s17] =	ssyncset.done $0x0  }
0x2b: {  	s31 =	sadd.s32 $0xFFFFF800, s6;
	[sflag:s17] =	ssyncadd.s32 $0xFFFFC000  }
0x2c: {  	[hbm4b:s31+s2] =	stream.linear.scatter [tilespmem:s12], [sflag:$0x9], $0x4000, $0x38;
	[tilespmem:$0x15400] =	vst v63  }
0x2d: {  	_ =	swait.ge [sflag:s18], $0x4000  }
0x2e: {  	[sflag:s18] =	ssyncset.done $0x0  }
0x2f: {  	[sflag:s18] =	ssyncadd.s32 $0xFFFFC000  }
0x30: {  	[hbm4b:s6+s2] =	stream.linear.scatter [tilespmem:s13], [sflag:$0xA], $0x4000, $0x38;
	[tilespmem:$0x15400] =	vst v63  }
0x31: {  	_ =	swait.ge [sflag:s19], $0x4000  }
0x32: {  	[sflag:s19] =	ssyncset.done $0x0  }
0x33: {  	[sflag:s19] =	ssyncadd.s32 $0xFFFFC000  }
0x34: {  	_ =	swait.ge [sflag:s20], $0x4000  }
0x35: {  	[sflag:s20] =	ssyncset.done $0x0  }
0x36: {  	[sflag:s20] =	ssyncadd.s32 $0xFFFFC000  }
0x37: {  	_ =	swait.ge [sflag:s21], $0x4000  }
0x38: {  	[sflag:s21] =	ssyncset.done $0x0  }
0x39: {  	[sflag:s21] =	ssyncadd.s32 $0xFFFFC000  }
0x3a: {  	_ =	swait.ge [sflag:s22], $0x4000  }
0x3b: {  	[sflag:s22] =	ssyncset.done $0x0  }
0x3c: {  	[sflag:s22] =	ssyncadd.s32 $0xFFFFC000  }
0x3d: {  	s29 =	simm.s32 $0x1400;
	_ =	swait.ge [sflag:s23], $0x4000  }
0x3e: {  	s25 =	sadd.s32 $0x2800, s6;
	s26 =	simm.s32 $0xA00;
	[sflag:s23] =	ssyncset.done $0x0  }
.LBB2_2:
0x3f: {  	s30 =	sshra.s32 s26, $0x2  }
0x40: {  	[sflag:s23] =	ssyncadd.s32 $0xFFFFC000;
	s26 =	smov.u32 s29;
	s28 =	sadd.s32 $0xA00, s29  }
0x41: {  	[tilespmem:s9], [sflag:$0x1] =	stream.indirect.gather [hbm4b:s3+s8], $0x80, s30, s8, $0xb8;
	[tilespmem:$0x15400] =	vst v63  }
0x42: {  	p0 =	sne.s32 s29, $0x4600;
	s29 =	sadd.s32 $0x80, s30  }
0x43: {  	[tilespmem:s10], [sflag:$0x2] =	stream.indirect.gather [hbm4b:s3+s8], $0x80, s29, s8, $0xb8;
	[tilespmem:$0x15400] =	vst v63  }
0x44: {  	s29 =	sadd.s32 $0x100, s30  }
0x45: {  	[tilespmem:s11], [sflag:$0x3] =	stream.indirect.gather [hbm4b:s3+s8], $0x80, s29, s8, $0xb8;
	[tilespmem:$0x15400] =	vst v63  }
0x46: {  	s29 =	sadd.s32 $0x180, s30  }
0x47: {  	[tilespmem:s12], [sflag:$0x4] =	stream.indirect.gather [hbm4b:s3+s8], $0x80, s29, s8, $0xb8;
	[tilespmem:$0x15400] =	vst v63  }
0x48: {  	s29 =	sadd.s32 $0x200, s30  }
0x49: {  	[tilespmem:s13], [sflag:$0x5] =	stream.indirect.gather [hbm4b:s3+s8], $0x80, s29, s8, $0xb8;
	[tilespmem:$0x15400] =	vst v63  }
0x4a: {  	_ =	swait.ge [sflag:s14], $0x4000  }
0x4b: {  	[sflag:s14] =	ssyncset.done $0x0  }
0x4c: {  	s29 =	sadd.s32 $0xFFFFE000, s25;
	[sflag:s14] =	ssyncadd.s32 $0xFFFFC000  }
0x4d: {  	[hbm4b:s29+s2] =	stream.linear.scatter [tilespmem:s9], [sflag:$0x6], $0x4000, $0x38;
	[tilespmem:$0x15400] =	vst v63  }
0x4e: {  	_ =	swait.ge [sflag:s15], $0x4000  }
0x4f: {  	[sflag:s15] =	ssyncset.done $0x0  }
0x50: {  	s29 =	sadd.s32 $0xFFFFE800, s25;
	[sflag:s15] =	ssyncadd.s32 $0xFFFFC000  }
0x51: {  	[hbm4b:s29+s2] =	stream.linear.scatter [tilespmem:s10], [sflag:$0x7], $0x4000, $0x38;
	[tilespmem:$0x15400] =	vst v63  }
0x52: {  	_ =	swait.ge [sflag:s16], $0x4000  }
0x53: {  	[sflag:s16] =	ssyncset.done $0x0  }
0x54: {  	s29 =	sadd.s32 $0xFFFFF000, s25;
	[sflag:s16] =	ssyncadd.s32 $0xFFFFC000  }
0x55: {  	[hbm4b:s29+s2] =	stream.linear.scatter [tilespmem:s11], [sflag:$0x8], $0x4000, $0x38;
	[tilespmem:$0x15400] =	vst v63  }
0x56: {  	_ =	swait.ge [sflag:s17], $0x4000  }
0x57: {  	[sflag:s17] =	ssyncset.done $0x0  }
0x58: {  	s29 =	sadd.s32 $0xFFFFF800, s25;
	[sflag:s17] =	ssyncadd.s32 $0xFFFFC000  }
0x59: {  	[hbm4b:s29+s2] =	stream.linear.scatter [tilespmem:s12], [sflag:$0x9], $0x4000, $0x38;
	[tilespmem:$0x15400] =	vst v63  }
0x5a: {  	_ =	swait.ge [sflag:s18], $0x4000  }
0x5b: {  	[sflag:s18] =	ssyncset.done $0x0  }
0x5c: {  	[sflag:s18] =	ssyncadd.s32 $0xFFFFC000  }
0x5d: {  	[hbm4b:s25+s2] =	stream.linear.scatter [tilespmem:s13], [sflag:$0xA], $0x4000, $0x38;
	[tilespmem:$0x15400] =	vst v63  }
0x5e: {  	_ =	swait.ge [sflag:s19], $0x4000  }
0x5f: {  	[sflag:s19] =	ssyncset.done $0x0  }
0x60: {  	[sflag:s19] =	ssyncadd.s32 $0xFFFFC000  }
0x61: {  	_ =	swait.ge [sflag:s20], $0x4000  }
0x62: {  	[sflag:s20] =	ssyncset.done $0x0  }
0x63: {  	[sflag:s20] =	ssyncadd.s32 $0xFFFFC000  }
0x64: {  	_ =	swait.ge [sflag:s21], $0x4000  }
0x65: {  	[sflag:s21] =	ssyncset.done $0x0  }
0x66: {  	[sflag:s21] =	ssyncadd.s32 $0xFFFFC000  }
.Ltmp0:
0x67: {  	_ =	swait.ge [sflag:s22], $0x4000;
	(pc) =	sbr.rel @p0 .LBB2_2-.Ltmp0, $4  }
0x68: {  	[sflag:s22] =	ssyncset.done $0x0  }
0x69: {  	[sflag:s22] =	ssyncadd.s32 $0xFFFFC000  }
0x6a: {  	_ =	swait.ge [sflag:s23], $0x4000  }
0x6b: {  	s29 =	smov.u32 s28;
	s25 =	sadd.s32 $0x2800, s25;
	[sflag:s23] =	ssyncset.done $0x0  }
0x6c: {  	s26 =	sshra.s32 s26, $0x2;
	[sflag:s23] =	ssyncadd.s32 $0xFFFFC000  }
0x6d: {  	[tilespmem:s9], [sflag:$0x1] =	stream.indirect.gather [hbm4b:s3+s8], $0x80, s26, s8, $0xb8;
	[tilespmem:$0x15400] =	vst v63  }
0x6e: {  	s28 =	sadd.s32 $0x80, s26  }
0x6f: {  	[tilespmem:s10], [sflag:$0x2] =	stream.indirect.gather [hbm4b:s3+s8], $0x80, s28, s8, $0xb8;
	[tilespmem:$0x15400] =	vst v63  }
0x70: {  	s30 =	sadd.s32 $0x100, s26  }
0x71: {  	[tilespmem:s11], [sflag:$0x3] =	stream.indirect.gather [hbm4b:s3+s8], $0x80, s30, s8, $0xb8;
	[tilespmem:$0x15400] =	vst v63  }
0x72: {  	s31 =	sadd.s32 $0x180, s26  }
0x73: {  	[tilespmem:s12], [sflag:$0x4] =	stream.indirect.gather [hbm4b:s3+s8], $0x80, s31, s8, $0xb8;
	[tilespmem:$0x15400] =	vst v63  }
0x74: {  	s26 =	sadd.s32 $0x200, s26  }
0x75: {  	[tilespmem:s13], [sflag:$0x5] =	stream.indirect.gather [hbm4b:s3+s8], $0x80, s26, s8, $0xb8;
	[tilespmem:$0x15400] =	vst v63  }
0x76: {  	_ =	swait.ge [sflag:s14], $0x4000  }
0x77: {  	[sflag:s14] =	ssyncset.done $0x0  }
0x78: {  	s28 =	sadd.s32 $0xFFFFE000, s25;
	[sflag:s14] =	ssyncadd.s32 $0xFFFFC000  }
0x79: {  	[hbm4b:s28+s2] =	stream.linear.scatter [tilespmem:s9], [sflag:$0x6], $0x4000, $0x38;
	[tilespmem:$0x15400] =	vst v63  }
0x7a: {  	_ =	swait.ge [sflag:s15], $0x4000  }
0x7b: {  	[sflag:s15] =	ssyncset.done $0x0  }
0x7c: {  	s29 =	sadd.s32 $0xFFFFE800, s25;
	[sflag:s15] =	ssyncadd.s32 $0xFFFFC000  }
0x7d: {  	[hbm4b:s29+s2] =	stream.linear.scatter [tilespmem:s10], [sflag:$0x7], $0x4000, $0x38;
	[tilespmem:$0x15400] =	vst v63  }
0x7e: {  	_ =	swait.ge [sflag:s16], $0x4000  }
0x7f: {  	[sflag:s16] =	ssyncset.done $0x0  }
0x80: {  	s30 =	sadd.s32 $0xFFFFF000, s25;
	[sflag:s16] =	ssyncadd.s32 $0xFFFFC000  }
0x81: {  	[hbm4b:s30+s2] =	stream.linear.scatter [tilespmem:s11], [sflag:$0x8], $0x4000, $0x38;
	[tilespmem:$0x15400] =	vst v63  }
0x82: {  	_ =	swait.ge [sflag:s17], $0x4000  }
0x83: {  	[sflag:s17] =	ssyncset.done $0x0  }
0x84: {  	s31 =	sadd.s32 $0xFFFFF800, s25;
	[sflag:s17] =	ssyncadd.s32 $0xFFFFC000  }
0x85: {  	[hbm4b:s31+s2] =	stream.linear.scatter [tilespmem:s12], [sflag:$0x9], $0x4000, $0x38;
	[tilespmem:$0x15400] =	vst v63  }
0x86: {  	_ =	swait.ge [sflag:s18], $0x4000  }
0x87: {  	[sflag:s18] =	ssyncset.done $0x0  }
0x88: {  	[sflag:s18] =	ssyncadd.s32 $0xFFFFC000  }
0x89: {  	[hbm4b:s25+s2] =	stream.linear.scatter [tilespmem:s13], [sflag:$0xA], $0x4000, $0x38;
	[tilespmem:$0x15400] =	vst v63  }
0x8a: {  	_ =	swait.ge [sflag:s19], $0x4000  }
0x8b: {  	[sflag:s19] =	ssyncset.done $0x0  }
0x8c: {  	[sflag:s19] =	ssyncadd.s32 $0xFFFFC000  }
0x8d: {  	_ =	swait.ge [sflag:s20], $0x4000  }
0x8e: {  	[sflag:s20] =	ssyncset.done $0x0  }
0x8f: {  	[sflag:s20] =	ssyncadd.s32 $0xFFFFC000  }
0x90: {  	_ =	swait.ge [sflag:s21], $0x4000  }
0x91: {  	[sflag:s21] =	ssyncset.done $0x0  }
0x92: {  	s24 =	sadd.s32 $0x1, s24;
	[sflag:s21] =	ssyncadd.s32 $0xFFFFC000  }
0x93: {  	p0 =	sne.s32 s24, s5;
	_ =	swait.ge [sflag:s22], $0x4000  }
.Ltmp1:
0x94: {  	[sflag:s22] =	ssyncset.done $0x0;
	(pc) =	sbr.rel @p0 .LBB2_1-.Ltmp1, $4  }
0x95: {  	[sflag:s22] =	ssyncadd.s32 $0xFFFFC000  }
0x96: {  	_ =	swait.ge [sflag:s23], $0x4000  }
0x97: {  	[sflag:s23] =	ssyncset.done $0x0  }
0x98: {  	[sflag:s23] =	ssyncadd.s32 $0xFFFFC000  }
0x99: {  	_ =	sfence.sel $0x180000  }
0x9a: {  	[bflag:$0x0] =	sbarrier.arrive $0xFFFF  }
0x9b: {  	p0 =	sne.s32 s0, $0x0;
	_ =	strace $0x9000004D  }
0x9c: {  	s0 =	sadd.s32 @!p0 $0x100000, s1;
	[bflag:$0x2] =	sbarrier.arrive $0xFFFF  }
0x9d: {  	[sflag:s0] =	ssyncadd.tile.s32 @!p0 $0x1;
	_ =	shalt  }
.Lfunc_end2:
_tile_overlayer_lowered:
.L_overlay_start_2:
0x9e: {  	(tag) =	ssettag $0x2  }
0x9f: {  	s0 =	rddreg [dreg:$0x0];
	s2 =	stileid.u32  }
0xa0: {  	s1 =	rddreg [dreg:$0x1];
	p0 =	sne.s32 s2, $0x0  }
0xa1: {  	s3 =	rddreg [dreg:$0x2];
	[bflag:$0x3] =	sbarrier.arrive $0xFFFF;
	s2 =	simm.s32 @!p0 $0x1C0B  }
0xa2: {  	[timem:s3], [sflag:s2] =	dma.local @!p0 [hbm:s0], s1  }
0xa3: {  	s0 =	simm.s32 @!p0 $0xB  }
0xa4: {  	_ =	swait.ge @!p0 [sflag:s0], s1  }
0xa5: {  	s1 =	ssub.s32 @!p0 $0x0, s1;
	[sflag:s0] =	ssyncset.done @!p0 $0x0  }
0xa6: {  	[sflag:s0] =	ssyncadd.s32 @!p0 s1  }
0xa7: {  	[bflag:$0x3] =	sbarrier.arrive $0xFFFF  }
0xa8: {  	_ =	shalt  }

// kernel: kernel.20.cloned.1.call-start
scs
__scs_entry_jumppad:
0x0: {  	(pc) =	sbr.rel $0x88, $3  }
0x1: {  	(tag) =	ssettag $0x0;
	lr =	simm.s32 $0x1  }
0x2: {  	[smem:$0x3F81] =	sst lr;
	_ =	strace $0xD0000000  }
0x3: {  	_ = 	snop  }
0x4: {  	_ = 	snop  }
0x5: {  	_ = 	snop  }
0x6: {  	_ = 	snop  }
0x7: {  	_ = 	snop  }
__scs_overlays_trampoline_lowered:
0x8: {  	[smem:$0x3F90] =	sst s0  }
0x9: {  	[smem:$0x3F91] =	sst s1  }
0xa: {  	[smem:$0x3F92] =	sst s2  }
0xb: {  	[smem:$0x3F93] =	sst s3  }
0xc: {  	[smem:$0x3F94] =	sst s4  }
0xd: {  	[smem:$0x3F95] =	sst s5  }
0xe: {  	[smem:$0x3F96] =	sst s6  }
0xf: {  	[smem:$0x3F97] =	sst s7  }
0x10: {  	[smem:$0x3F98] =	sst s8  }
0x11: {  	[smem:$0x3F99] =	sst s9;
	s0 =	simm.s32 @!p0 $0x0  }
0x12: {  	s1 =	sld [smem:$0x3F7F];
	s0 =	simm.s32 @p0 $0x1  }
0x13: {  	[smem:$0x3F9A] =	sst s0;
	s0 =	simm.s32 @!p1 $0x0  }
0x14: {  	s2 =	sld [smem:$0x3F7E];
	s0 =	simm.s32 @p1 $0x1  }
0x15: {  	[smem:$0x3F9B] =	sst s0;
	s0 =	simm.s32 @!p2 $0x0  }
0x16: {  	s3 =	sld [smem:$0x3FDB];
	s0 =	simm.s32 @p2 $0x1  }
0x17: {  	s4 =	simm.s32 $0x1BF5;
	[smem:$0x3F9D] =	sst s0  }
0x18: {  	s0 =	sld [smem:$0x3F80];
	_ =	swait.ge [sflag:s4], $0x0  }
0x19: {  	s7 =	sld [smem:$0x3F81]  }
0x1a: {  	s8 =	sadd.s32 $0xFFFFE003, lr  }
0x1b: {  	s9 =	sadd.s32 $0xFFFFFEF7, lr;
	s5 =	simm.s32 $0xFFFFFFFF;
	p2 =	slt.u32 s8, $0xFFFFF086  }
0x1c: {  	p1 =	slt.u32 s9, $0xF7A;
	s5 =	simm.s32 @!p2 $0x0  }
0x1d: {  	s5 =	simm.s32 @p1 $0x1;
	p0 =	seq.s32 s7, s2  }
0x1e: {  	s7 =	smul.u32 @!p0 $0xF7A, s2;
	p2 =	seq.s32 @!p0 s5, $0x0  }
0x1f: {  	s9 =	smul.u32 $0xF7A, s1;
	s8 =	simm.s32 @!p0 $0x1BF5;
	p2 =	por !p2, p0  }
0x20: {  	[sflag:s8] =	ssyncset.s32 @!p0 $0xFFFFF086;
	s6 =	sadd.s32 @!p0 s3, s7;
	s7 =	simm.s32 @!p0 $0x108  }
0x21: {  	s3 =	sadd.s32 s3, s9;
	s6 =	sadd.s32 @!p0 $0x88, s6;
	s7 =	simm.s32 @p2 $0x1082  }
0x22: {  	[simem:s7], [sflag:s8] =	dma.local @!p0 [hbm:s6], $0xF7A  }
0x23: {  	s9 =	sor.u32 $0xD0000000, s2;
	s6 =	simm.s32 $0x108;
	_ =	swait.ge @!p0 [sflag:s8], $0x0  }
0x24: {  	s3 =	sadd.s32 $0x88, s3;
	s6 =	simm.s32 @!p1 $0x1082;
	[sflag:s4] =	ssyncset.s32 $0xFFFFF086  }
0x25: {  	[simem:s6], [sflag:s4] =	dma.local [hbm:s3], $0xF7A  }
0x26: {  	[smem:$0x3F81] =	sst s1;
	(tag) =	ssettag s2;
	_ =	strace s9  }
0x27: {  	s1 =	sld [smem:$0x3F91]  }
0x28: {  	s2 =	sld [smem:$0x3F92]  }
0x29: {  	s4 =	sld [smem:$0x3F94]  }
0x2a: {  	p0 =	seq.s32 s5, $0x0;
	s5 =	sld [smem:$0x3F95]  }
0x2b: {  	s6 =	sld [smem:$0x3F96]  }
0x2c: {  	s7 =	sld [smem:$0x3F97]  }
0x2d: {  	s3 =	simm.s32 $0x108;
	s8 =	sld [smem:$0x3F98]  }
0x2e: {  	s3 =	simm.s32 @!p0 $0x1082;
	s9 =	sld [smem:$0x3F99]  }
0x2f: {  	lr =	sadd.s32 s0, s3;
	s0 =	sld [smem:$0x3F90]  }
0x30: {  	s3 =	sld [smem:$0x3F93]  }
0x31: {  	[smem:$0x3F9C] =	sst s10  }
0x32: {  	s10 =	sld [smem:$0x3F9A];
	_ =	sdelay $0x3  }
0x33: {  	p0 =	seq.s32 s10, $0x1;
	s10 =	sld [smem:$0x3F9C];
	_ =	sdelay $0x3  }
0x34: {  	[smem:$0x3F9C] =	sst s10  }
0x35: {  	s10 =	sld [smem:$0x3F9B];
	_ =	sdelay $0x3  }
0x36: {  	p1 =	seq.s32 s10, $0x1;
	s10 =	sld [smem:$0x3F9C];
	_ =	sdelay $0x3  }
0x37: {  	[smem:$0x3F9C] =	sst s10  }
0x38: {  	s10 =	sld [smem:$0x3F9D]  }
0x39: {  	_ = 	snop;
	(pc) =	sbr.ind lr, $3  }
0x3a: {  	_ = 	snop  }
0x3b: {  	_ = 	snop  }
0x3c: {  	p2 =	seq.s32 s10, $0x1;
	s10 =	sld [smem:$0x3F9C]  }
0x3d: {  	_ =	shalt  }
0x3e: {  	_ =	shalt  }
0x3f: {  	_ =	shalt  }
0x40: {  	_ =	shalt  }
0x41: {  	_ =	shalt  }
0x42: {  	_ =	shalt  }
0x43: {  	_ =	shalt  }
0x44: {  	_ =	shalt  }
0x45: {  	_ =	shalt  }
0x46: {  	_ =	shalt  }
0x47: {  	_ =	shalt  }
0x48: {  	_ =	shalt  }
0x49: {  	_ =	shalt  }
0x4a: {  	_ =	shalt  }
0x4b: {  	_ =	shalt  }
0x4c: {  	_ =	shalt  }
0x4d: {  	_ =	shalt  }
0x4e: {  	_ =	shalt  }
0x4f: {  	_ =	shalt  }
0x50: {  	_ =	shalt  }
0x51: {  	_ =	shalt  }
0x52: {  	_ =	shalt  }
0x53: {  	_ =	shalt  }
0x54: {  	_ =	shalt  }
0x55: {  	_ =	shalt  }
0x56: {  	_ =	shalt  }
0x57: {  	_ =	shalt  }
0x58: {  	_ =	shalt  }
0x59: {  	_ =	shalt  }
0x5a: {  	_ =	shalt  }
0x5b: {  	_ =	shalt  }
0x5c: {  	_ =	shalt  }
0x5d: {  	_ =	shalt  }
0x5e: {  	_ =	shalt  }
0x5f: {  	_ =	shalt  }
0x60: {  	_ =	shalt  }
0x61: {  	_ =	shalt  }
0x62: {  	_ =	shalt  }
0x63: {  	_ =	shalt  }
0x64: {  	_ =	shalt  }
0x65: {  	_ =	shalt  }
0x66: {  	_ =	shalt  }
0x67: {  	_ =	shalt  }
0x68: {  	_ =	shalt  }
0x69: {  	_ =	shalt  }
0x6a: {  	_ =	shalt  }
0x6b: {  	_ =	shalt  }
0x6c: {  	_ =	shalt  }
0x6d: {  	_ =	shalt  }
0x6e: {  	_ =	shalt  }
0x6f: {  	_ =	shalt  }
0x70: {  	_ =	shalt  }
0x71: {  	_ =	shalt  }
0x72: {  	_ =	shalt  }
0x73: {  	_ =	shalt  }
0x74: {  	_ =	shalt  }
0x75: {  	_ =	shalt  }
0x76: {  	_ =	shalt  }
0x77: {  	_ =	shalt  }
0x78: {  	_ =	shalt  }
0x79: {  	_ =	shalt  }
0x7a: {  	_ =	shalt  }
0x7b: {  	_ =	shalt  }
0x7c: {  	_ =	shalt  }
0x7d: {  	_ =	shalt  }
0x7e: {  	_ =	shalt  }
0x7f: {  	_ =	shalt  }
0x80: {  	_ =	shalt  }
0x81: {  	_ =	shalt  }
0x82: {  	_ =	shalt  }
0x83: {  	_ =	shalt  }
0x84: {  	_ =	shalt  }
0x85: {  	_ =	shalt  }
0x86: {  	_ =	shalt  }
0x87: {  	_ =	shalt  }
.Lfunc_end0:
.L_simem_size_0:
called_computation.3_lowered:
.L_overlay_start_0:
0x88: {  	s2 =	sld [smem:$0x3FD9]  }
0x89: {  	s3 =	sld [smem:$0x3FFE];
	_ =	sdelay $0x1  }
0x8a: {  	s1 =	srdreg.scid  }
0x8b: {  	s0 =	sand.u32 $0x1, s1  }
0x8c: {  	s16 =	sshll.u32 s0, $0xA;
	s2 =	sadd.s32 s3, s2  }
0x8d: {  	s2 =	sadd.s32 s2, s16  }
0x8e: {  	[smem:$0x3FA8] =	sst s2  }
0x8f: {  	_ = 	snop  }
0x90: {  	(tm) =	ssettm $0x1  }
0x91: {  	s17 =	sld [smem:$0x3FFB];
	_ =	sdelay $0x3  }
0x92: {  	_ =	strace s17  }
0x93: {  	s2 =	sld [smem:$0x3FFC];
	_ =	sdelay $0x3  }
0x94: {  	_ =	strace s2  }
0x95: {  	s2 =	sld [smem:$0x3FFD];
	_ =	sdelay $0x3  }
0x96: {  	_ =	strace s2  }
0x97: {  	_ =	strace $0x8FFFFFFF  }
0x98: {  	s18 =	sld [smem:$0x3FDB];
	_ =	sdelay $0x1  }
0x99: {  	s19 =	simm.s32 $_scs_section_size  }
0x9a: {  	s4 =	simm.s32 $_size__tile_overlayer_lowered;
	s5 =	simm.s32 $_tile_overlayer_lowered  }
0x9b: {  	s22 =	simm.s32 $0x1BFF;
	s21 =	sshll.u32 s5, $0x1;
	s2 =	sadd.s32 s19, s18  }
0x9c: {  	s6 =	simm.s32 $0x0;
	s20 =	sshll.u32 s4, $0x1;
	s4 =	sadd.s32 s21, s2  }
0x9d: {  	[timem:s6], [sflag:s22] =	dma.local [hbm:s4], s20  }
0x9e: {  	_ =	swait.ge [sflag:s22], s20  }
0x9f: {  	s3 =	ssub.s32 $0x0, s20;
	[sflag:s22] =	ssyncset.done $0x0  }
0xa0: {  	[sflag:s22] =	ssyncadd.s32 s3;
	_ =	sdelay $0x1  }
0xa1: {  	s23 =	simm.s32 $0x1B8B  }
0xa2: {  	_ =	swait.ge [sflag:s23], $0x1  }
0xa3: {  	[sflag:s23] =	ssyncset.done $0x0  }
0xa4: {  	s25 =	simm.s32 $0x1B8E;
	s24 =	sld [smem:$0x3FFE];
	[sflag:s23] =	ssyncadd.s32 $0xFFFFFFFF  }
0xa5: {  	s26 =	simm.s32 $execute0_lowered;
	[smem:$0x3FD2] =	sst s25  }
0xa6: {  	s4 =	sshll.u32 s26, $0x1;
	_ =	strace $0x8000004F;
	[dreg:$0x1] =	wrdreg $0xFFFFFFFF  }
0xa7: {  	s28 =	simm.s32 $_size_execute0_lowered;
	s2 =	sadd.s32 s2, s4;
	[dreg:$0x0] =	wrdreg $0x0  }
0xa8: {  	s4 =	sshll.u32 s28, $0x1;
	[dreg:$0x2] =	wrdreg s2  }
0xa9: {  	[dreg:$0x3] =	wrdreg s4  }
0xaa: {  	[dreg:$0x4] =	wrdreg $0xC0  }
0xab: {  	_ =	task [dreg:s6], $0x5FFFF  }
0xac: {  	[dreg:$0x1] =	wrdreg $0xFFFFFFFF  }
0xad: {  	[dreg:$0x0] =	wrdreg $0x60  }
0xae: {  	[dreg:$0x2] =	wrdreg s24  }
0xaf: {  	[dreg:$0x3] =	wrdreg $0x94000  }
0xb0: {  	[dreg:$0x4] =	wrdreg $0x9  }
0xb1: {  	_ =	task.clear_ibuf [dreg:s6], $0x5FFFF;
	_ =	strace $0x9000004F  }
0xb2: {  	s29 =	simm.s32 $0x9;
	_ =	strace $0x80000051  }
0xb3: {  	_ =	swait.ge [sflag:s29], $0x1  }
0xb4: {  	[sflag:s29] =	ssyncadd.s32 $0xFFFFFFFF  }
0xb5: {  	_ =	strace $0x90000051  }
0xb6: {  	_ =	sfence  }
0xb7: {  	s30 =	sld [smem:$0x0];
	_ =	sdelay $0x2  }
0xb8: {  	s31 =	sshll.u32 s1, $0xD;
	s1 =	sshrl.u32 s1, $0x2  }
0xb9: {  	s3 =	sand.u32 $0x4000, s31;
	s1 =	sadd.s32 s1, s30  }
0xba: {  	s0 =	sor.u32 s3, s0;
	s1 =	sshll.u32 s1, $0x11  }
0xbb: {  	s0 =	sor.u32 s1, s0  }
0xbc: {  	s0 =	sadd.s32 $0x8F2B, s0  }
0xbd: {  	[sflag:s0] =	ssyncadd.remote.s32 $0x1  }
0xbe: {  	_ =	sfence.sel $0xFFFF  }
0xbf: {  	[dreg:$0x0] =	wrdreg $0xFFFFFFFF;
	(pc) =	sbr.abs _section_cstart, $3  }
0xc0: {  	[dreg:$0x1] =	wrdreg $0xFFFFFFFF  }
0xc1: {  	_ =	task.clear_ibuf [dreg:s6], $0x2FFFF;
	_ =	strace $0x9FFFFFFF  }
0xc2: {  	(tm) =	ssettm $0x7FFFFFFF  }
0xc3: {  	_ =	shalt  }
tec
execute0_lowered:
.L_overlay_start_1:
0x0: {  	(tag) =	ssettag $0x1  }
0x1: {  	s1 =	srdreg.scid;
	s0 =	stileid.u32  }
0x2: {  	s5 =	rddreg [dreg:$0x0];
	s8 =	smul.u32 $0x14000, s0  }
0x3: {  	s2 =	rddreg [dreg:$0x1];
	s3 =	simm.s32 $0x0;
	s11 =	smul.u32 $0x50000, s0  }
0x4: {  	s16 =	simm.s32 $0x80;
	s17 =	simm.s32 $0x2;
	s13 =	smul.u32 $0x140000, s0  }
0x5: {  	s18 =	simm.s32 $0x3;
	s7 =	sand.u32 $0x1, s1;
	s15 =	smul.u32 $0x28000, s0  }
0x6: {  	s19 =	simm.s32 $0x4;
	s20 =	simm.s32 $0x0;
	s6 =	smul.u32 $0x140000, s7  }
0x7: {  	s23 =	sshll.u32 s0, $0x1;
	[smem:$0x7FF] =	sst s3;
	s28 =	smul.u32 $0xA0000, s7  }
0x8: {  	s9 =	sadd.s32 $0x7AA000, s5;
	s1 =	sor.u32 s7, s23;
	s30 =	smul.u32 $0x14000, s7  }
0x9: {  	s29 =	sshll.u32 s0, $0x6;
	s24 =	ssub.s32 $0x2, s7;
	s4 =	smul.u32 $0x1400, s1  }
0xa: {  	s1 =	rddreg [dreg:$0x2];
	_ =	strace $0x80000050;
	s25 =	sshrl.u32 s24, $0x1  }
0xb: {  	s26 =	sshrl.u32 s11, $0x2;
	s31 =	sadd.s32 s15, s9;
	s15 =	simm.s32 $0x1  }
0xc: {  	s6 =	sadd.s32 s8, s6;
	s8 =	ssub.s32 s24, s25;
	s14 =	sadd.s32 s26, s2  }
0xd: {  	s11 =	sadd.s32 s28, s13;
	s13 =	simm.s32 $0x1400;
	s4 =	sshrl.u32 s4, $0x3  }
0xe: {  	s6 =	sshrl.u32 s6, $0x3;
	s8 =	smax.u32 s8, $0x1;
	s11 =	sshrl.u32 s11, $0x3  }
0xf: {  	s10 =	sadd.s32 s4, s5;
	s4 =	sadd.s32 $0x2B4000, s5;
	s12 =	sadd.s32 s6, s5  }
0x10: {  	s5 =	sor.u32 $0x1C05, s29;
	s9 =	sadd.s32 s11, s9;
	s11 =	sshrl.u32 s14, $0x3  }
0x11: {  	s14 =	simm.s32 $0x5400;
	s6 =	sadd.s32 $0x525000, s10;
	s10 =	sadd.s32 s30, s31  }
0x12: {  	s7 =	sadd.s32 $0x2DDA00, s12;
	s12 =	simm.s32 $0x5;
	s10 =	sadd.s32 $0x800, s10  }
.LBB2_1:
0x13: {  	[spmem:s11], [sflag:s5] =	dma.local [hbm:s4], $0x2800  }
0x14: {  	_ =	swait.ge [sflag:s12], $0x2800  }
0x15: {  	[sflag:s12] =	ssyncset.done $0x0  }
0x16: {  	[sflag:s12] =	ssyncadd.s32 $0xFFFFD800  }
0x17: {  	[tilespmem:s3], [sflag:$0x5] =	stream.linear.gather [hbm4b:s6+s3], $0x1400, $0x38;
	[tilespmem:$0x1D400] =	vst v63  }
0x18: {  	_ =	swait.ge [sflag:s12], $0x1400  }
0x19: {  	[sflag:s12] =	ssyncset.done $0x0  }
0x1a: {  	[sflag:s12] =	ssyncadd.s32 $0xFFFFEC00  }
0x1b: {  	s21 =	sadd.s32 $0x0, s9;
	[bflag:$0x0] =	sbarrier.arrive $0xFFFF  }
0x1c: {  	[tilespmem:s13], [sflag:$0x1] =	stream.linear.gather [hbm4b:s21+s3], $0x4000, $0x38;
	[tilespmem:$0x1D400] =	vst v63  }
0x1d: {  	s30 =	sadd.s32 $0x0, s10  }
0x1e: {  	[tilespmem:s14], [sflag:$0x2] =	stream.linear.gather [hbm4b:s30+s3], $0x4000, $0x38;
	[tilespmem:$0x1D400] =	vst v63  }
0x1f: {  	_ =	swait.ge [sflag:s15], $0x4000  }
0x20: {  	[sflag:s15] =	ssyncset.done $0x0  }
0x21: {  	[sflag:s15] =	ssyncadd.s32 $0xFFFFC000  }
0x22: {  	[spmem:s2] =	stream.indirect.scatter.add.f32 [tilespmem:s13], [sflag:$0x3], $0x80, s3, s16, $0xb8;
	[tilespmem:$0x1D400] =	vst v63  }
0x23: {  	_ =	swait.ge [sflag:s17], $0x4000  }
0x24: {  	[sflag:s17] =	ssyncset.done $0x0  }
0x25: {  	s31 =	simm.s32 $0x80;
	[sflag:s17] =	ssyncadd.s32 $0xFFFFC000  }
0x26: {  	[spmem:s2] =	stream.indirect.scatter.add.f32 [tilespmem:s14], [sflag:$0x4], $0x80, s31, s16, $0xb8;
	[tilespmem:$0x1D400] =	vst v63  }
0x27: {  	_ =	swait.ge [sflag:s18], $0x4000  }
0x28: {  	[sflag:s18] =	ssyncset.done $0x0  }
0x29: {  	[sflag:s18] =	ssyncadd.s32 $0xFFFFC000  }
0x2a: {  	s22 =	simm.s32 $0x1000;
	_ =	swait.ge [sflag:s19], $0x4000  }
0x2b: {  	s23 =	simm.s32 $0x2000;
	s21 =	simm.s32 $0x100;
	[sflag:s19] =	ssyncset.done $0x0  }
.LBB2_2:
0x2c: {  	s24 =	sadd.s32 s22, s9  }
0x2d: {  	[sflag:s19] =	ssyncadd.s32 $0xFFFFC000;
	s25 =	smov.u32 s23;
	s26 =	sadd.s32 $0x1000, s23  }
0x2e: {  	[tilespmem:s13], [sflag:$0x1] =	stream.linear.gather [hbm4b:s24+s3], $0x4000, $0x38;
	[tilespmem:$0x1D400] =	vst v63  }
0x2f: {  	p0 =	sne.s32 s23, $0x13000;
	s23 =	sadd.s32 s22, s10;
	s22 =	smov.u32 s25  }
0x30: {  	[tilespmem:s14], [sflag:$0x2] =	stream.linear.gather [hbm4b:s23+s3], $0x4000, $0x38;
	[tilespmem:$0x1D400] =	vst v63  }
0x31: {  	_ =	swait.ge [sflag:s15], $0x4000  }
0x32: {  	[sflag:s15] =	ssyncset.done $0x0  }
0x33: {  	[sflag:s15] =	ssyncadd.s32 $0xFFFFC000  }
0x34: {  	[spmem:s2] =	stream.indirect.scatter.add.f32 [tilespmem:s13], [sflag:$0x3], $0x80, s21, s16, $0xb8;
	[tilespmem:$0x1D400] =	vst v63  }
0x35: {  	_ =	swait.ge [sflag:s17], $0x4000  }
0x36: {  	[sflag:s17] =	ssyncset.done $0x0  }
0x37: {  	s23 =	sadd.s32 $0x80, s21;
	[sflag:s17] =	ssyncadd.s32 $0xFFFFC000  }
0x38: {  	[spmem:s2] =	stream.indirect.scatter.add.f32 [tilespmem:s14], [sflag:$0x4], $0x80, s23, s16, $0xb8;
	[tilespmem:$0x1D400] =	vst v63  }
.Ltmp0:
0x39: {  	_ =	swait.ge [sflag:s18], $0x4000;
	(pc) =	sbr.rel @p0 .LBB2_2-.Ltmp0, $4  }
0x3a: {  	[sflag:s18] =	ssyncset.done $0x0  }
0x3b: {  	[sflag:s18] =	ssyncadd.s32 $0xFFFFC000  }
0x3c: {  	_ =	swait.ge [sflag:s19], $0x4000  }
0x3d: {  	s21 =	sadd.s32 $0x100, s21;
	s23 =	smov.u32 s26;
	[sflag:s19] =	ssyncset.done $0x0  }
0x3e: {  	s23 =	sadd.s32 s22, s9;
	[sflag:s19] =	ssyncadd.s32 $0xFFFFC000  }
0x3f: {  	[tilespmem:s13], [sflag:$0x1] =	stream.linear.gather [hbm4b:s23+s3], $0x4000, $0x38;
	[tilespmem:$0x1D400] =	vst v63  }
0x40: {  	s30 =	sadd.s32 s22, s10  }
0x41: {  	[tilespmem:s14], [sflag:$0x2] =	stream.linear.gather [hbm4b:s30+s3], $0x4000, $0x38;
	[tilespmem:$0x1D400] =	vst v63  }
0x42: {  	_ =	swait.ge [sflag:s15], $0x4000  }
0x43: {  	[sflag:s15] =	ssyncset.done $0x0  }
0x44: {  	[sflag:s15] =	ssyncadd.s32 $0xFFFFC000  }
0x45: {  	[spmem:s2] =	stream.indirect.scatter.add.f32 [tilespmem:s13], [sflag:$0x3], $0x80, s21, s16, $0xb8;
	[tilespmem:$0x1D400] =	vst v63  }
0x46: {  	_ =	swait.ge [sflag:s17], $0x4000  }
0x47: {  	[sflag:s17] =	ssyncset.done $0x0  }
0x48: {  	s31 =	sadd.s32 $0x80, s21;
	[sflag:s17] =	ssyncadd.s32 $0xFFFFC000  }
0x49: {  	[spmem:s2] =	stream.indirect.scatter.add.f32 [tilespmem:s14], [sflag:$0x4], $0x80, s31, s16, $0xb8;
	[tilespmem:$0x1D400] =	vst v63  }
0x4a: {  	_ =	swait.ge [sflag:s18], $0x4000  }
0x4b: {  	[sflag:s18] =	ssyncset.done $0x0  }
0x4c: {  	[sflag:s18] =	ssyncadd.s32 $0xFFFFC000  }
0x4d: {  	_ =	swait.ge [sflag:s19], $0x4000  }
0x4e: {  	s20 =	sadd.s32 $0x1, s20;
	[sflag:s19] =	ssyncset.done $0x0  }
0x4f: {  	p0 =	sne.s32 s20, s8;
	[sflag:s19] =	ssyncadd.s32 $0xFFFFC000  }
.Ltmp1:
0x50: {  	[bflag:$0x0] =	sbarrier.arrive $0xFFFF;
	(pc) =	sbr.rel @p0 .LBB2_1-.Ltmp1, $4  }
0x51: {  	[hbm:s7], [sflag:s5] =	dma.local [spmem:s11], $0x2800  }
0x52: {  	_ =	swait.ge [sflag:s12], $0x2800  }
0x53: {  	[sflag:s12] =	ssyncset.done $0x0  }
0x54: {  	[sflag:s12] =	ssyncadd.s32 $0xFFFFD800  }
0x55: {  	_ =	sfence.sel $0x180000  }
0x56: {  	[bflag:$0x0] =	sbarrier.arrive $0xFFFF  }
0x57: {  	p0 =	sne.s32 s0, $0x0;
	_ =	strace $0x90000050  }
0x58: {  	s0 =	sadd.s32 @!p0 $0x100000, s1;
	[bflag:$0x2] =	sbarrier.arrive $0xFFFF  }
0x59: {  	[sflag:s0] =	ssyncadd.tile.s32 @!p0 $0x1;
	_ =	shalt  }
.Lfunc_end2:
_tile_overlayer_lowered:
.L_overlay_start_2:
0x5a: {  	(tag) =	ssettag $0x2  }
0x5b: {  	s0 =	rddreg [dreg:$0x0];
	s2 =	stileid.u32  }
0x5c: {  	s1 =	rddreg [dreg:$0x1];
	p0 =	sne.s32 s2, $0x0  }
0x5d: {  	s3 =	rddreg [dreg:$0x2];
	[bflag:$0x3] =	sbarrier.arrive $0xFFFF;
	s2 =	simm.s32 @!p0 $0x1C05  }
0x5e: {  	[timem:s3], [sflag:s2] =	dma.local @!p0 [hbm:s0], s1  }
0x5f: {  	s0 =	simm.s32 @!p0 $0x5  }
0x60: {  	_ =	swait.ge @!p0 [sflag:s0], s1  }
0x61: {  	s1 =	ssub.s32 @!p0 $0x0, s1;
	[sflag:s0] =	ssyncset.done @!p0 $0x0  }
0x62: {  	[sflag:s0] =	ssyncadd.s32 @!p0 s1  }
0x63: {  	[bflag:$0x3] =	sbarrier.arrive $0xFFFF  }
0x64: {  	_ =	shalt  }

</sc_bundles>
